<compile_context>
chip_gen: v7x
topology: tpu7x:2x2x1
jax: 0.10.2.dev20260603
libtpu: 0.0.44.dev20260713+nightly
codegen_flags: <defaults>
</compile_context>

<pallas_src>
import functools
import math

import numpy as np
import jax
import jax.numpy as jnp
from jax import lax
from jax.experimental import pallas as pl
from jax.experimental.pallas import tpu as pltpu
from jax.experimental.pallas import tpu_sc as plsc


def _thresh_sq() -> float:
    t = np.float32(math.pi * 3.0 / 4.0)
    x = np.float32(t * t)
    while np.float32(np.sqrt(x)) > t:
        x = np.nextafter(x, np.float32(0.0))
    while np.float32(np.sqrt(np.nextafter(x, np.float32(np.inf)))) <= t:
        x = np.nextafter(x, np.float32(np.inf))
    return float(x)


_T2 = _thresh_sq()

_NW = 32
_L = 16
_NJ = 64


def _sc_body(z_hbm, out_hbm, buf0, buf1, ov0, ov1, sem0, sem1, osem0, osem1):
    j_w = _JS // _NW
    nstep = j_w // _NJ
    wid = lax.axis_index("s") * 2 + lax.axis_index("c")
    j0 = wid * j_w

    bufs = (buf0, buf1)
    sems = (sem0, sem1)
    ovs = (ov0, ov1)
    osems = (osem0, osem1)

    def start(step):
        src = z_hbm.at[0, pl.ds(j0 + step * _NJ, _NJ), pl.ds(0, 384)]
        return pltpu.async_copy(src, bufs[step % 2], sems[step % 2])

    def out_slice(step):
        out_off = pl.multiple_of((j0 + step * _NJ) * 128, 8)
        return out_hbm.at[pl.ds(out_off, _NJ * 128)]

    start(0)
    for step in range(nstep):
        if step + 1 < nstep:
            start(step + 1)
        buf = bufs[step % 2]
        out_v = ovs[step % 2]
        pltpu.make_async_copy(
            z_hbm.at[0, pl.ds(j0 + step * _NJ, _NJ), pl.ds(0, 384)],
            buf, sems[step % 2]).wait()
        if step >= 2:
            pltpu.make_async_copy(out_v, out_slice(step - 2),
                                  osems[step % 2]).wait()

        @plsc.parallel_loop(0, _NJ, 1, unroll=4)
        def j_body(j, buf=buf, out_v=out_v):
            for u in range(8):
                w0 = buf[j, pl.ds(u * 16, _L)]
                w1 = buf[j, pl.ds(128 + u * 16, _L)]
                w2 = buf[j, pl.ds(256 + u * 16, _L)]
                s = w0 * w0 + w1 * w1 + w2 * w2
                out_v[pl.ds(j * 128 + u * 16, _L)] = (s > _T2).astype(
                    jnp.int32)

        pltpu.async_copy(out_v, out_slice(step), osems[step % 2])
    for step in range(max(nstep - 2, 0), nstep):
        pltpu.make_async_copy(ovs[step % 2], out_slice(step),
                              osems[step % 2]).wait()


_JS = 6144
_NB = 256


def _tc_body(z_ref, o_ref):
    x = z_ref[0]
    w0 = x[:, 0, :]
    w1 = x[:, 1, :]
    w2 = x[:, 2, :]
    s = w0 * w0 + w1 * w1 + w2 * w2
    o_ref[...] = (s > _T2).astype(jnp.int32)


def kernel(t, xi):
    del t
    B = xi.shape[0]
    nj = B // 128
    z4 = xi.reshape(nj, 128, 2, 8)
    z4 = jnp.transpose(z4, (2, 0, 3, 1))
    z = z4.reshape(2, nj, 1024)
    sc_call = functools.partial(
        pl.kernel,
        mesh=plsc.VectorSubcoreMesh(core_axis_name="c", subcore_axis_name="s"),
        compiler_params=pltpu.CompilerParams(
            needs_layout_passes=False, use_tc_tiling_on_sc=False,
            skip_device_barrier=True),
        out_type=jax.ShapeDtypeStruct((_JS * 128,), jnp.int32),
        scratch_types=[
            pltpu.VMEM((_NJ, 384), jnp.float32),
            pltpu.VMEM((_NJ, 384), jnp.float32),
            pltpu.VMEM((_NJ * 128,), jnp.int32),
            pltpu.VMEM((_NJ * 128,), jnp.int32),
            pltpu.SemaphoreType.DMA,
            pltpu.SemaphoreType.DMA,
            pltpu.SemaphoreType.DMA,
            pltpu.SemaphoreType.DMA,
        ],
    )(_sc_body)
    sc_out = sc_call(z)
    n_tc = nj - _JS
    tc_out = pl.pallas_call(
        _tc_body,
        grid=(n_tc // _NB,),
        in_specs=[pl.BlockSpec((1, _NB, 8, 128),
                               lambda j: (0, _JS // _NB + j, 0, 0))],
        out_specs=pl.BlockSpec((_NB, 128), lambda j: (j, 0)),
        out_shape=jax.ShapeDtypeStruct((n_tc, 128), jnp.int32),
    )(z4)
    full = jnp.concatenate([sc_out, tc_out.reshape(-1)])
    return full.astype(jnp.bool_)

# --- scband reference (transcript-rebuilt; emitter-appended) ---
"""Pipeline reference for scband-chart-switch-24996709663357 (READ-ONLY COPY).

The authoritative reference and input builder live on the scoring server;
editing this copy changes nothing except your own understanding.
"""

import jax, jax.numpy as jnp
import numpy as np
import math


def setup_inputs(seed: int = 0) -> dict:
    key = jax.random.key(seed)
    k1, k2 = jax.random.split(key)
    B = 1048576
    D = 16
    t = jax.random.normal(k1, (B,), dtype=jnp.float32)
    xi = jax.random.normal(k2, (B, D), dtype=jnp.float32)
    return {"t": t, "xi": xi}


def reference(t, xi):
    # ChartSwitch.check_event: detect when the chart coordinate norm exceeds 3*pi/4
    qi = xi[..., :6]
    wi = qi[..., :3]
    # lie.dot(wi, wi) -> Euclidean inner product over last dim
    norm = jnp.sqrt(jnp.sum(wi * wi, axis=-1))
    ev = norm > (math.pi * 3.0 / 4.0)
    return ev

if __name__ == "__main__":
    import jax
    _d = setup_inputs()
    print(jax.jit(kernel)(*tuple(_d.values())))

</pallas_src>

<mosaic_0001>
#map = affine_map<(d0, d1) -> (0, 0, 0)>
#map1 = affine_map<(d0, d1) -> (0)>
module attributes {stable_mosaic.version = 14 : i64} {
  func.func @_sc_body(%arg0: i32, %arg1: i32, %arg2: memref<2x8192x1024xf32, #tpu.memory_space<hbm>>, %arg3: memref<786432xi32, #tpu.memory_space<hbm>>, %arg4: memref<64x384xf32, #tpu.memory_space<vmem>>, %arg5: memref<64x384xf32, #tpu.memory_space<vmem>>, %arg6: memref<8192xi32, #tpu.memory_space<vmem>>, %arg7: memref<8192xi32, #tpu.memory_space<vmem>>, %arg8: memref<!tpu.dma_semaphore, #tpu.memory_space<semaphore_mem>>, %arg9: memref<!tpu.dma_semaphore, #tpu.memory_space<semaphore_mem>>, %arg10: memref<!tpu.dma_semaphore, #tpu.memory_space<semaphore_mem>>, %arg11: memref<!tpu.dma_semaphore, #tpu.memory_space<semaphore_mem>>) attributes {dimension_semantics = [#tpu.dimension_semantics<core_parallel>, #tpu.dimension_semantics<subcore_parallel>], iteration_bounds = array<i64: 2, 16>, scalar_prefetch = 0 : i64, scratch_operands = 8 : i64, tpu.core_type = #tpu.core_type<sc_vector_subcore>, window_params = [{transform_indices = #map}, {transform_indices = #map1}]} {
    %mul3A = arith.constant 2 : i32
    %mul3A_0 = arith.muli %arg1, %mul3A : i32
    %add3A = arith.addi %mul3A_0, %arg0 : i32
    %mul3A_1 = arith.constant 192 : i32
    %mul3A_2 = arith.muli %add3A, %mul3A_1 : i32
    %add3A_3 = arith.constant 0 : i32
    %add3A_4 = arith.addi %mul3A_2, %add3A_3 : i32
    %dma_start3A = arith.constant 0 : i32
    %dma_start3A_5 = arith.constant 0 : i32
    %dma_start3A_6 = tpu.memref_slice %arg2[%dma_start3A, %add3A_4, %dma_start3A_5] : memref<2x8192x1024xf32, #tpu.memory_space<hbm>> -> memref<1x64x384xf32, #tpu.memory_space<hbm>>
    %dma_start3A_7 = tpu.memref_squeeze %dma_start3A_6 : memref<1x64x384xf32, #tpu.memory_space<hbm>> -> memref<64x384xf32, #tpu.memory_space<hbm>>
    %dma_start3A_8 = arith.constant 0 : i32
    %dma_start3A_9 = tpu.memref_slice %arg2[%dma_start3A, %add3A_4, %dma_start3A_8] : memref<2x8192x1024xf32, #tpu.memory_space<hbm>> -> memref<1x64x384xf32, #tpu.memory_space<hbm>>
    %dma_start3A_10 = tpu.memref_squeeze %dma_start3A_9 : memref<1x64x384xf32, #tpu.memory_space<hbm>> -> memref<64x384xf32, #tpu.memory_space<hbm>>
    tpu.enqueue_dma source(%dma_start3A_10 : memref<64x384xf32, #tpu.memory_space<hbm>>) target(%arg4 : memref<64x384xf32, #tpu.memory_space<vmem>>) target_semaphore(%arg8 : memref<!tpu.dma_semaphore, #tpu.memory_space<semaphore_mem>>)
    %add3A_11 = arith.constant 64 : i32
    %add3A_12 = arith.addi %mul3A_2, %add3A_11 : i32
    %dma_start3A_13 = arith.constant 0 : i32
    %dma_start3A_14 = arith.constant 0 : i32
    %dma_start3A_15 = tpu.memref_slice %arg2[%dma_start3A_13, %add3A_12, %dma_start3A_14] : memref<2x8192x1024xf32, #tpu.memory_space<hbm>> -> memref<1x64x384xf32, #tpu.memory_space<hbm>>
    %dma_start3A_16 = tpu.memref_squeeze %dma_start3A_15 : memref<1x64x384xf32, #tpu.memory_space<hbm>> -> memref<64x384xf32, #tpu.memory_space<hbm>>
    %dma_start3A_17 = arith.constant 0 : i32
    %dma_start3A_18 = tpu.memref_slice %arg2[%dma_start3A_13, %add3A_12, %dma_start3A_17] : memref<2x8192x1024xf32, #tpu.memory_space<hbm>> -> memref<1x64x384xf32, #tpu.memory_space<hbm>>
    %dma_start3A_19 = tpu.memref_squeeze %dma_start3A_18 : memref<1x64x384xf32, #tpu.memory_space<hbm>> -> memref<64x384xf32, #tpu.memory_space<hbm>>
    tpu.enqueue_dma source(%dma_start3A_19 : memref<64x384xf32, #tpu.memory_space<hbm>>) target(%arg5 : memref<64x384xf32, #tpu.memory_space<vmem>>) target_semaphore(%arg9 : memref<!tpu.dma_semaphore, #tpu.memory_space<semaphore_mem>>)
    %add3A_20 = arith.constant 0 : i32
    %add3A_21 = arith.addi %mul3A_2, %add3A_20 : i32
    %dma_wait3A = arith.constant 0 : i32
    %dma_wait3A_22 = arith.constant 0 : i32
    %dma_wait3A_23 = tpu.memref_slice %arg2[%dma_wait3A, %add3A_21, %dma_wait3A_22] : memref<2x8192x1024xf32, #tpu.memory_space<hbm>> -> memref<1x64x384xf32, #tpu.memory_space<hbm>>
    %dma_wait3A_24 = tpu.memref_squeeze %dma_wait3A_23 : memref<1x64x384xf32, #tpu.memory_space<hbm>> -> memref<64x384xf32, #tpu.memory_space<hbm>>
    %dma_wait3A_25 = arith.constant 0 : i32
    %dma_wait3A_26 = tpu.memref_slice %arg2[%dma_wait3A, %add3A_21, %dma_wait3A_25] : memref<2x8192x1024xf32, #tpu.memory_space<hbm>> -> memref<1x64x384xf32, #tpu.memory_space<hbm>>
    %dma_wait3A_27 = tpu.memref_squeeze %dma_wait3A_26 : memref<1x64x384xf32, #tpu.memory_space<hbm>> -> memref<64x384xf32, #tpu.memory_space<hbm>>
    tpu.wait_dma2 semaphore(%arg8 : memref<!tpu.dma_semaphore, #tpu.memory_space<semaphore_mem>>) src(%dma_wait3A_27 : memref<64x384xf32, #tpu.memory_space<hbm>>) dst(%arg4 : memref<64x384xf32, #tpu.memory_space<vmem>>)
    %parallel_loop3A = arith.constant 0 : i32
    %parallel_loop3A_28 = arith.constant 64 : i32
    %parallel_loop3A_29 = arith.constant 1 : i32
    scf.for %parallel_loop3A_104 = %parallel_loop3A to %parallel_loop3A_28 step %parallel_loop3A_29  : i32 {
      %parallel_loop3A_105 = arith.index_cast %parallel_loop3A_104 : i32 to index
      %parallel_loop3A_106 = arith.constant 0 : index
      %parallel_loop3A_107 = tpu.vector_load %arg4[%parallel_loop3A_105, %parallel_loop3A_106] {strides = array<i32>} : memref<64x384xf32, #tpu.memory_space<vmem>>, vector<16xf32>,
      %parallel_loop3A_108 = arith.index_cast %parallel_loop3A_104 : i32 to index
      %parallel_loop3A_109 = arith.constant 128 : index
      %parallel_loop3A_110 = tpu.vector_load %arg4[%parallel_loop3A_108, %parallel_loop3A_109] {strides = array<i32>} : memref<64x384xf32, #tpu.memory_space<vmem>>, vector<16xf32>,
      %parallel_loop3A_111 = arith.index_cast %parallel_loop3A_104 : i32 to index
      %parallel_loop3A_112 = arith.constant 256 : index
      %parallel_loop3A_113 = tpu.vector_load %arg4[%parallel_loop3A_111, %parallel_loop3A_112] {strides = array<i32>} : memref<64x384xf32, #tpu.memory_space<vmem>>, vector<16xf32>,
      %parallel_loop3A_114 = arith.mulf %parallel_loop3A_107, %parallel_loop3A_107 : vector<16xf32>
      %parallel_loop3A_115 = arith.mulf %parallel_loop3A_110, %parallel_loop3A_110 : vector<16xf32>
      %parallel_loop3A_116 = arith.addf %parallel_loop3A_114, %parallel_loop3A_115 : vector<16xf32>
      %parallel_loop3A_117 = arith.mulf %parallel_loop3A_113, %parallel_loop3A_113 : vector<16xf32>
      %parallel_loop3A_118 = arith.addf %parallel_loop3A_116, %parallel_loop3A_117 : vector<16xf32>
      %parallel_loop3A_119 = arith.constant 5.55165291 : f32
      %parallel_loop3A_120 = vector.broadcast %parallel_loop3A_119 : f32 to vector<16xf32>
      %parallel_loop3A_121 = arith.cmpf ogt, %parallel_loop3A_118, %parallel_loop3A_120 : vector<16xf32>
      %parallel_loop3A_122 = arith.extui %parallel_loop3A_121 : vector<16xi1> to vector<16xi32>
      %parallel_loop3A_123 = arith.constant 128 : i32
      %parallel_loop3A_124 = arith.muli %parallel_loop3A_104, %parallel_loop3A_123 : i32
      %parallel_loop3A_125 = arith.constant 0 : i32
      %parallel_loop3A_126 = arith.addi %parallel_loop3A_124, %parallel_loop3A_125 : i32
      %parallel_loop3A_127 = arith.index_cast %parallel_loop3A_126 : i32 to index
      %parallel_loop3A_128 = tpu.vector_load %arg6[%parallel_loop3A_127] {strides = array<i32>} : memref<8192xi32, #tpu.memory_space<vmem>>, vector<16xi32>,
      tpu.vector_store %arg6[%parallel_loop3A_127], %parallel_loop3A_122 {strides = array<i32>} : memref<8192xi32, #tpu.memory_space<vmem>>, vector<16xi32>,
      %parallel_loop3A_129 = arith.index_cast %parallel_loop3A_104 : i32 to index
      %parallel_loop3A_130 = arith.constant 16 : index
      %parallel_loop3A_131 = tpu.vector_load %arg4[%parallel_loop3A_129, %parallel_loop3A_130] {strides = array<i32>} : memref<64x384xf32, #tpu.memory_space<vmem>>, vector<16xf32>,
      %parallel_loop3A_132 = arith.index_cast %parallel_loop3A_104 : i32 to index
      %parallel_loop3A_133 = arith.constant 144 : index
      %parallel_loop3A_134 = tpu.vector_load %arg4[%parallel_loop3A_132, %parallel_loop3A_133] {strides = array<i32>} : memref<64x384xf32, #tpu.memory_space<vmem>>, vector<16xf32>,
      %parallel_loop3A_135 = arith.index_cast %parallel_loop3A_104 : i32 to index
      %parallel_loop3A_136 = arith.constant 272 : index
      %parallel_loop3A_137 = tpu.vector_load %arg4[%parallel_loop3A_135, %parallel_loop3A_136] {strides = array<i32>} : memref<64x384xf32, #tpu.memory_space<vmem>>, vector<16xf32>,
      %parallel_loop3A_138 = arith.mulf %parallel_loop3A_131, %parallel_loop3A_131 : vector<16xf32>
      %parallel_loop3A_139 = arith.mulf %parallel_loop3A_134, %parallel_loop3A_134 : vector<16xf32>
      %parallel_loop3A_140 = arith.addf %parallel_loop3A_138, %parallel_loop3A_139 : vector<16xf32>
      %parallel_loop3A_141 = arith.mulf %parallel_loop3A_137, %parallel_loop3A_137 : vector<16xf32>
      %parallel_loop3A_142 = arith.addf %parallel_loop3A_140, %parallel_loop3A_141 : vector<16xf32>
      %parallel_loop3A_143 = arith.constant 5.55165291 : f32
      %parallel_loop3A_144 = vector.broadcast %parallel_loop3A_143 : f32 to vector<16xf32>
      %parallel_loop3A_145 = arith.cmpf ogt, %parallel_loop3A_142, %parallel_loop3A_144 : vector<16xf32>
      %parallel_loop3A_146 = arith.extui %parallel_loop3A_145 : vector<16xi1> to vector<16xi32>
      %parallel_loop3A_147 = arith.constant 128 : i32
      %parallel_loop3A_148 = arith.muli %parallel_loop3A_104, %parallel_loop3A_147 : i32
      %parallel_loop3A_149 = arith.constant 16 : i32
      %parallel_loop3A_150 = arith.addi %parallel_loop3A_148, %parallel_loop3A_149 : i32
      %parallel_loop3A_151 = arith.index_cast %parallel_loop3A_150 : i32 to index
      %parallel_loop3A_152 = tpu.vector_load %arg6[%parallel_loop3A_151] {strides = array<i32>} : memref<8192xi32, #tpu.memory_space<vmem>>, vector<16xi32>,
      tpu.vector_store %arg6[%parallel_loop3A_151], %parallel_loop3A_146 {strides = array<i32>} : memref<8192xi32, #tpu.memory_space<vmem>>, vector<16xi32>,
      %parallel_loop3A_153 = arith.index_cast %parallel_loop3A_104 : i32 to index
      %parallel_loop3A_154 = arith.constant 32 : index
      %parallel_loop3A_155 = tpu.vector_load %arg4[%parallel_loop3A_153, %parallel_loop3A_154] {strides = array<i32>} : memref<64x384xf32, #tpu.memory_space<vmem>>, vector<16xf32>,
      %parallel_loop3A_156 = arith.index_cast %parallel_loop3A_104 : i32 to index
      %parallel_loop3A_157 = arith.constant 160 : index
      %parallel_loop3A_158 = tpu.vector_load %arg4[%parallel_loop3A_156, %parallel_loop3A_157] {strides = array<i32>} : memref<64x384xf32, #tpu.memory_space<vmem>>, vector<16xf32>,
      %parallel_loop3A_159 = arith.index_cast %parallel_loop3A_104 : i32 to index
      %parallel_loop3A_160 = arith.constant 288 : index
      %parallel_loop3A_161 = tpu.vector_load %arg4[%parallel_loop3A_159, %parallel_loop3A_160] {strides = array<i32>} : memref<64x384xf32, #tpu.memory_space<vmem>>, vector<16xf32>,
      %parallel_loop3A_162 = arith.mulf %parallel_loop3A_155, %parallel_loop3A_155 : vector<16xf32>
      %parallel_loop3A_163 = arith.mulf %parallel_loop3A_158, %parallel_loop3A_158 : vector<16xf32>
      %parallel_loop3A_164 = arith.addf %parallel_loop3A_162, %parallel_loop3A_163 : vector<16xf32>
      %parallel_loop3A_165 = arith.mulf %parallel_loop3A_161, %parallel_loop3A_161 : vector<16xf32>
      %parallel_loop3A_166 = arith.addf %parallel_loop3A_164, %parallel_loop3A_165 : vector<16xf32>
      %parallel_loop3A_167 = arith.constant 5.55165291 : f32
      %parallel_loop3A_168 = vector.broadcast %parallel_loop3A_167 : f32 to vector<16xf32>
      %parallel_loop3A_169 = arith.cmpf ogt, %parallel_loop3A_166, %parallel_loop3A_168 : vector<16xf32>
      %parallel_loop3A_170 = arith.extui %parallel_loop3A_169 : vector<16xi1> to vector<16xi32>
      %parallel_loop3A_171 = arith.constant 128 : i32
      %parallel_loop3A_172 = arith.muli %parallel_loop3A_104, %parallel_loop3A_171 : i32
      %parallel_loop3A_173 = arith.constant 32 : i32
      %parallel_loop3A_174 = arith.addi %parallel_loop3A_172, %parallel_loop3A_173 : i32
      %parallel_loop3A_175 = arith.index_cast %parallel_loop3A_174 : i32 to index
      %parallel_loop3A_176 = tpu.vector_load %arg6[%parallel_loop3A_175] {strides = array<i32>} : memref<8192xi32, #tpu.memory_space<vmem>>, vector<16xi32>,
      tpu.vector_store %arg6[%parallel_loop3A_175], %parallel_loop3A_170 {strides = array<i32>} : memref<8192xi32, #tpu.memory_space<vmem>>, vector<16xi32>,
      %parallel_loop3A_177 = arith.index_cast %parallel_loop3A_104 : i32 to index
      %parallel_loop3A_178 = arith.constant 48 : index
      %parallel_loop3A_179 = tpu.vector_load %arg4[%parallel_loop3A_177, %parallel_loop3A_178] {strides = array<i32>} : memref<64x384xf32, #tpu.memory_space<vmem>>, vector<16xf32>,
      %parallel_loop3A_180 = arith.index_cast %parallel_loop3A_104 : i32 to index
      %parallel_loop3A_181 = arith.constant 176 : index
      %parallel_loop3A_182 = tpu.vector_load %arg4[%parallel_loop3A_180, %parallel_loop3A_181] {strides = array<i32>} : memref<64x384xf32, #tpu.memory_space<vmem>>, vector<16xf32>,
      %parallel_loop3A_183 = arith.index_cast %parallel_loop3A_104 : i32 to index
      %parallel_loop3A_184 = arith.constant 304 : index
      %parallel_loop3A_185 = tpu.vector_load %arg4[%parallel_loop3A_183, %parallel_loop3A_184] {strides = array<i32>} : memref<64x384xf32, #tpu.memory_space<vmem>>, vector<16xf32>,
      %parallel_loop3A_186 = arith.mulf %parallel_loop3A_179, %parallel_loop3A_179 : vector<16xf32>
      %parallel_loop3A_187 = arith.mulf %parallel_loop3A_182, %parallel_loop3A_182 : vector<16xf32>
      %parallel_loop3A_188 = arith.addf %parallel_loop3A_186, %parallel_loop3A_187 : vector<16xf32>
      %parallel_loop3A_189 = arith.mulf %parallel_loop3A_185, %parallel_loop3A_185 : vector<16xf32>
      %parallel_loop3A_190 = arith.addf %parallel_loop3A_188, %parallel_loop3A_189 : vector<16xf32>
      %parallel_loop3A_191 = arith.constant 5.55165291 : f32
      %parallel_loop3A_192 = vector.broadcast %parallel_loop3A_191 : f32 to vector<16xf32>
      %parallel_loop3A_193 = arith.cmpf ogt, %parallel_loop3A_190, %parallel_loop3A_192 : vector<16xf32>
      %parallel_loop3A_194 = arith.extui %parallel_loop3A_193 : vector<16xi1> to vector<16xi32>
      %parallel_loop3A_195 = arith.constant 128 : i32
      %parallel_loop3A_196 = arith.muli %parallel_loop3A_104, %parallel_loop3A_195 : i32
      %parallel_loop3A_197 = arith.constant 48 : i32
      %parallel_loop3A_198 = arith.addi %parallel_loop3A_196, %parallel_loop3A_197 : i32
      %parallel_loop3A_199 = arith.index_cast %parallel_loop3A_198 : i32 to index
      %parallel_loop3A_200 = tpu.vector_load %arg6[%parallel_loop3A_199] {strides = array<i32>} : memref<8192xi32, #tpu.memory_space<vmem>>, vector<16xi32>,
      tpu.vector_store %arg6[%parallel_loop3A_199], %parallel_loop3A_194 {strides = array<i32>} : memref<8192xi32, #tpu.memory_space<vmem>>, vector<16xi32>,
      %parallel_loop3A_201 = arith.index_cast %parallel_loop3A_104 : i32 to index
      %parallel_loop3A_202 = arith.constant 64 : index
      %parallel_loop3A_203 = tpu.vector_load %arg4[%parallel_loop3A_201, %parallel_loop3A_202] {strides = array<i32>} : memref<64x384xf32, #tpu.memory_space<vmem>>, vector<16xf32>,
      %parallel_loop3A_204 = arith.index_cast %parallel_loop3A_104 : i32 to index
      %parallel_loop3A_205 = arith.constant 192 : index
      %parallel_loop3A_206 = tpu.vector_load %arg4[%parallel_loop3A_204, %parallel_loop3A_205] {strides = array<i32>} : memref<64x384xf32, #tpu.memory_space<vmem>>, vector<16xf32>,
      %parallel_loop3A_207 = arith.index_cast %parallel_loop3A_104 : i32 to index
      %parallel_loop3A_208 = arith.constant 320 : index
      %parallel_loop3A_209 = tpu.vector_load %arg4[%parallel_loop3A_207, %parallel_loop3A_208] {strides = array<i32>} : memref<64x384xf32, #tpu.memory_space<vmem>>, vector<16xf32>,
      %parallel_loop3A_210 = arith.mulf %parallel_loop3A_203, %parallel_loop3A_203 : vector<16xf32>
      %parallel_loop3A_211 = arith.mulf %parallel_loop3A_206, %parallel_loop3A_206 : vector<16xf32>
      %parallel_loop3A_212 = arith.addf %parallel_loop3A_210, %parallel_loop3A_211 : vector<16xf32>
      %parallel_loop3A_213 = arith.mulf %parallel_loop3A_209, %parallel_loop3A_209 : vector<16xf32>
      %parallel_loop3A_214 = arith.addf %parallel_loop3A_212, %parallel_loop3A_213 : vector<16xf32>
      %parallel_loop3A_215 = arith.constant 5.55165291 : f32
      %parallel_loop3A_216 = vector.broadcast %parallel_loop3A_215 : f32 to vector<16xf32>
      %parallel_loop3A_217 = arith.cmpf ogt, %parallel_loop3A_214, %parallel_loop3A_216 : vector<16xf32>
      %parallel_loop3A_218 = arith.extui %parallel_loop3A_217 : vector<16xi1> to vector<16xi32>
      %parallel_loop3A_219 = arith.constant 128 : i32
      %parallel_loop3A_220 = arith.muli %parallel_loop3A_104, %parallel_loop3A_219 : i32
      %parallel_loop3A_221 = arith.constant 64 : i32
      %parallel_loop3A_222 = arith.addi %parallel_loop3A_220, %parallel_loop3A_221 : i32
      %parallel_loop3A_223 = arith.index_cast %parallel_loop3A_222 : i32 to index
      %parallel_loop3A_224 = tpu.vector_load %arg6[%parallel_loop3A_223] {strides = array<i32>} : memref<8192xi32, #tpu.memory_space<vmem>>, vector<16xi32>,
      tpu.vector_store %arg6[%parallel_loop3A_223], %parallel_loop3A_218 {strides = array<i32>} : memref<8192xi32, #tpu.memory_space<vmem>>, vector<16xi32>,
      %parallel_loop3A_225 = arith.index_cast %parallel_loop3A_104 : i32 to index
      %parallel_loop3A_226 = arith.constant 80 : index
      %parallel_loop3A_227 = tpu.vector_load %arg4[%parallel_loop3A_225, %parallel_loop3A_226] {strides = array<i32>} : memref<64x384xf32, #tpu.memory_space<vmem>>, vector<16xf32>,
      %parallel_loop3A_228 = arith.index_cast %parallel_loop3A_104 : i32 to index
      %parallel_loop3A_229 = arith.constant 208 : index
      %parallel_loop3A_230 = tpu.vector_load %arg4[%parallel_loop3A_228, %parallel_loop3A_229] {strides = array<i32>} : memref<64x384xf32, #tpu.memory_space<vmem>>, vector<16xf32>,
      %parallel_loop3A_231 = arith.index_cast %parallel_loop3A_104 : i32 to index
      %parallel_loop3A_232 = arith.constant 336 : index
      %parallel_loop3A_233 = tpu.vector_load %arg4[%parallel_loop3A_231, %parallel_loop3A_232] {strides = array<i32>} : memref<64x384xf32, #tpu.memory_space<vmem>>, vector<16xf32>,
      %parallel_loop3A_234 = arith.mulf %parallel_loop3A_227, %parallel_loop3A_227 : vector<16xf32>
      %parallel_loop3A_235 = arith.mulf %parallel_loop3A_230, %parallel_loop3A_230 : vector<16xf32>
      %parallel_loop3A_236 = arith.addf %parallel_loop3A_234, %parallel_loop3A_235 : vector<16xf32>
      %parallel_loop3A_237 = arith.mulf %parallel_loop3A_233, %parallel_loop3A_233 : vector<16xf32>
      %parallel_loop3A_238 = arith.addf %parallel_loop3A_236, %parallel_loop3A_237 : vector<16xf32>
      %parallel_loop3A_239 = arith.constant 5.55165291 : f32
      %parallel_loop3A_240 = vector.broadcast %parallel_loop3A_239 : f32 to vector<16xf32>
      %parallel_loop3A_241 = arith.cmpf ogt, %parallel_loop3A_238, %parallel_loop3A_240 : vector<16xf32>
      %parallel_loop3A_242 = arith.extui %parallel_loop3A_241 : vector<16xi1> to vector<16xi32>
      %parallel_loop3A_243 = arith.constant 128 : i32
      %parallel_loop3A_244 = arith.muli %parallel_loop3A_104, %parallel_loop3A_243 : i32
      %parallel_loop3A_245 = arith.constant 80 : i32
      %parallel_loop3A_246 = arith.addi %parallel_loop3A_244, %parallel_loop3A_245 : i32
      %parallel_loop3A_247 = arith.index_cast %parallel_loop3A_246 : i32 to index
      %parallel_loop3A_248 = tpu.vector_load %arg6[%parallel_loop3A_247] {strides = array<i32>} : memref<8192xi32, #tpu.memory_space<vmem>>, vector<16xi32>,
      tpu.vector_store %arg6[%parallel_loop3A_247], %parallel_loop3A_242 {strides = array<i32>} : memref<8192xi32, #tpu.memory_space<vmem>>, vector<16xi32>,
      %parallel_loop3A_249 = arith.index_cast %parallel_loop3A_104 : i32 to index
      %parallel_loop3A_250 = arith.constant 96 : index
      %parallel_loop3A_251 = tpu.vector_load %arg4[%parallel_loop3A_249, %parallel_loop3A_250] {strides = array<i32>} : memref<64x384xf32, #tpu.memory_space<vmem>>, vector<16xf32>,
      %parallel_loop3A_252 = arith.index_cast %parallel_loop3A_104 : i32 to index
      %parallel_loop3A_253 = arith.constant 224 : index
      %parallel_loop3A_254 = tpu.vector_load %arg4[%parallel_loop3A_252, %parallel_loop3A_253] {strides = array<i32>} : memref<64x384xf32, #tpu.memory_space<vmem>>, vector<16xf32>,
      %parallel_loop3A_255 = arith.index_cast %parallel_loop3A_104 : i32 to index
      %parallel_loop3A_256 = arith.constant 352 : index
      %parallel_loop3A_257 = tpu.vector_load %arg4[%parallel_loop3A_255, %parallel_loop3A_256] {strides = array<i32>} : memref<64x384xf32, #tpu.memory_space<vmem>>, vector<16xf32>,
      %parallel_loop3A_258 = arith.mulf %parallel_loop3A_251, %parallel_loop3A_251 : vector<16xf32>
      %parallel_loop3A_259 = arith.mulf %parallel_loop3A_254, %parallel_loop3A_254 : vector<16xf32>
      %parallel_loop3A_260 = arith.addf %parallel_loop3A_258, %parallel_loop3A_259 : vector<16xf32>
      %parallel_loop3A_261 = arith.mulf %parallel_loop3A_257, %parallel_loop3A_257 : vector<16xf32>
      %parallel_loop3A_262 = arith.addf %parallel_loop3A_260, %parallel_loop3A_261 : vector<16xf32>
      %parallel_loop3A_263 = arith.constant 5.55165291 : f32
      %parallel_loop3A_264 = vector.broadcast %parallel_loop3A_263 : f32 to vector<16xf32>
      %parallel_loop3A_265 = arith.cmpf ogt, %parallel_loop3A_262, %parallel_loop3A_264 : vector<16xf32>
      %parallel_loop3A_266 = arith.extui %parallel_loop3A_265 : vector<16xi1> to vector<16xi32>
      %parallel_loop3A_267 = arith.constant 128 : i32
      %parallel_loop3A_268 = arith.muli %parallel_loop3A_104, %parallel_loop3A_267 : i32
      %parallel_loop3A_269 = arith.constant 96 : i32
      %parallel_loop3A_270 = arith.addi %parallel_loop3A_268, %parallel_loop3A_269 : i32
      %parallel_loop3A_271 = arith.index_cast %parallel_loop3A_270 : i32 to index
      %parallel_loop3A_272 = tpu.vector_load %arg6[%parallel_loop3A_271] {strides = array<i32>} : memref<8192xi32, #tpu.memory_space<vmem>>, vector<16xi32>,
      tpu.vector_store %arg6[%parallel_loop3A_271], %parallel_loop3A_266 {strides = array<i32>} : memref<8192xi32, #tpu.memory_space<vmem>>, vector<16xi32>,
      %parallel_loop3A_273 = arith.index_cast %parallel_loop3A_104 : i32 to index
      %parallel_loop3A_274 = arith.constant 112 : index
      %parallel_loop3A_275 = tpu.vector_load %arg4[%parallel_loop3A_273, %parallel_loop3A_274] {strides = array<i32>} : memref<64x384xf32, #tpu.memory_space<vmem>>, vector<16xf32>,
      %parallel_loop3A_276 = arith.index_cast %parallel_loop3A_104 : i32 to index
      %parallel_loop3A_277 = arith.constant 240 : index
      %parallel_loop3A_278 = tpu.vector_load %arg4[%parallel_loop3A_276, %parallel_loop3A_277] {strides = array<i32>} : memref<64x384xf32, #tpu.memory_space<vmem>>, vector<16xf32>,
      %parallel_loop3A_279 = arith.index_cast %parallel_loop3A_104 : i32 to index
      %parallel_loop3A_280 = arith.constant 368 : index
      %parallel_loop3A_281 = tpu.vector_load %arg4[%parallel_loop3A_279, %parallel_loop3A_280] {strides = array<i32>} : memref<64x384xf32, #tpu.memory_space<vmem>>, vector<16xf32>,
      %parallel_loop3A_282 = arith.mulf %parallel_loop3A_275, %parallel_loop3A_275 : vector<16xf32>
      %parallel_loop3A_283 = arith.mulf %parallel_loop3A_278, %parallel_loop3A_278 : vector<16xf32>
      %parallel_loop3A_284 = arith.addf %parallel_loop3A_282, %parallel_loop3A_283 : vector<16xf32>
      %parallel_loop3A_285 = arith.mulf %parallel_loop3A_281, %parallel_loop3A_281 : vector<16xf32>
      %parallel_loop3A_286 = arith.addf %parallel_loop3A_284, %parallel_loop3A_285 : vector<16xf32>
      %parallel_loop3A_287 = arith.constant 5.55165291 : f32
      %parallel_loop3A_288 = vector.broadcast %parallel_loop3A_287 : f32 to vector<16xf32>
      %parallel_loop3A_289 = arith.cmpf ogt, %parallel_loop3A_286, %parallel_loop3A_288 : vector<16xf32>
      %parallel_loop3A_290 = arith.extui %parallel_loop3A_289 : vector<16xi1> to vector<16xi32>
      %parallel_loop3A_291 = arith.constant 128 : i32
      %parallel_loop3A_292 = arith.muli %parallel_loop3A_104, %parallel_loop3A_291 : i32
      %parallel_loop3A_293 = arith.constant 112 : i32
      %parallel_loop3A_294 = arith.addi %parallel_loop3A_292, %parallel_loop3A_293 : i32
      %parallel_loop3A_295 = arith.index_cast %parallel_loop3A_294 : i32 to index
      %parallel_loop3A_296 = tpu.vector_load %arg6[%parallel_loop3A_295] {strides = array<i32>} : memref<8192xi32, #tpu.memory_space<vmem>>, vector<16xi32>,
      tpu.vector_store %arg6[%parallel_loop3A_295], %parallel_loop3A_290 {strides = array<i32>} : memref<8192xi32, #tpu.memory_space<vmem>>, vector<16xi32>,
    } {sc.loop_unroll_factor = 4 : i64, sc.parallel_access}
    %add3A_30 = arith.constant 0 : i32
    %add3A_31 = arith.addi %mul3A_2, %add3A_30 : i32
    %mul3A_32 = arith.constant 128 : i32
    %mul3A_33 = arith.muli %add3A_31, %mul3A_32 : i32
    %multiple_of3A = tpu.assume_multiple %mul3A_33, 8 : i32
    %dma_start3A_34 = tpu.memref_slice %arg3[%multiple_of3A] : memref<786432xi32, #tpu.memory_space<hbm>> -> memref<8192xi32, #tpu.memory_space<hbm>>
    %dma_start3A_35 = tpu.memref_slice %arg3[%multiple_of3A] : memref<786432xi32, #tpu.memory_space<hbm>> -> memref<8192xi32, #tpu.memory_space<hbm>>
    tpu.enqueue_dma source(%arg6 : memref<8192xi32, #tpu.memory_space<vmem>>) target(%dma_start3A_35 : memref<8192xi32, #tpu.memory_space<hbm>>) target_semaphore(%arg10 : memref<!tpu.dma_semaphore, #tpu.memory_space<semaphore_mem>>)
    %add3A_36 = arith.constant 128 : i32
    %add3A_37 = arith.addi %mul3A_2, %add3A_36 : i32
    %dma_start3A_38 = arith.constant 0 : i32
    %dma_start3A_39 = arith.constant 0 : i32
    %dma_start3A_40 = tpu.memref_slice %arg2[%dma_start3A_38, %add3A_37, %dma_start3A_39] : memref<2x8192x1024xf32, #tpu.memory_space<hbm>> -> memref<1x64x384xf32, #tpu.memory_space<hbm>>
    %dma_start3A_41 = tpu.memref_squeeze %dma_start3A_40 : memref<1x64x384xf32, #tpu.memory_space<hbm>> -> memref<64x384xf32, #tpu.memory_space<hbm>>
    %dma_start3A_42 = arith.constant 0 : i32
    %dma_start3A_43 = tpu.memref_slice %arg2[%dma_start3A_38, %add3A_37, %dma_start3A_42] : memref<2x8192x1024xf32, #tpu.memory_space<hbm>> -> memref<1x64x384xf32, #tpu.memory_space<hbm>>
    %dma_start3A_44 = tpu.memref_squeeze %dma_start3A_43 : memref<1x64x384xf32, #tpu.memory_space<hbm>> -> memref<64x384xf32, #tpu.memory_space<hbm>>
    tpu.enqueue_dma source(%dma_start3A_44 : memref<64x384xf32, #tpu.memory_space<hbm>>) target(%arg4 : memref<64x384xf32, #tpu.memory_space<vmem>>) target_semaphore(%arg8 : memref<!tpu.dma_semaphore, #tpu.memory_space<semaphore_mem>>)
    %add3A_45 = arith.constant 64 : i32
    %add3A_46 = arith.addi %mul3A_2, %add3A_45 : i32
    %dma_wait3A_47 = arith.constant 0 : i32
    %dma_wait3A_48 = arith.constant 0 : i32
    %dma_wait3A_49 = tpu.memref_slice %arg2[%dma_wait3A_47, %add3A_46, %dma_wait3A_48] : memref<2x8192x1024xf32, #tpu.memory_space<hbm>> -> memref<1x64x384xf32, #tpu.memory_space<hbm>>
    %dma_wait3A_50 = tpu.memref_squeeze %dma_wait3A_49 : memref<1x64x384xf32, #tpu.memory_space<hbm>> -> memref<64x384xf32, #tpu.memory_space<hbm>>
    %dma_wait3A_51 = arith.constant 0 : i32
    %dma_wait3A_52 = tpu.memref_slice %arg2[%dma_wait3A_47, %add3A_46, %dma_wait3A_51] : memref<2x8192x1024xf32, #tpu.memory_space<hbm>> -> memref<1x64x384xf32, #tpu.memory_space<hbm>>
    %dma_wait3A_53 = tpu.memref_squeeze %dma_wait3A_52 : memref<1x64x384xf32, #tpu.memory_space<hbm>> -> memref<64x384xf32, #tpu.memory_space<hbm>>
    tpu.wait_dma2 semaphore(%arg9 : memref<!tpu.dma_semaphore, #tpu.memory_space<semaphore_mem>>) src(%dma_wait3A_53 : memref<64x384xf32, #tpu.memory_space<hbm>>) dst(%arg5 : memref<64x384xf32, #tpu.memory_space<vmem>>)
    %parallel_loop3A_54 = arith.constant 0 : i32
    %parallel_loop3A_55 = arith.constant 64 : i32
    %parallel_loop3A_56 = arith.constant 1 : i32
    scf.for %parallel_loop3A_104 = %parallel_loop3A_54 to %parallel_loop3A_55 step %parallel_loop3A_56  : i32 {
      %parallel_loop3A_105 = arith.index_cast %parallel_loop3A_104 : i32 to index
      %parallel_loop3A_106 = arith.constant 0 : index
      %parallel_loop3A_107 = tpu.vector_load %arg5[%parallel_loop3A_105, %parallel_loop3A_106] {strides = array<i32>} : memref<64x384xf32, #tpu.memory_space<vmem>>, vector<16xf32>,
      %parallel_loop3A_108 = arith.index_cast %parallel_loop3A_104 : i32 to index
      %parallel_loop3A_109 = arith.constant 128 : index
      %parallel_loop3A_110 = tpu.vector_load %arg5[%parallel_loop3A_108, %parallel_loop3A_109] {strides = array<i32>} : memref<64x384xf32, #tpu.memory_space<vmem>>, vector<16xf32>,
      %parallel_loop3A_111 = arith.index_cast %parallel_loop3A_104 : i32 to index
      %parallel_loop3A_112 = arith.constant 256 : index
      %parallel_loop3A_113 = tpu.vector_load %arg5[%parallel_loop3A_111, %parallel_loop3A_112] {strides = array<i32>} : memref<64x384xf32, #tpu.memory_space<vmem>>, vector<16xf32>,
      %parallel_loop3A_114 = arith.mulf %parallel_loop3A_107, %parallel_loop3A_107 : vector<16xf32>
      %parallel_loop3A_115 = arith.mulf %parallel_loop3A_110, %parallel_loop3A_110 : vector<16xf32>
      %parallel_loop3A_116 = arith.addf %parallel_loop3A_114, %parallel_loop3A_115 : vector<16xf32>
      %parallel_loop3A_117 = arith.mulf %parallel_loop3A_113, %parallel_loop3A_113 : vector<16xf32>
      %parallel_loop3A_118 = arith.addf %parallel_loop3A_116, %parallel_loop3A_117 : vector<16xf32>
      %parallel_loop3A_119 = arith.constant 5.55165291 : f32
      %parallel_loop3A_120 = vector.broadcast %parallel_loop3A_119 : f32 to vector<16xf32>
      %parallel_loop3A_121 = arith.cmpf ogt, %parallel_loop3A_118, %parallel_loop3A_120 : vector<16xf32>
      %parallel_loop3A_122 = arith.extui %parallel_loop3A_121 : vector<16xi1> to vector<16xi32>
      %parallel_loop3A_123 = arith.constant 128 : i32
      %parallel_loop3A_124 = arith.muli %parallel_loop3A_104, %parallel_loop3A_123 : i32
      %parallel_loop3A_125 = arith.constant 0 : i32
      %parallel_loop3A_126 = arith.addi %parallel_loop3A_124, %parallel_loop3A_125 : i32
      %parallel_loop3A_127 = arith.index_cast %parallel_loop3A_126 : i32 to index
      %parallel_loop3A_128 = tpu.vector_load %arg7[%parallel_loop3A_127] {strides = array<i32>} : memref<8192xi32, #tpu.memory_space<vmem>>, vector<16xi32>,
      tpu.vector_store %arg7[%parallel_loop3A_127], %parallel_loop3A_122 {strides = array<i32>} : memref<8192xi32, #tpu.memory_space<vmem>>, vector<16xi32>,
      %parallel_loop3A_129 = arith.index_cast %parallel_loop3A_104 : i32 to index
      %parallel_loop3A_130 = arith.constant 16 : index
      %parallel_loop3A_131 = tpu.vector_load %arg5[%parallel_loop3A_129, %parallel_loop3A_130] {strides = array<i32>} : memref<64x384xf32, #tpu.memory_space<vmem>>, vector<16xf32>,
      %parallel_loop3A_132 = arith.index_cast %parallel_loop3A_104 : i32 to index
      %parallel_loop3A_133 = arith.constant 144 : index
      %parallel_loop3A_134 = tpu.vector_load %arg5[%parallel_loop3A_132, %parallel_loop3A_133] {strides = array<i32>} : memref<64x384xf32, #tpu.memory_space<vmem>>, vector<16xf32>,
      %parallel_loop3A_135 = arith.index_cast %parallel_loop3A_104 : i32 to index
      %parallel_loop3A_136 = arith.constant 272 : index
      %parallel_loop3A_137 = tpu.vector_load %arg5[%parallel_loop3A_135, %parallel_loop3A_136] {strides = array<i32>} : memref<64x384xf32, #tpu.memory_space<vmem>>, vector<16xf32>,
      %parallel_loop3A_138 = arith.mulf %parallel_loop3A_131, %parallel_loop3A_131 : vector<16xf32>
      %parallel_loop3A_139 = arith.mulf %parallel_loop3A_134, %parallel_loop3A_134 : vector<16xf32>
      %parallel_loop3A_140 = arith.addf %parallel_loop3A_138, %parallel_loop3A_139 : vector<16xf32>
      %parallel_loop3A_141 = arith.mulf %parallel_loop3A_137, %parallel_loop3A_137 : vector<16xf32>
      %parallel_loop3A_142 = arith.addf %parallel_loop3A_140, %parallel_loop3A_141 : vector<16xf32>
      %parallel_loop3A_143 = arith.constant 5.55165291 : f32
      %parallel_loop3A_144 = vector.broadcast %parallel_loop3A_143 : f32 to vector<16xf32>
      %parallel_loop3A_145 = arith.cmpf ogt, %parallel_loop3A_142, %parallel_loop3A_144 : vector<16xf32>
      %parallel_loop3A_146 = arith.extui %parallel_loop3A_145 : vector<16xi1> to vector<16xi32>
      %parallel_loop3A_147 = arith.constant 128 : i32
      %parallel_loop3A_148 = arith.muli %parallel_loop3A_104, %parallel_loop3A_147 : i32
      %parallel_loop3A_149 = arith.constant 16 : i32
      %parallel_loop3A_150 = arith.addi %parallel_loop3A_148, %parallel_loop3A_149 : i32
      %parallel_loop3A_151 = arith.index_cast %parallel_loop3A_150 : i32 to index
      %parallel_loop3A_152 = tpu.vector_load %arg7[%parallel_loop3A_151] {strides = array<i32>} : memref<8192xi32, #tpu.memory_space<vmem>>, vector<16xi32>,
      tpu.vector_store %arg7[%parallel_loop3A_151], %parallel_loop3A_146 {strides = array<i32>} : memref<8192xi32, #tpu.memory_space<vmem>>, vector<16xi32>,
      %parallel_loop3A_153 = arith.index_cast %parallel_loop3A_104 : i32 to index
      %parallel_loop3A_154 = arith.constant 32 : index
      %parallel_loop3A_155 = tpu.vector_load %arg5[%parallel_loop3A_153, %parallel_loop3A_154] {strides = array<i32>} : memref<64x384xf32, #tpu.memory_space<vmem>>, vector<16xf32>,
      %parallel_loop3A_156 = arith.index_cast %parallel_loop3A_104 : i32 to index
      %parallel_loop3A_157 = arith.constant 160 : index
      %parallel_loop3A_158 = tpu.vector_load %arg5[%parallel_loop3A_156, %parallel_loop3A_157] {strides = array<i32>} : memref<64x384xf32, #tpu.memory_space<vmem>>, vector<16xf32>,
      %parallel_loop3A_159 = arith.index_cast %parallel_loop3A_104 : i32 to index
      %parallel_loop3A_160 = arith.constant 288 : index
      %parallel_loop3A_161 = tpu.vector_load %arg5[%parallel_loop3A_159, %parallel_loop3A_160] {strides = array<i32>} : memref<64x384xf32, #tpu.memory_space<vmem>>, vector<16xf32>,
      %parallel_loop3A_162 = arith.mulf %parallel_loop3A_155, %parallel_loop3A_155 : vector<16xf32>
      %parallel_loop3A_163 = arith.mulf %parallel_loop3A_158, %parallel_loop3A_158 : vector<16xf32>
      %parallel_loop3A_164 = arith.addf %parallel_loop3A_162, %parallel_loop3A_163 : vector<16xf32>
      %parallel_loop3A_165 = arith.mulf %parallel_loop3A_161, %parallel_loop3A_161 : vector<16xf32>
      %parallel_loop3A_166 = arith.addf %parallel_loop3A_164, %parallel_loop3A_165 : vector<16xf32>
      %parallel_loop3A_167 = arith.constant 5.55165291 : f32
      %parallel_loop3A_168 = vector.broadcast %parallel_loop3A_167 : f32 to vector<16xf32>
      %parallel_loop3A_169 = arith.cmpf ogt, %parallel_loop3A_166, %parallel_loop3A_168 : vector<16xf32>
      %parallel_loop3A_170 = arith.extui %parallel_loop3A_169 : vector<16xi1> to vector<16xi32>
      %parallel_loop3A_171 = arith.constant 128 : i32
      %parallel_loop3A_172 = arith.muli %parallel_loop3A_104, %parallel_loop3A_171 : i32
      %parallel_loop3A_173 = arith.constant 32 : i32
      %parallel_loop3A_174 = arith.addi %parallel_loop3A_172, %parallel_loop3A_173 : i32
      %parallel_loop3A_175 = arith.index_cast %parallel_loop3A_174 : i32 to index
      %parallel_loop3A_176 = tpu.vector_load %arg7[%parallel_loop3A_175] {strides = array<i32>} : memref<8192xi32, #tpu.memory_space<vmem>>, vector<16xi32>,
      tpu.vector_store %arg7[%parallel_loop3A_175], %parallel_loop3A_170 {strides = array<i32>} : memref<8192xi32, #tpu.memory_space<vmem>>, vector<16xi32>,
      %parallel_loop3A_177 = arith.index_cast %parallel_loop3A_104 : i32 to index
      %parallel_loop3A_178 = arith.constant 48 : index
      %parallel_loop3A_179 = tpu.vector_load %arg5[%parallel_loop3A_177, %parallel_loop3A_178] {strides = array<i32>} : memref<64x384xf32, #tpu.memory_space<vmem>>, vector<16xf32>,
      %parallel_loop3A_180 = arith.index_cast %parallel_loop3A_104 : i32 to index
      %parallel_loop3A_181 = arith.constant 176 : index
      %parallel_loop3A_182 = tpu.vector_load %arg5[%parallel_loop3A_180, %parallel_loop3A_181] {strides = array<i32>} : memref<64x384xf32, #tpu.memory_space<vmem>>, vector<16xf32>,
      %parallel_loop3A_183 = arith.index_cast %parallel_loop3A_104 : i32 to index
      %parallel_loop3A_184 = arith.constant 304 : index
      %parallel_loop3A_185 = tpu.vector_load %arg5[%parallel_loop3A_183, %parallel_loop3A_184] {strides = array<i32>} : memref<64x384xf32, #tpu.memory_space<vmem>>, vector<16xf32>,
      %parallel_loop3A_186 = arith.mulf %parallel_loop3A_179, %parallel_loop3A_179 : vector<16xf32>
      %parallel_loop3A_187 = arith.mulf %parallel_loop3A_182, %parallel_loop3A_182 : vector<16xf32>
      %parallel_loop3A_188 = arith.addf %parallel_loop3A_186, %parallel_loop3A_187 : vector<16xf32>
      %parallel_loop3A_189 = arith.mulf %parallel_loop3A_185, %parallel_loop3A_185 : vector<16xf32>
      %parallel_loop3A_190 = arith.addf %parallel_loop3A_188, %parallel_loop3A_189 : vector<16xf32>
      %parallel_loop3A_191 = arith.constant 5.55165291 : f32
      %parallel_loop3A_192 = vector.broadcast %parallel_loop3A_191 : f32 to vector<16xf32>
      %parallel_loop3A_193 = arith.cmpf ogt, %parallel_loop3A_190, %parallel_loop3A_192 : vector<16xf32>
      %parallel_loop3A_194 = arith.extui %parallel_loop3A_193 : vector<16xi1> to vector<16xi32>
      %parallel_loop3A_195 = arith.constant 128 : i32
      %parallel_loop3A_196 = arith.muli %parallel_loop3A_104, %parallel_loop3A_195 : i32
      %parallel_loop3A_197 = arith.constant 48 : i32
      %parallel_loop3A_198 = arith.addi %parallel_loop3A_196, %parallel_loop3A_197 : i32
      %parallel_loop3A_199 = arith.index_cast %parallel_loop3A_198 : i32 to index
      %parallel_loop3A_200 = tpu.vector_load %arg7[%parallel_loop3A_199] {strides = array<i32>} : memref<8192xi32, #tpu.memory_space<vmem>>, vector<16xi32>,
      tpu.vector_store %arg7[%parallel_loop3A_199], %parallel_loop3A_194 {strides = array<i32>} : memref<8192xi32, #tpu.memory_space<vmem>>, vector<16xi32>,
      %parallel_loop3A_201 = arith.index_cast %parallel_loop3A_104 : i32 to index
      %parallel_loop3A_202 = arith.constant 64 : index
      %parallel_loop3A_203 = tpu.vector_load %arg5[%parallel_loop3A_201, %parallel_loop3A_202] {strides = array<i32>} : memref<64x384xf32, #tpu.memory_space<vmem>>, vector<16xf32>,
      %parallel_loop3A_204 = arith.index_cast %parallel_loop3A_104 : i32 to index
      %parallel_loop3A_205 = arith.constant 192 : index
      %parallel_loop3A_206 = tpu.vector_load %arg5[%parallel_loop3A_204, %parallel_loop3A_205] {strides = array<i32>} : memref<64x384xf32, #tpu.memory_space<vmem>>, vector<16xf32>,
      %parallel_loop3A_207 = arith.index_cast %parallel_loop3A_104 : i32 to index
      %parallel_loop3A_208 = arith.constant 320 : index
      %parallel_loop3A_209 = tpu.vector_load %arg5[%parallel_loop3A_207, %parallel_loop3A_208] {strides = array<i32>} : memref<64x384xf32, #tpu.memory_space<vmem>>, vector<16xf32>,
      %parallel_loop3A_210 = arith.mulf %parallel_loop3A_203, %parallel_loop3A_203 : vector<16xf32>
      %parallel_loop3A_211 = arith.mulf %parallel_loop3A_206, %parallel_loop3A_206 : vector<16xf32>
      %parallel_loop3A_212 = arith.addf %parallel_loop3A_210, %parallel_loop3A_211 : vector<16xf32>
      %parallel_loop3A_213 = arith.mulf %parallel_loop3A_209, %parallel_loop3A_209 : vector<16xf32>
      %parallel_loop3A_214 = arith.addf %parallel_loop3A_212, %parallel_loop3A_213 : vector<16xf32>
      %parallel_loop3A_215 = arith.constant 5.55165291 : f32
      %parallel_loop3A_216 = vector.broadcast %parallel_loop3A_215 : f32 to vector<16xf32>
      %parallel_loop3A_217 = arith.cmpf ogt, %parallel_loop3A_214, %parallel_loop3A_216 : vector<16xf32>
      %parallel_loop3A_218 = arith.extui %parallel_loop3A_217 : vector<16xi1> to vector<16xi32>
      %parallel_loop3A_219 = arith.constant 128 : i32
      %parallel_loop3A_220 = arith.muli %parallel_loop3A_104, %parallel_loop3A_219 : i32
      %parallel_loop3A_221 = arith.constant 64 : i32
      %parallel_loop3A_222 = arith.addi %parallel_loop3A_220, %parallel_loop3A_221 : i32
      %parallel_loop3A_223 = arith.index_cast %parallel_loop3A_222 : i32 to index
      %parallel_loop3A_224 = tpu.vector_load %arg7[%parallel_loop3A_223] {strides = array<i32>} : memref<8192xi32, #tpu.memory_space<vmem>>, vector<16xi32>,
      tpu.vector_store %arg7[%parallel_loop3A_223], %parallel_loop3A_218 {strides = array<i32>} : memref<8192xi32, #tpu.memory_space<vmem>>, vector<16xi32>,
      %parallel_loop3A_225 = arith.index_cast %parallel_loop3A_104 : i32 to index
      %parallel_loop3A_226 = arith.constant 80 : index
      %parallel_loop3A_227 = tpu.vector_load %arg5[%parallel_loop3A_225, %parallel_loop3A_226] {strides = array<i32>} : memref<64x384xf32, #tpu.memory_space<vmem>>, vector<16xf32>,
      %parallel_loop3A_228 = arith.index_cast %parallel_loop3A_104 : i32 to index
      %parallel_loop3A_229 = arith.constant 208 : index
      %parallel_loop3A_230 = tpu.vector_load %arg5[%parallel_loop3A_228, %parallel_loop3A_229] {strides = array<i32>} : memref<64x384xf32, #tpu.memory_space<vmem>>, vector<16xf32>,
      %parallel_loop3A_231 = arith.index_cast %parallel_loop3A_104 : i32 to index
      %parallel_loop3A_232 = arith.constant 336 : index
      %parallel_loop3A_233 = tpu.vector_load %arg5[%parallel_loop3A_231, %parallel_loop3A_232] {strides = array<i32>} : memref<64x384xf32, #tpu.memory_space<vmem>>, vector<16xf32>,
      %parallel_loop3A_234 = arith.mulf %parallel_loop3A_227, %parallel_loop3A_227 : vector<16xf32>
      %parallel_loop3A_235 = arith.mulf %parallel_loop3A_230, %parallel_loop3A_230 : vector<16xf32>
      %parallel_loop3A_236 = arith.addf %parallel_loop3A_234, %parallel_loop3A_235 : vector<16xf32>
      %parallel_loop3A_237 = arith.mulf %parallel_loop3A_233, %parallel_loop3A_233 : vector<16xf32>
      %parallel_loop3A_238 = arith.addf %parallel_loop3A_236, %parallel_loop3A_237 : vector<16xf32>
      %parallel_loop3A_239 = arith.constant 5.55165291 : f32
      %parallel_loop3A_240 = vector.broadcast %parallel_loop3A_239 : f32 to vector<16xf32>
      %parallel_loop3A_241 = arith.cmpf ogt, %parallel_loop3A_238, %parallel_loop3A_240 : vector<16xf32>
      %parallel_loop3A_242 = arith.extui %parallel_loop3A_241 : vector<16xi1> to vector<16xi32>
      %parallel_loop3A_243 = arith.constant 128 : i32
      %parallel_loop3A_244 = arith.muli %parallel_loop3A_104, %parallel_loop3A_243 : i32
      %parallel_loop3A_245 = arith.constant 80 : i32
      %parallel_loop3A_246 = arith.addi %parallel_loop3A_244, %parallel_loop3A_245 : i32
      %parallel_loop3A_247 = arith.index_cast %parallel_loop3A_246 : i32 to index
      %parallel_loop3A_248 = tpu.vector_load %arg7[%parallel_loop3A_247] {strides = array<i32>} : memref<8192xi32, #tpu.memory_space<vmem>>, vector<16xi32>,
      tpu.vector_store %arg7[%parallel_loop3A_247], %parallel_loop3A_242 {strides = array<i32>} : memref<8192xi32, #tpu.memory_space<vmem>>, vector<16xi32>,
      %parallel_loop3A_249 = arith.index_cast %parallel_loop3A_104 : i32 to index
      %parallel_loop3A_250 = arith.constant 96 : index
      %parallel_loop3A_251 = tpu.vector_load %arg5[%parallel_loop3A_249, %parallel_loop3A_250] {strides = array<i32>} : memref<64x384xf32, #tpu.memory_space<vmem>>, vector<16xf32>,
      %parallel_loop3A_252 = arith.index_cast %parallel_loop3A_104 : i32 to index
      %parallel_loop3A_253 = arith.constant 224 : index
      %parallel_loop3A_254 = tpu.vector_load %arg5[%parallel_loop3A_252, %parallel_loop3A_253] {strides = array<i32>} : memref<64x384xf32, #tpu.memory_space<vmem>>, vector<16xf32>,
      %parallel_loop3A_255 = arith.index_cast %parallel_loop3A_104 : i32 to index
      %parallel_loop3A_256 = arith.constant 352 : index
      %parallel_loop3A_257 = tpu.vector_load %arg5[%parallel_loop3A_255, %parallel_loop3A_256] {strides = array<i32>} : memref<64x384xf32, #tpu.memory_space<vmem>>, vector<16xf32>,
      %parallel_loop3A_258 = arith.mulf %parallel_loop3A_251, %parallel_loop3A_251 : vector<16xf32>
      %parallel_loop3A_259 = arith.mulf %parallel_loop3A_254, %parallel_loop3A_254 : vector<16xf32>
      %parallel_loop3A_260 = arith.addf %parallel_loop3A_258, %parallel_loop3A_259 : vector<16xf32>
      %parallel_loop3A_261 = arith.mulf %parallel_loop3A_257, %parallel_loop3A_257 : vector<16xf32>
      %parallel_loop3A_262 = arith.addf %parallel_loop3A_260, %parallel_loop3A_261 : vector<16xf32>
      %parallel_loop3A_263 = arith.constant 5.55165291 : f32
      %parallel_loop3A_264 = vector.broadcast %parallel_loop3A_263 : f32 to vector<16xf32>
      %parallel_loop3A_265 = arith.cmpf ogt, %parallel_loop3A_262, %parallel_loop3A_264 : vector<16xf32>
      %parallel_loop3A_266 = arith.extui %parallel_loop3A_265 : vector<16xi1> to vector<16xi32>
      %parallel_loop3A_267 = arith.constant 128 : i32
      %parallel_loop3A_268 = arith.muli %parallel_loop3A_104, %parallel_loop3A_267 : i32
      %parallel_loop3A_269 = arith.constant 96 : i32
      %parallel_loop3A_270 = arith.addi %parallel_loop3A_268, %parallel_loop3A_269 : i32
      %parallel_loop3A_271 = arith.index_cast %parallel_loop3A_270 : i32 to index
      %parallel_loop3A_272 = tpu.vector_load %arg7[%parallel_loop3A_271] {strides = array<i32>} : memref<8192xi32, #tpu.memory_space<vmem>>, vector<16xi32>,
      tpu.vector_store %arg7[%parallel_loop3A_271], %parallel_loop3A_266 {strides = array<i32>} : memref<8192xi32, #tpu.memory_space<vmem>>, vector<16xi32>,
      %parallel_loop3A_273 = arith.index_cast %parallel_loop3A_104 : i32 to index
      %parallel_loop3A_274 = arith.constant 112 : index
      %parallel_loop3A_275 = tpu.vector_load %arg5[%parallel_loop3A_273, %parallel_loop3A_274] {strides = array<i32>} : memref<64x384xf32, #tpu.memory_space<vmem>>, vector<16xf32>,
      %parallel_loop3A_276 = arith.index_cast %parallel_loop3A_104 : i32 to index
      %parallel_loop3A_277 = arith.constant 240 : index
      %parallel_loop3A_278 = tpu.vector_load %arg5[%parallel_loop3A_276, %parallel_loop3A_277] {strides = array<i32>} : memref<64x384xf32, #tpu.memory_space<vmem>>, vector<16xf32>,
      %parallel_loop3A_279 = arith.index_cast %parallel_loop3A_104 : i32 to index
      %parallel_loop3A_280 = arith.constant 368 : index
      %parallel_loop3A_281 = tpu.vector_load %arg5[%parallel_loop3A_279, %parallel_loop3A_280] {strides = array<i32>} : memref<64x384xf32, #tpu.memory_space<vmem>>, vector<16xf32>,
      %parallel_loop3A_282 = arith.mulf %parallel_loop3A_275, %parallel_loop3A_275 : vector<16xf32>
      %parallel_loop3A_283 = arith.mulf %parallel_loop3A_278, %parallel_loop3A_278 : vector<16xf32>
      %parallel_loop3A_284 = arith.addf %parallel_loop3A_282, %parallel_loop3A_283 : vector<16xf32>
      %parallel_loop3A_285 = arith.mulf %parallel_loop3A_281, %parallel_loop3A_281 : vector<16xf32>
      %parallel_loop3A_286 = arith.addf %parallel_loop3A_284, %parallel_loop3A_285 : vector<16xf32>
      %parallel_loop3A_287 = arith.constant 5.55165291 : f32
      %parallel_loop3A_288 = vector.broadcast %parallel_loop3A_287 : f32 to vector<16xf32>
      %parallel_loop3A_289 = arith.cmpf ogt, %parallel_loop3A_286, %parallel_loop3A_288 : vector<16xf32>
      %parallel_loop3A_290 = arith.extui %parallel_loop3A_289 : vector<16xi1> to vector<16xi32>
      %parallel_loop3A_291 = arith.constant 128 : i32
      %parallel_loop3A_292 = arith.muli %parallel_loop3A_104, %parallel_loop3A_291 : i32
      %parallel_loop3A_293 = arith.constant 112 : i32
      %parallel_loop3A_294 = arith.addi %parallel_loop3A_292, %parallel_loop3A_293 : i32
      %parallel_loop3A_295 = arith.index_cast %parallel_loop3A_294 : i32 to index
      %parallel_loop3A_296 = tpu.vector_load %arg7[%parallel_loop3A_295] {strides = array<i32>} : memref<8192xi32, #tpu.memory_space<vmem>>, vector<16xi32>,
      tpu.vector_store %arg7[%parallel_loop3A_295], %parallel_loop3A_290 {strides = array<i32>} : memref<8192xi32, #tpu.memory_space<vmem>>, vector<16xi32>,
    } {sc.loop_unroll_factor = 4 : i64, sc.parallel_access}
    %add3A_57 = arith.constant 64 : i32
    %add3A_58 = arith.addi %mul3A_2, %add3A_57 : i32
    %mul3A_59 = arith.constant 128 : i32
    %mul3A_60 = arith.muli %add3A_58, %mul3A_59 : i32
    %multiple_of3A_61 = tpu.assume_multiple %mul3A_60, 8 : i32
    %dma_start3A_62 = tpu.memref_slice %arg3[%multiple_of3A_61] : memref<786432xi32, #tpu.memory_space<hbm>> -> memref<8192xi32, #tpu.memory_space<hbm>>
    %dma_start3A_63 = tpu.memref_slice %arg3[%multiple_of3A_61] : memref<786432xi32, #tpu.memory_space<hbm>> -> memref<8192xi32, #tpu.memory_space<hbm>>
    tpu.enqueue_dma source(%arg7 : memref<8192xi32, #tpu.memory_space<vmem>>) target(%dma_start3A_63 : memref<8192xi32, #tpu.memory_space<hbm>>) target_semaphore(%arg11 : memref<!tpu.dma_semaphore, #tpu.memory_space<semaphore_mem>>)
    %add3A_64 = arith.constant 128 : i32
    %add3A_65 = arith.addi %mul3A_2, %add3A_64 : i32
    %dma_wait3A_66 = arith.constant 0 : i32
    %dma_wait3A_67 = arith.constant 0 : i32
    %dma_wait3A_68 = tpu.memref_slice %arg2[%dma_wait3A_66, %add3A_65, %dma_wait3A_67] : memref<2x8192x1024xf32, #tpu.memory_space<hbm>> -> memref<1x64x384xf32, #tpu.memory_space<hbm>>
    %dma_wait3A_69 = tpu.memref_squeeze %dma_wait3A_68 : memref<1x64x384xf32, #tpu.memory_space<hbm>> -> memref<64x384xf32, #tpu.memory_space<hbm>>
    %dma_wait3A_70 = arith.constant 0 : i32
    %dma_wait3A_71 = tpu.memref_slice %arg2[%dma_wait3A_66, %add3A_65, %dma_wait3A_70] : memref<2x8192x1024xf32, #tpu.memory_space<hbm>> -> memref<1x64x384xf32, #tpu.memory_space<hbm>>
    %dma_wait3A_72 = tpu.memref_squeeze %dma_wait3A_71 : memref<1x64x384xf32, #tpu.memory_space<hbm>> -> memref<64x384xf32, #tpu.memory_space<hbm>>
    tpu.wait_dma2 semaphore(%arg8 : memref<!tpu.dma_semaphore, #tpu.memory_space<semaphore_mem>>) src(%dma_wait3A_72 : memref<64x384xf32, #tpu.memory_space<hbm>>) dst(%arg4 : memref<64x384xf32, #tpu.memory_space<vmem>>)
    %add3A_73 = arith.constant 0 : i32
    %add3A_74 = arith.addi %mul3A_2, %add3A_73 : i32
    %mul3A_75 = arith.constant 128 : i32
    %mul3A_76 = arith.muli %add3A_74, %mul3A_75 : i32
    %multiple_of3A_77 = tpu.assume_multiple %mul3A_76, 8 : i32
    %dma_wait3A_78 = tpu.memref_slice %arg3[%multiple_of3A_77] : memref<786432xi32, #tpu.memory_space<hbm>> -> memref<8192xi32, #tpu.memory_space<hbm>>
    %dma_wait3A_79 = tpu.memref_slice %arg3[%multiple_of3A_77] : memref<786432xi32, #tpu.memory_space<hbm>> -> memref<8192xi32, #tpu.memory_space<hbm>>
    tpu.wait_dma2 semaphore(%arg10 : memref<!tpu.dma_semaphore, #tpu.memory_space<semaphore_mem>>) src(%arg6 : memref<8192xi32, #tpu.memory_space<vmem>>) dst(%dma_wait3A_79 : memref<8192xi32, #tpu.memory_space<hbm>>)
    %parallel_loop3A_80 = arith.constant 0 : i32
    %parallel_loop3A_81 = arith.constant 64 : i32
    %parallel_loop3A_82 = arith.constant 1 : i32
    scf.for %parallel_loop3A_104 = %parallel_loop3A_80 to %parallel_loop3A_81 step %parallel_loop3A_82  : i32 {
      %parallel_loop3A_105 = arith.index_cast %parallel_loop3A_104 : i32 to index
      %parallel_loop3A_106 = arith.constant 0 : index
      %parallel_loop3A_107 = tpu.vector_load %arg4[%parallel_loop3A_105, %parallel_loop3A_106] {strides = array<i32>} : memref<64x384xf32, #tpu.memory_space<vmem>>, vector<16xf32>,
      %parallel_loop3A_108 = arith.index_cast %parallel_loop3A_104 : i32 to index
      %parallel_loop3A_109 = arith.constant 128 : index
      %parallel_loop3A_110 = tpu.vector_load %arg4[%parallel_loop3A_108, %parallel_loop3A_109] {strides = array<i32>} : memref<64x384xf32, #tpu.memory_space<vmem>>, vector<16xf32>,
      %parallel_loop3A_111 = arith.index_cast %parallel_loop3A_104 : i32 to index
      %parallel_loop3A_112 = arith.constant 256 : index
      %parallel_loop3A_113 = tpu.vector_load %arg4[%parallel_loop3A_111, %parallel_loop3A_112] {strides = array<i32>} : memref<64x384xf32, #tpu.memory_space<vmem>>, vector<16xf32>,
      %parallel_loop3A_114 = arith.mulf %parallel_loop3A_107, %parallel_loop3A_107 : vector<16xf32>
      %parallel_loop3A_115 = arith.mulf %parallel_loop3A_110, %parallel_loop3A_110 : vector<16xf32>
      %parallel_loop3A_116 = arith.addf %parallel_loop3A_114, %parallel_loop3A_115 : vector<16xf32>
      %parallel_loop3A_117 = arith.mulf %parallel_loop3A_113, %parallel_loop3A_113 : vector<16xf32>
      %parallel_loop3A_118 = arith.addf %parallel_loop3A_116, %parallel_loop3A_117 : vector<16xf32>
      %parallel_loop3A_119 = arith.constant 5.55165291 : f32
      %parallel_loop3A_120 = vector.broadcast %parallel_loop3A_119 : f32 to vector<16xf32>
      %parallel_loop3A_121 = arith.cmpf ogt, %parallel_loop3A_118, %parallel_loop3A_120 : vector<16xf32>
      %parallel_loop3A_122 = arith.extui %parallel_loop3A_121 : vector<16xi1> to vector<16xi32>
      %parallel_loop3A_123 = arith.constant 128 : i32
      %parallel_loop3A_124 = arith.muli %parallel_loop3A_104, %parallel_loop3A_123 : i32
      %parallel_loop3A_125 = arith.constant 0 : i32
      %parallel_loop3A_126 = arith.addi %parallel_loop3A_124, %parallel_loop3A_125 : i32
      %parallel_loop3A_127 = arith.index_cast %parallel_loop3A_126 : i32 to index
      %parallel_loop3A_128 = tpu.vector_load %arg6[%parallel_loop3A_127] {strides = array<i32>} : memref<8192xi32, #tpu.memory_space<vmem>>, vector<16xi32>,
      tpu.vector_store %arg6[%parallel_loop3A_127], %parallel_loop3A_122 {strides = array<i32>} : memref<8192xi32, #tpu.memory_space<vmem>>, vector<16xi32>,
      %parallel_loop3A_129 = arith.index_cast %parallel_loop3A_104 : i32 to index
      %parallel_loop3A_130 = arith.constant 16 : index
      %parallel_loop3A_131 = tpu.vector_load %arg4[%parallel_loop3A_129, %parallel_loop3A_130] {strides = array<i32>} : memref<64x384xf32, #tpu.memory_space<vmem>>, vector<16xf32>,
      %parallel_loop3A_132 = arith.index_cast %parallel_loop3A_104 : i32 to index
      %parallel_loop3A_133 = arith.constant 144 : index
      %parallel_loop3A_134 = tpu.vector_load %arg4[%parallel_loop3A_132, %parallel_loop3A_133] {strides = array<i32>} : memref<64x384xf32, #tpu.memory_space<vmem>>, vector<16xf32>,
      %parallel_loop3A_135 = arith.index_cast %parallel_loop3A_104 : i32 to index
      %parallel_loop3A_136 = arith.constant 272 : index
      %parallel_loop3A_137 = tpu.vector_load %arg4[%parallel_loop3A_135, %parallel_loop3A_136] {strides = array<i32>} : memref<64x384xf32, #tpu.memory_space<vmem>>, vector<16xf32>,
      %parallel_loop3A_138 = arith.mulf %parallel_loop3A_131, %parallel_loop3A_131 : vector<16xf32>
      %parallel_loop3A_139 = arith.mulf %parallel_loop3A_134, %parallel_loop3A_134 : vector<16xf32>
      %parallel_loop3A_140 = arith.addf %parallel_loop3A_138, %parallel_loop3A_139 : vector<16xf32>
      %parallel_loop3A_141 = arith.mulf %parallel_loop3A_137, %parallel_loop3A_137 : vector<16xf32>
      %parallel_loop3A_142 = arith.addf %parallel_loop3A_140, %parallel_loop3A_141 : vector<16xf32>
      %parallel_loop3A_143 = arith.constant 5.55165291 : f32
      %parallel_loop3A_144 = vector.broadcast %parallel_loop3A_143 : f32 to vector<16xf32>
      %parallel_loop3A_145 = arith.cmpf ogt, %parallel_loop3A_142, %parallel_loop3A_144 : vector<16xf32>
      %parallel_loop3A_146 = arith.extui %parallel_loop3A_145 : vector<16xi1> to vector<16xi32>
      %parallel_loop3A_147 = arith.constant 128 : i32
      %parallel_loop3A_148 = arith.muli %parallel_loop3A_104, %parallel_loop3A_147 : i32
      %parallel_loop3A_149 = arith.constant 16 : i32
      %parallel_loop3A_150 = arith.addi %parallel_loop3A_148, %parallel_loop3A_149 : i32
      %parallel_loop3A_151 = arith.index_cast %parallel_loop3A_150 : i32 to index
      %parallel_loop3A_152 = tpu.vector_load %arg6[%parallel_loop3A_151] {strides = array<i32>} : memref<8192xi32, #tpu.memory_space<vmem>>, vector<16xi32>,
      tpu.vector_store %arg6[%parallel_loop3A_151], %parallel_loop3A_146 {strides = array<i32>} : memref<8192xi32, #tpu.memory_space<vmem>>, vector<16xi32>,
      %parallel_loop3A_153 = arith.index_cast %parallel_loop3A_104 : i32 to index
      %parallel_loop3A_154 = arith.constant 32 : index
      %parallel_loop3A_155 = tpu.vector_load %arg4[%parallel_loop3A_153, %parallel_loop3A_154] {strides = array<i32>} : memref<64x384xf32, #tpu.memory_space<vmem>>, vector<16xf32>,
      %parallel_loop3A_156 = arith.index_cast %parallel_loop3A_104 : i32 to index
      %parallel_loop3A_157 = arith.constant 160 : index
      %parallel_loop3A_158 = tpu.vector_load %arg4[%parallel_loop3A_156, %parallel_loop3A_157] {strides = array<i32>} : memref<64x384xf32, #tpu.memory_space<vmem>>, vector<16xf32>,
      %parallel_loop3A_159 = arith.index_cast %parallel_loop3A_104 : i32 to index
      %parallel_loop3A_160 = arith.constant 288 : index
      %parallel_loop3A_161 = tpu.vector_load %arg4[%parallel_loop3A_159, %parallel_loop3A_160] {strides = array<i32>} : memref<64x384xf32, #tpu.memory_space<vmem>>, vector<16xf32>,
      %parallel_loop3A_162 = arith.mulf %parallel_loop3A_155, %parallel_loop3A_155 : vector<16xf32>
      %parallel_loop3A_163 = arith.mulf %parallel_loop3A_158, %parallel_loop3A_158 : vector<16xf32>
      %parallel_loop3A_164 = arith.addf %parallel_loop3A_162, %parallel_loop3A_163 : vector<16xf32>
      %parallel_loop3A_165 = arith.mulf %parallel_loop3A_161, %parallel_loop3A_161 : vector<16xf32>
      %parallel_loop3A_166 = arith.addf %parallel_loop3A_164, %parallel_loop3A_165 : vector<16xf32>
      %parallel_loop3A_167 = arith.constant 5.55165291 : f32
      %parallel_loop3A_168 = vector.broadcast %parallel_loop3A_167 : f32 to vector<16xf32>
      %parallel_loop3A_169 = arith.cmpf ogt, %parallel_loop3A_166, %parallel_loop3A_168 : vector<16xf32>
      %parallel_loop3A_170 = arith.extui %parallel_loop3A_169 : vector<16xi1> to vector<16xi32>
      %parallel_loop3A_171 = arith.constant 128 : i32
      %parallel_loop3A_172 = arith.muli %parallel_loop3A_104, %parallel_loop3A_171 : i32
      %parallel_loop3A_173 = arith.constant 32 : i32
      %parallel_loop3A_174 = arith.addi %parallel_loop3A_172, %parallel_loop3A_173 : i32
      %parallel_loop3A_175 = arith.index_cast %parallel_loop3A_174 : i32 to index
      %parallel_loop3A_176 = tpu.vector_load %arg6[%parallel_loop3A_175] {strides = array<i32>} : memref<8192xi32, #tpu.memory_space<vmem>>, vector<16xi32>,
      tpu.vector_store %arg6[%parallel_loop3A_175], %parallel_loop3A_170 {strides = array<i32>} : memref<8192xi32, #tpu.memory_space<vmem>>, vector<16xi32>,
      %parallel_loop3A_177 = arith.index_cast %parallel_loop3A_104 : i32 to index
      %parallel_loop3A_178 = arith.constant 48 : index
      %parallel_loop3A_179 = tpu.vector_load %arg4[%parallel_loop3A_177, %parallel_loop3A_178] {strides = array<i32>} : memref<64x384xf32, #tpu.memory_space<vmem>>, vector<16xf32>,
      %parallel_loop3A_180 = arith.index_cast %parallel_loop3A_104 : i32 to index
      %parallel_loop3A_181 = arith.constant 176 : index
      %parallel_loop3A_182 = tpu.vector_load %arg4[%parallel_loop3A_180, %parallel_loop3A_181] {strides = array<i32>} : memref<64x384xf32, #tpu.memory_space<vmem>>, vector<16xf32>,
      %parallel_loop3A_183 = arith.index_cast %parallel_loop3A_104 : i32 to index
      %parallel_loop3A_184 = arith.constant 304 : index
      %parallel_loop3A_185 = tpu.vector_load %arg4[%parallel_loop3A_183, %parallel_loop3A_184] {strides = array<i32>} : memref<64x384xf32, #tpu.memory_space<vmem>>, vector<16xf32>,
      %parallel_loop3A_186 = arith.mulf %parallel_loop3A_179, %parallel_loop3A_179 : vector<16xf32>
      %parallel_loop3A_187 = arith.mulf %parallel_loop3A_182, %parallel_loop3A_182 : vector<16xf32>
      %parallel_loop3A_188 = arith.addf %parallel_loop3A_186, %parallel_loop3A_187 : vector<16xf32>
      %parallel_loop3A_189 = arith.mulf %parallel_loop3A_185, %parallel_loop3A_185 : vector<16xf32>
      %parallel_loop3A_190 = arith.addf %parallel_loop3A_188, %parallel_loop3A_189 : vector<16xf32>
      %parallel_loop3A_191 = arith.constant 5.55165291 : f32
      %parallel_loop3A_192 = vector.broadcast %parallel_loop3A_191 : f32 to vector<16xf32>
      %parallel_loop3A_193 = arith.cmpf ogt, %parallel_loop3A_190, %parallel_loop3A_192 : vector<16xf32>
      %parallel_loop3A_194 = arith.extui %parallel_loop3A_193 : vector<16xi1> to vector<16xi32>
      %parallel_loop3A_195 = arith.constant 128 : i32
      %parallel_loop3A_196 = arith.muli %parallel_loop3A_104, %parallel_loop3A_195 : i32
      %parallel_loop3A_197 = arith.constant 48 : i32
      %parallel_loop3A_198 = arith.addi %parallel_loop3A_196, %parallel_loop3A_197 : i32
      %parallel_loop3A_199 = arith.index_cast %parallel_loop3A_198 : i32 to index
      %parallel_loop3A_200 = tpu.vector_load %arg6[%parallel_loop3A_199] {strides = array<i32>} : memref<8192xi32, #tpu.memory_space<vmem>>, vector<16xi32>,
      tpu.vector_store %arg6[%parallel_loop3A_199], %parallel_loop3A_194 {strides = array<i32>} : memref<8192xi32, #tpu.memory_space<vmem>>, vector<16xi32>,
      %parallel_loop3A_201 = arith.index_cast %parallel_loop3A_104 : i32 to index
      %parallel_loop3A_202 = arith.constant 64 : index
      %parallel_loop3A_203 = tpu.vector_load %arg4[%parallel_loop3A_201, %parallel_loop3A_202] {strides = array<i32>} : memref<64x384xf32, #tpu.memory_space<vmem>>, vector<16xf32>,
      %parallel_loop3A_204 = arith.index_cast %parallel_loop3A_104 : i32 to index
      %parallel_loop3A_205 = arith.constant 192 : index
      %parallel_loop3A_206 = tpu.vector_load %arg4[%parallel_loop3A_204, %parallel_loop3A_205] {strides = array<i32>} : memref<64x384xf32, #tpu.memory_space<vmem>>, vector<16xf32>,
      %parallel_loop3A_207 = arith.index_cast %parallel_loop3A_104 : i32 to index
      %parallel_loop3A_208 = arith.constant 320 : index
      %parallel_loop3A_209 = tpu.vector_load %arg4[%parallel_loop3A_207, %parallel_loop3A_208] {strides = array<i32>} : memref<64x384xf32, #tpu.memory_space<vmem>>, vector<16xf32>,
      %parallel_loop3A_210 = arith.mulf %parallel_loop3A_203, %parallel_loop3A_203 : vector<16xf32>
      %parallel_loop3A_211 = arith.mulf %parallel_loop3A_206, %parallel_loop3A_206 : vector<16xf32>
      %parallel_loop3A_212 = arith.addf %parallel_loop3A_210, %parallel_loop3A_211 : vector<16xf32>
      %parallel_loop3A_213 = arith.mulf %parallel_loop3A_209, %parallel_loop3A_209 : vector<16xf32>
      %parallel_loop3A_214 = arith.addf %parallel_loop3A_212, %parallel_loop3A_213 : vector<16xf32>
      %parallel_loop3A_215 = arith.constant 5.55165291 : f32
      %parallel_loop3A_216 = vector.broadcast %parallel_loop3A_215 : f32 to vector<16xf32>
      %parallel_loop3A_217 = arith.cmpf ogt, %parallel_loop3A_214, %parallel_loop3A_216 : vector<16xf32>
      %parallel_loop3A_218 = arith.extui %parallel_loop3A_217 : vector<16xi1> to vector<16xi32>
      %parallel_loop3A_219 = arith.constant 128 : i32
      %parallel_loop3A_220 = arith.muli %parallel_loop3A_104, %parallel_loop3A_219 : i32
      %parallel_loop3A_221 = arith.constant 64 : i32
      %parallel_loop3A_222 = arith.addi %parallel_loop3A_220, %parallel_loop3A_221 : i32
      %parallel_loop3A_223 = arith.index_cast %parallel_loop3A_222 : i32 to index
      %parallel_loop3A_224 = tpu.vector_load %arg6[%parallel_loop3A_223] {strides = array<i32>} : memref<8192xi32, #tpu.memory_space<vmem>>, vector<16xi32>,
      tpu.vector_store %arg6[%parallel_loop3A_223], %parallel_loop3A_218 {strides = array<i32>} : memref<8192xi32, #tpu.memory_space<vmem>>, vector<16xi32>,
      %parallel_loop3A_225 = arith.index_cast %parallel_loop3A_104 : i32 to index
      %parallel_loop3A_226 = arith.constant 80 : index
      %parallel_loop3A_227 = tpu.vector_load %arg4[%parallel_loop3A_225, %parallel_loop3A_226] {strides = array<i32>} : memref<64x384xf32, #tpu.memory_space<vmem>>, vector<16xf32>,
      %parallel_loop3A_228 = arith.index_cast %parallel_loop3A_104 : i32 to index
      %parallel_loop3A_229 = arith.constant 208 : index
      %parallel_loop3A_230 = tpu.vector_load %arg4[%parallel_loop3A_228, %parallel_loop3A_229] {strides = array<i32>} : memref<64x384xf32, #tpu.memory_space<vmem>>, vector<16xf32>,
      %parallel_loop3A_231 = arith.index_cast %parallel_loop3A_104 : i32 to index
      %parallel_loop3A_232 = arith.constant 336 : index
      %parallel_loop3A_233 = tpu.vector_load %arg4[%parallel_loop3A_231, %parallel_loop3A_232] {strides = array<i32>} : memref<64x384xf32, #tpu.memory_space<vmem>>, vector<16xf32>,
      %parallel_loop3A_234 = arith.mulf %parallel_loop3A_227, %parallel_loop3A_227 : vector<16xf32>
      %parallel_loop3A_235 = arith.mulf %parallel_loop3A_230, %parallel_loop3A_230 : vector<16xf32>
      %parallel_loop3A_236 = arith.addf %parallel_loop3A_234, %parallel_loop3A_235 : vector<16xf32>
      %parallel_loop3A_237 = arith.mulf %parallel_loop3A_233, %parallel_loop3A_233 : vector<16xf32>
      %parallel_loop3A_238 = arith.addf %parallel_loop3A_236, %parallel_loop3A_237 : vector<16xf32>
      %parallel_loop3A_239 = arith.constant 5.55165291 : f32
      %parallel_loop3A_240 = vector.broadcast %parallel_loop3A_239 : f32 to vector<16xf32>
      %parallel_loop3A_241 = arith.cmpf ogt, %parallel_loop3A_238, %parallel_loop3A_240 : vector<16xf32>
      %parallel_loop3A_242 = arith.extui %parallel_loop3A_241 : vector<16xi1> to vector<16xi32>
      %parallel_loop3A_243 = arith.constant 128 : i32
      %parallel_loop3A_244 = arith.muli %parallel_loop3A_104, %parallel_loop3A_243 : i32
      %parallel_loop3A_245 = arith.constant 80 : i32
      %parallel_loop3A_246 = arith.addi %parallel_loop3A_244, %parallel_loop3A_245 : i32
      %parallel_loop3A_247 = arith.index_cast %parallel_loop3A_246 : i32 to index
      %parallel_loop3A_248 = tpu.vector_load %arg6[%parallel_loop3A_247] {strides = array<i32>} : memref<8192xi32, #tpu.memory_space<vmem>>, vector<16xi32>,
      tpu.vector_store %arg6[%parallel_loop3A_247], %parallel_loop3A_242 {strides = array<i32>} : memref<8192xi32, #tpu.memory_space<vmem>>, vector<16xi32>,
      %parallel_loop3A_249 = arith.index_cast %parallel_loop3A_104 : i32 to index
      %parallel_loop3A_250 = arith.constant 96 : index
      %parallel_loop3A_251 = tpu.vector_load %arg4[%parallel_loop3A_249, %parallel_loop3A_250] {strides = array<i32>} : memref<64x384xf32, #tpu.memory_space<vmem>>, vector<16xf32>,
      %parallel_loop3A_252 = arith.index_cast %parallel_loop3A_104 : i32 to index
      %parallel_loop3A_253 = arith.constant 224 : index
      %parallel_loop3A_254 = tpu.vector_load %arg4[%parallel_loop3A_252, %parallel_loop3A_253] {strides = array<i32>} : memref<64x384xf32, #tpu.memory_space<vmem>>, vector<16xf32>,
      %parallel_loop3A_255 = arith.index_cast %parallel_loop3A_104 : i32 to index
      %parallel_loop3A_256 = arith.constant 352 : index
      %parallel_loop3A_257 = tpu.vector_load %arg4[%parallel_loop3A_255, %parallel_loop3A_256] {strides = array<i32>} : memref<64x384xf32, #tpu.memory_space<vmem>>, vector<16xf32>,
      %parallel_loop3A_258 = arith.mulf %parallel_loop3A_251, %parallel_loop3A_251 : vector<16xf32>
      %parallel_loop3A_259 = arith.mulf %parallel_loop3A_254, %parallel_loop3A_254 : vector<16xf32>
      %parallel_loop3A_260 = arith.addf %parallel_loop3A_258, %parallel_loop3A_259 : vector<16xf32>
      %parallel_loop3A_261 = arith.mulf %parallel_loop3A_257, %parallel_loop3A_257 : vector<16xf32>
      %parallel_loop3A_262 = arith.addf %parallel_loop3A_260, %parallel_loop3A_261 : vector<16xf32>
      %parallel_loop3A_263 = arith.constant 5.55165291 : f32
      %parallel_loop3A_264 = vector.broadcast %parallel_loop3A_263 : f32 to vector<16xf32>
      %parallel_loop3A_265 = arith.cmpf ogt, %parallel_loop3A_262, %parallel_loop3A_264 : vector<16xf32>
      %parallel_loop3A_266 = arith.extui %parallel_loop3A_265 : vector<16xi1> to vector<16xi32>
      %parallel_loop3A_267 = arith.constant 128 : i32
      %parallel_loop3A_268 = arith.muli %parallel_loop3A_104, %parallel_loop3A_267 : i32
      %parallel_loop3A_269 = arith.constant 96 : i32
      %parallel_loop3A_270 = arith.addi %parallel_loop3A_268, %parallel_loop3A_269 : i32
      %parallel_loop3A_271 = arith.index_cast %parallel_loop3A_270 : i32 to index
      %parallel_loop3A_272 = tpu.vector_load %arg6[%parallel_loop3A_271] {strides = array<i32>} : memref<8192xi32, #tpu.memory_space<vmem>>, vector<16xi32>,
      tpu.vector_store %arg6[%parallel_loop3A_271], %parallel_loop3A_266 {strides = array<i32>} : memref<8192xi32, #tpu.memory_space<vmem>>, vector<16xi32>,
      %parallel_loop3A_273 = arith.index_cast %parallel_loop3A_104 : i32 to index
      %parallel_loop3A_274 = arith.constant 112 : index
      %parallel_loop3A_275 = tpu.vector_load %arg4[%parallel_loop3A_273, %parallel_loop3A_274] {strides = array<i32>} : memref<64x384xf32, #tpu.memory_space<vmem>>, vector<16xf32>,
      %parallel_loop3A_276 = arith.index_cast %parallel_loop3A_104 : i32 to index
      %parallel_loop3A_277 = arith.constant 240 : index
      %parallel_loop3A_278 = tpu.vector_load %arg4[%parallel_loop3A_276, %parallel_loop3A_277] {strides = array<i32>} : memref<64x384xf32, #tpu.memory_space<vmem>>, vector<16xf32>,
      %parallel_loop3A_279 = arith.index_cast %parallel_loop3A_104 : i32 to index
      %parallel_loop3A_280 = arith.constant 368 : index
      %parallel_loop3A_281 = tpu.vector_load %arg4[%parallel_loop3A_279, %parallel_loop3A_280] {strides = array<i32>} : memref<64x384xf32, #tpu.memory_space<vmem>>, vector<16xf32>,
      %parallel_loop3A_282 = arith.mulf %parallel_loop3A_275, %parallel_loop3A_275 : vector<16xf32>
      %parallel_loop3A_283 = arith.mulf %parallel_loop3A_278, %parallel_loop3A_278 : vector<16xf32>
      %parallel_loop3A_284 = arith.addf %parallel_loop3A_282, %parallel_loop3A_283 : vector<16xf32>
      %parallel_loop3A_285 = arith.mulf %parallel_loop3A_281, %parallel_loop3A_281 : vector<16xf32>
      %parallel_loop3A_286 = arith.addf %parallel_loop3A_284, %parallel_loop3A_285 : vector<16xf32>
      %parallel_loop3A_287 = arith.constant 5.55165291 : f32
      %parallel_loop3A_288 = vector.broadcast %parallel_loop3A_287 : f32 to vector<16xf32>
      %parallel_loop3A_289 = arith.cmpf ogt, %parallel_loop3A_286, %parallel_loop3A_288 : vector<16xf32>
      %parallel_loop3A_290 = arith.extui %parallel_loop3A_289 : vector<16xi1> to vector<16xi32>
      %parallel_loop3A_291 = arith.constant 128 : i32
      %parallel_loop3A_292 = arith.muli %parallel_loop3A_104, %parallel_loop3A_291 : i32
      %parallel_loop3A_293 = arith.constant 112 : i32
      %parallel_loop3A_294 = arith.addi %parallel_loop3A_292, %parallel_loop3A_293 : i32
      %parallel_loop3A_295 = arith.index_cast %parallel_loop3A_294 : i32 to index
      %parallel_loop3A_296 = tpu.vector_load %arg6[%parallel_loop3A_295] {strides = array<i32>} : memref<8192xi32, #tpu.memory_space<vmem>>, vector<16xi32>,
      tpu.vector_store %arg6[%parallel_loop3A_295], %parallel_loop3A_290 {strides = array<i32>} : memref<8192xi32, #tpu.memory_space<vmem>>, vector<16xi32>,
    } {sc.loop_unroll_factor = 4 : i64, sc.parallel_access}
    %add3A_83 = arith.constant 128 : i32
    %add3A_84 = arith.addi %mul3A_2, %add3A_83 : i32
    %mul3A_85 = arith.constant 128 : i32
    %mul3A_86 = arith.muli %add3A_84, %mul3A_85 : i32
    %multiple_of3A_87 = tpu.assume_multiple %mul3A_86, 8 : i32
    %dma_start3A_88 = tpu.memref_slice %arg3[%multiple_of3A_87] : memref<786432xi32, #tpu.memory_space<hbm>> -> memref<8192xi32, #tpu.memory_space<hbm>>
    %dma_start3A_89 = tpu.memref_slice %arg3[%multiple_of3A_87] : memref<786432xi32, #tpu.memory_space<hbm>> -> memref<8192xi32, #tpu.memory_space<hbm>>
    tpu.enqueue_dma source(%arg6 : memref<8192xi32, #tpu.memory_space<vmem>>) target(%dma_start3A_89 : memref<8192xi32, #tpu.memory_space<hbm>>) target_semaphore(%arg10 : memref<!tpu.dma_semaphore, #tpu.memory_space<semaphore_mem>>)
    %add3A_90 = arith.constant 64 : i32
    %add3A_91 = arith.addi %mul3A_2, %add3A_90 : i32
    %mul3A_92 = arith.constant 128 : i32
    %mul3A_93 = arith.muli %add3A_91, %mul3A_92 : i32
    %multiple_of3A_94 = tpu.assume_multiple %mul3A_93, 8 : i32
    %dma_wait3A_95 = tpu.memref_slice %arg3[%multiple_of3A_94] : memref<786432xi32, #tpu.memory_space<hbm>> -> memref<8192xi32, #tpu.memory_space<hbm>>
    %dma_wait3A_96 = tpu.memref_slice %arg3[%multiple_of3A_94] : memref<786432xi32, #tpu.memory_space<hbm>> -> memref<8192xi32, #tpu.memory_space<hbm>>
    tpu.wait_dma2 semaphore(%arg11 : memref<!tpu.dma_semaphore, #tpu.memory_space<semaphore_mem>>) src(%arg7 : memref<8192xi32, #tpu.memory_space<vmem>>) dst(%dma_wait3A_96 : memref<8192xi32, #tpu.memory_space<hbm>>)
    %add3A_97 = arith.constant 128 : i32
    %add3A_98 = arith.addi %mul3A_2, %add3A_97 : i32
    %mul3A_99 = arith.constant 128 : i32
    %mul3A_100 = arith.muli %add3A_98, %mul3A_99 : i32
    %multiple_of3A_101 = tpu.assume_multiple %mul3A_100, 8 : i32
    %dma_wait3A_102 = tpu.memref_slice %arg3[%multiple_of3A_101] : memref<786432xi32, #tpu.memory_space<hbm>> -> memref<8192xi32, #tpu.memory_space<hbm>>
    %dma_wait3A_103 = tpu.memref_slice %arg3[%multiple_of3A_101] : memref<786432xi32, #tpu.memory_space<hbm>> -> memref<8192xi32, #tpu.memory_space<hbm>>
    tpu.wait_dma2 semaphore(%arg10 : memref<!tpu.dma_semaphore, #tpu.memory_space<semaphore_mem>>) src(%arg6 : memref<8192xi32, #tpu.memory_space<vmem>>) dst(%dma_wait3A_103 : memref<8192xi32, #tpu.memory_space<hbm>>)
    return
  }
}

module attributes {stable_mosaic.version = 14 : i64} {
  func.func @_tc_body(%arg0: i32, %arg1: memref<1x256x8x128xf32, #tpu.memory_space<vmem>>, %arg2: memref<256x128xi32, #tpu.memory_space<vmem>>) attributes {dimension_semantics = [#tpu.dimension_semantics<arbitrary>], iteration_bounds = array<i64: 8>, scalar_prefetch = 0 : i64, scratch_operands = 0 : i64, tpu.core_type = #tpu.core_type<tc>, window_params = [{transform_indices = @transform_0, window_bounds = array<i64: 1, 256, 8, 128>}, {transform_indices = @transform_1, window_bounds = array<i64: 256, 128>}]} {
    %get3A = arith.constant 0 : index
    %get3A_0 = arith.constant 0 : index
    %get3A_1 = arith.constant 0 : index
    %get3A_2 = arith.constant 0 : index
    %get3A_3 = vector.load %arg1[%get3A, %get3A_0, %get3A_1, %get3A_2] : memref<1x256x8x128xf32, #tpu.memory_space<vmem>>, vector<1x256x8x128xf32>
    %get3A_4 = vector.shape_cast %get3A_3 : vector<1x256x8x128xf32> to vector<256x8x128xf32>
    %slice3A = vector.extract_strided_slice %get3A_4 {offsets = [0, 0, 0], sizes = [256, 1, 128], strides = [1, 1, 1]} : vector<256x8x128xf32> to vector<256x1x128xf32>
    %squeeze3A = vector.shape_cast %slice3A : vector<256x1x128xf32> to vector<256x128xf32>
    %slice3A_5 = vector.extract_strided_slice %get3A_4 {offsets = [0, 1, 0], sizes = [256, 1, 128], strides = [1, 1, 1]} : vector<256x8x128xf32> to vector<256x1x128xf32>
    %squeeze3A_6 = vector.shape_cast %slice3A_5 : vector<256x1x128xf32> to vector<256x128xf32>
    %slice3A_7 = vector.extract_strided_slice %get3A_4 {offsets = [0, 2, 0], sizes = [256, 1, 128], strides = [1, 1, 1]} : vector<256x8x128xf32> to vector<256x1x128xf32>
    %squeeze3A_8 = vector.shape_cast %slice3A_7 : vector<256x1x128xf32> to vector<256x128xf32>
    %mul3A = arith.mulf %squeeze3A, %squeeze3A : vector<256x128xf32>
    %mul3A_9 = arith.mulf %squeeze3A_6, %squeeze3A_6 : vector<256x128xf32>
    %add3A = arith.addf %mul3A, %mul3A_9 : vector<256x128xf32>
    %mul3A_10 = arith.mulf %squeeze3A_8, %squeeze3A_8 : vector<256x128xf32>
    %add3A_11 = arith.addf %add3A, %mul3A_10 : vector<256x128xf32>
    %gt3A = arith.constant 5.55165291 : f32
    %gt3A_12 = vector.broadcast %gt3A : f32 to vector<256x128xf32>
    %gt3A_13 = arith.cmpf ogt, %add3A_11, %gt3A_12 : vector<256x128xf32>
    %convert_element_type3A = arith.extui %gt3A_13 : vector<256x128xi1> to vector<256x128xi32>
    %swap3A = arith.constant 0 : index
    %swap3A_14 = arith.constant 0 : index
    %swap3A_15 = vector.load %arg2[%swap3A, %swap3A_14] : memref<256x128xi32, #tpu.memory_space<vmem>>, vector<256x128xi32>
    tpu.vector_store %arg2[%swap3A, %swap3A_14], %convert_element_type3A {strides = array<i32>} : memref<256x128xi32, #tpu.memory_space<vmem>>, vector<256x128xi32>,
    return
  }
  func.func @transform_0(%arg0: i32) -> (i32, i32, i32, i32) {
    %add3A = arith.constant 24 : i32
    %add3A_0 = arith.addi %add3A, %arg0 : i32
    %c0_i32 = arith.constant 0 : i32
    %c0_i32_1 = arith.constant 0 : i32
    %c0_i32_2 = arith.constant 0 : i32
    %c0_i32_3 = arith.constant 0 : i32
    return %c0_i32, %add3A_0, %c0_i32_1, %c0_i32_2 : i32, i32, i32, i32
  }
  func.func @transform_1(%arg0: i32) -> (i32, i32) {
    %c0_i32 = arith.constant 0 : i32
    %c0_i32_0 = arith.constant 0 : i32
    return %arg0, %c0_i32 : i32, i32
  }
}

</mosaic_0001>

<sc_bundles>
// kernel: kernel.4.cloned.1.call-start
scs
__scs_entry_jumppad:
0x0: {  	(pc) =	sbr.rel $0x88, $3  }
0x1: {  	(tag) =	ssettag $0x0;
	lr =	simm.s32 $0x1  }
0x2: {  	[smem:$0x3FA0] =	sst lr;
	_ =	strace $0xD0000000  }
0x3: {  	_ = 	snop  }
0x4: {  	_ = 	snop  }
0x5: {  	_ = 	snop  }
0x6: {  	_ = 	snop  }
0x7: {  	_ = 	snop  }
__scs_overlays_trampoline_lowered:
0x8: {  	[smem:$0x3FAF] =	sst s0  }
0x9: {  	[smem:$0x3FB0] =	sst s1  }
0xa: {  	[smem:$0x3FB1] =	sst s2  }
0xb: {  	[smem:$0x3FB2] =	sst s3  }
0xc: {  	[smem:$0x3FB3] =	sst s4  }
0xd: {  	[smem:$0x3FB4] =	sst s5  }
0xe: {  	[smem:$0x3FB5] =	sst s6  }
0xf: {  	[smem:$0x3FB6] =	sst s7  }
0x10: {  	[smem:$0x3FB7] =	sst s8  }
0x11: {  	[smem:$0x3FB8] =	sst s9;
	s0 =	simm.s32 @!p0 $0x0  }
0x12: {  	s1 =	sld [smem:$0x3F9E];
	s0 =	simm.s32 @p0 $0x1  }
0x13: {  	[smem:$0x3FB9] =	sst s0;
	s0 =	simm.s32 @!p1 $0x0  }
0x14: {  	s2 =	sld [smem:$0x3F9D];
	s0 =	simm.s32 @p1 $0x1  }
0x15: {  	[smem:$0x3FBA] =	sst s0;
	s0 =	simm.s32 @!p2 $0x0  }
0x16: {  	s3 =	sld [smem:$0x3FDB];
	s0 =	simm.s32 @p2 $0x1  }
0x17: {  	s4 =	simm.s32 $0x1BF5;
	[smem:$0x3FBC] =	sst s0  }
0x18: {  	s0 =	sld [smem:$0x3F9F];
	_ =	swait.ge [sflag:s4], $0x0  }
0x19: {  	s7 =	sld [smem:$0x3FA0]  }
0x1a: {  	s8 =	sadd.s32 $0xFFFFE003, lr  }
0x1b: {  	s9 =	sadd.s32 $0xFFFFFEF7, lr;
	s5 =	simm.s32 $0xFFFFFFFF;
	p2 =	slt.u32 s8, $0xFFFFF086  }
0x1c: {  	p1 =	slt.u32 s9, $0xF7A;
	s5 =	simm.s32 @!p2 $0x0  }
0x1d: {  	s5 =	simm.s32 @p1 $0x1;
	p0 =	seq.s32 s7, s2  }
0x1e: {  	s7 =	smul.u32 @!p0 $0xF7A, s2;
	p2 =	seq.s32 @!p0 s5, $0x0  }
0x1f: {  	s9 =	smul.u32 $0xF7A, s1;
	s8 =	simm.s32 @!p0 $0x1BF5;
	p2 =	por !p2, p0  }
0x20: {  	[sflag:s8] =	ssyncset.s32 @!p0 $0xFFFFF086;
	s6 =	sadd.s32 @!p0 s3, s7;
	s7 =	simm.s32 @!p0 $0x108  }
0x21: {  	s3 =	sadd.s32 s3, s9;
	s6 =	sadd.s32 @!p0 $0x88, s6;
	s7 =	simm.s32 @p2 $0x1082  }
0x22: {  	[simem:s7], [sflag:s8] =	dma.local @!p0 [hbm:s6], $0xF7A  }
0x23: {  	s9 =	sor.u32 $0xD0000000, s2;
	s6 =	simm.s32 $0x108;
	_ =	swait.ge @!p0 [sflag:s8], $0x0  }
0x24: {  	s3 =	sadd.s32 $0x88, s3;
	s6 =	simm.s32 @!p1 $0x1082;
	[sflag:s4] =	ssyncset.s32 $0xFFFFF086  }
0x25: {  	[simem:s6], [sflag:s4] =	dma.local [hbm:s3], $0xF7A  }
0x26: {  	[smem:$0x3FA0] =	sst s1;
	(tag) =	ssettag s2;
	_ =	strace s9  }
0x27: {  	s1 =	sld [smem:$0x3FB0]  }
0x28: {  	s2 =	sld [smem:$0x3FB1]  }
0x29: {  	s4 =	sld [smem:$0x3FB3]  }
0x2a: {  	p0 =	seq.s32 s5, $0x0;
	s5 =	sld [smem:$0x3FB4]  }
0x2b: {  	s6 =	sld [smem:$0x3FB5]  }
0x2c: {  	s7 =	sld [smem:$0x3FB6]  }
0x2d: {  	s3 =	simm.s32 $0x108;
	s8 =	sld [smem:$0x3FB7]  }
0x2e: {  	s3 =	simm.s32 @!p0 $0x1082;
	s9 =	sld [smem:$0x3FB8]  }
0x2f: {  	lr =	sadd.s32 s0, s3;
	s0 =	sld [smem:$0x3FAF]  }
0x30: {  	s3 =	sld [smem:$0x3FB2]  }
0x31: {  	[smem:$0x3FBB] =	sst s10  }
0x32: {  	s10 =	sld [smem:$0x3FB9];
	_ =	sdelay $0x3  }
0x33: {  	p0 =	seq.s32 s10, $0x1;
	s10 =	sld [smem:$0x3FBB];
	_ =	sdelay $0x3  }
0x34: {  	[smem:$0x3FBB] =	sst s10  }
0x35: {  	s10 =	sld [smem:$0x3FBA];
	_ =	sdelay $0x3  }
0x36: {  	p1 =	seq.s32 s10, $0x1;
	s10 =	sld [smem:$0x3FBB];
	_ =	sdelay $0x3  }
0x37: {  	[smem:$0x3FBB] =	sst s10  }
0x38: {  	s10 =	sld [smem:$0x3FBC]  }
0x39: {  	_ = 	snop;
	(pc) =	sbr.ind lr, $3  }
0x3a: {  	_ = 	snop  }
0x3b: {  	_ = 	snop  }
0x3c: {  	p2 =	seq.s32 s10, $0x1;
	s10 =	sld [smem:$0x3FBB]  }
0x3d: {  	_ =	shalt  }
0x3e: {  	_ =	shalt  }
0x3f: {  	_ =	shalt  }
0x40: {  	_ =	shalt  }
0x41: {  	_ =	shalt  }
0x42: {  	_ =	shalt  }
0x43: {  	_ =	shalt  }
0x44: {  	_ =	shalt  }
0x45: {  	_ =	shalt  }
0x46: {  	_ =	shalt  }
0x47: {  	_ =	shalt  }
0x48: {  	_ =	shalt  }
0x49: {  	_ =	shalt  }
0x4a: {  	_ =	shalt  }
0x4b: {  	_ =	shalt  }
0x4c: {  	_ =	shalt  }
0x4d: {  	_ =	shalt  }
0x4e: {  	_ =	shalt  }
0x4f: {  	_ =	shalt  }
0x50: {  	_ =	shalt  }
0x51: {  	_ =	shalt  }
0x52: {  	_ =	shalt  }
0x53: {  	_ =	shalt  }
0x54: {  	_ =	shalt  }
0x55: {  	_ =	shalt  }
0x56: {  	_ =	shalt  }
0x57: {  	_ =	shalt  }
0x58: {  	_ =	shalt  }
0x59: {  	_ =	shalt  }
0x5a: {  	_ =	shalt  }
0x5b: {  	_ =	shalt  }
0x5c: {  	_ =	shalt  }
0x5d: {  	_ =	shalt  }
0x5e: {  	_ =	shalt  }
0x5f: {  	_ =	shalt  }
0x60: {  	_ =	shalt  }
0x61: {  	_ =	shalt  }
0x62: {  	_ =	shalt  }
0x63: {  	_ =	shalt  }
0x64: {  	_ =	shalt  }
0x65: {  	_ =	shalt  }
0x66: {  	_ =	shalt  }
0x67: {  	_ =	shalt  }
0x68: {  	_ =	shalt  }
0x69: {  	_ =	shalt  }
0x6a: {  	_ =	shalt  }
0x6b: {  	_ =	shalt  }
0x6c: {  	_ =	shalt  }
0x6d: {  	_ =	shalt  }
0x6e: {  	_ =	shalt  }
0x6f: {  	_ =	shalt  }
0x70: {  	_ =	shalt  }
0x71: {  	_ =	shalt  }
0x72: {  	_ =	shalt  }
0x73: {  	_ =	shalt  }
0x74: {  	_ =	shalt  }
0x75: {  	_ =	shalt  }
0x76: {  	_ =	shalt  }
0x77: {  	_ =	shalt  }
0x78: {  	_ =	shalt  }
0x79: {  	_ =	shalt  }
0x7a: {  	_ =	shalt  }
0x7b: {  	_ =	shalt  }
0x7c: {  	_ =	shalt  }
0x7d: {  	_ =	shalt  }
0x7e: {  	_ =	shalt  }
0x7f: {  	_ =	shalt  }
0x80: {  	_ =	shalt  }
0x81: {  	_ =	shalt  }
0x82: {  	_ =	shalt  }
0x83: {  	_ =	shalt  }
0x84: {  	_ =	shalt  }
0x85: {  	_ =	shalt  }
0x86: {  	_ =	shalt  }
0x87: {  	_ =	shalt  }
.Lfunc_end0:
.L_simem_size_0:
called_computation_lowered:
.L_overlay_start_0:
0x88: {  	s2 =	sld [smem:$0x3FD9]  }
0x89: {  	s3 =	sld [smem:$0x3FFE];
	_ =	sdelay $0x1  }
0x8a: {  	s1 =	srdreg.scid  }
0x8b: {  	s0 =	sand.u32 $0x1, s1  }
0x8c: {  	s17 =	sshll.u32 s0, $0xA;
	s2 =	sadd.s32 s3, s2  }
0x8d: {  	s2 =	sadd.s32 s2, s17  }
0x8e: {  	[smem:$0x3FC7] =	sst s2  }
0x8f: {  	_ = 	snop  }
0x90: {  	s2 =	sld [smem:$0x3FC9];
	(tm) =	ssettm $0x1  }
0x91: {  	s18 =	sld [smem:$0x3FFB];
	_ =	sdelay $0x3  }
0x92: {  	_ =	strace s18  }
0x93: {  	s3 =	sld [smem:$0x3FFC];
	_ =	sdelay $0x3  }
0x94: {  	_ =	strace s3  }
0x95: {  	s3 =	sld [smem:$0x3FFD];
	_ =	sdelay $0x3  }
0x96: {  	_ =	strace s3  }
0x97: {  	_ =	strace $0x8FFFFFFF  }
0x98: {  	s19 =	sld [smem:$0x3FDB];
	_ =	sdelay $0x1  }
0x99: {  	s4 =	simm.s32 $_scs_section_size  }
0x9a: {  	s5 =	simm.s32 $_size__tile_overlayer_lowered;
	s6 =	simm.s32 $_tile_overlayer_lowered  }
0x9b: {  	s22 =	simm.s32 $0x1BFF;
	s21 =	sshll.u32 s6, $0x1;
	s3 =	sadd.s32 s4, s19  }
0x9c: {  	s7 =	simm.s32 $0x0;
	s20 =	sshll.u32 s5, $0x1;
	s5 =	sadd.s32 s21, s3  }
0x9d: {  	[timem:s7], [sflag:s22] =	dma.local [hbm:s5], s20  }
0x9e: {  	_ =	swait.ge [sflag:s22], s20  }
0x9f: {  	s4 =	ssub.s32 $0x0, s20;
	[sflag:s22] =	ssyncset.done $0x0  }
0xa0: {  	[sflag:s22] =	ssyncadd.s32 s4;
	_ =	sdelay $0x1  }
0xa1: {  	s23 =	simm.s32 $0x1B8B  }
0xa2: {  	_ =	swait.ge [sflag:s23], $0x1  }
0xa3: {  	[sflag:s23] =	ssyncset.done $0x0  }
0xa4: {  	s25 =	simm.s32 $0x1B8E;
	s24 =	sld [smem:$0x3FFE];
	[sflag:s23] =	ssyncadd.s32 $0xFFFFFFFF  }
0xa5: {  	s26 =	simm.s32 $execute0_lowered;
	[smem:$0x3FD2] =	sst s25  }
0xa6: {  	s5 =	sshll.u32 s26, $0x1;
	_ =	strace $0x80000046;
	[dreg:$0x1] =	wrdreg $0xFFFFFFFF  }
0xa7: {  	s28 =	simm.s32 $_size_execute0_lowered;
	s3 =	sadd.s32 s3, s5;
	[dreg:$0x0] =	wrdreg $0x0  }
0xa8: {  	s5 =	sshll.u32 s28, $0x1;
	[dreg:$0x2] =	wrdreg s3  }
0xa9: {  	[dreg:$0x3] =	wrdreg s5  }
0xaa: {  	[dreg:$0x4] =	wrdreg $0xC0  }
0xab: {  	_ =	task [dreg:s7], $0x5FFFF  }
0xac: {  	[dreg:$0x1] =	wrdreg $0xFFFFFFFF  }
0xad: {  	[dreg:$0x0] =	wrdreg $0x60  }
0xae: {  	[dreg:$0x2] =	wrdreg s2  }
0xaf: {  	[dreg:$0x3] =	wrdreg s24  }
0xb0: {  	[dreg:$0x4] =	wrdreg $0x9  }
0xb1: {  	_ =	task.clear_ibuf [dreg:s7], $0x5FFFF;
	_ =	strace $0x90000046  }
0xb2: {  	s29 =	simm.s32 $0x9;
	_ =	strace $0x80000048  }
0xb3: {  	_ =	swait.ge [sflag:s29], $0x1  }
0xb4: {  	[sflag:s29] =	ssyncadd.s32 $0xFFFFFFFF  }
0xb5: {  	_ =	strace $0x90000048  }
0xb6: {  	_ =	sfence  }
0xb7: {  	s30 =	sld [smem:$0x0];
	_ =	sdelay $0x2  }
0xb8: {  	s31 =	sshll.u32 s1, $0xD;
	s1 =	sshrl.u32 s1, $0x2  }
0xb9: {  	s3 =	sand.u32 $0x4000, s31;
	s1 =	sadd.s32 s1, s30  }
0xba: {  	s0 =	sor.u32 s3, s0;
	s1 =	sshll.u32 s1, $0x11  }
0xbb: {  	s0 =	sor.u32 s1, s0  }
0xbc: {  	s0 =	sadd.s32 $0x8F2B, s0  }
0xbd: {  	[sflag:s0] =	ssyncadd.remote.s32 $0x1  }
0xbe: {  	_ =	sfence.sel $0xFFFF  }
0xbf: {  	[dreg:$0x0] =	wrdreg $0xFFFFFFFF;
	(pc) =	sbr.abs _section_cstart, $3  }
0xc0: {  	[dreg:$0x1] =	wrdreg $0xFFFFFFFF  }
0xc1: {  	_ =	task.clear_ibuf [dreg:s7], $0x2FFFF;
	_ =	strace $0x9FFFFFFF  }
0xc2: {  	(tm) =	ssettm $0x7FFFFFFF  }
0xc3: {  	_ =	shalt  }
tec
execute0_lowered:
.L_overlay_start_1:
0x0: {  	(tag) =	ssettag $0x1  }
0x1: {  	s6 =	rddreg [dreg:$0x0];
	s1 =	srdreg.scid  }
0x2: {  	s0 =	stileid.u32;
	s3 =	rddreg [dreg:$0x1];
	s2 =	simm.s32 $0x0  }
0x3: {  	s12 =	simm.s32 $0x6000;
	s13 =	simm.s32 $0x1;
	s14 =	simm.s32 $0xC000  }
0x4: {  	s15 =	simm.s32 $0x2;
	s16 =	simm.s32 $0xE000;
	s17 =	simm.s32 $0x3  }
0x5: {  	s18 =	simm.s32 $0x4;
	s4 =	sand.u32 $0x1, s1;
	s5 =	sshll.u32 s0, $0x1  }
0x6: {  	s19 =	simm.s32 $0x0;
	s1 =	rddreg [dreg:$0x2];
	s5 =	sor.u32 s4, s5  }
0x7: {  	[smem:$0x7FF] =	sst s2;
	s29 =	ssub.s32 $0x2, s4;
	s7 =	smul.u32 $0xC0, s5  }
0x8: {  	s8 =	sadd.s32 $0x400, s3;
	s4 =	sshrl.u32 s29, $0x1;
	s9 =	smul.u32 $0x6000, s5  }
0x9: {  	_ =	strace $0x80000047;
	s5 =	smul.u32 $0xC00, s5;
	s11 =	ssub.s32 s29, s4  }
0xa: {  	s10 =	sadd.s32 $0x40, s7;
	s3 =	sadd.s32 s6, s9;
	s31 =	sadd.s32 $0x80, s7  }
0xb: {  	s5 =	sadd.s32 s8, s5;
	s30 =	sshll.u32 s10, $0x7;
	s7 =	sshll.u32 s31, $0x7  }
0xc: {  	s10 =	sshll.u32 s10, $0x4;
	s9 =	sshll.u32 s31, $0x4;
	s4 =	sadd.s32 s6, s30  }
0xd: {  	s6 =	sadd.s32 s6, s7;
	s7 =	sadd.s32 s8, s10;
	s8 =	sadd.s32 s8, s9  }
0xe: {  	v0 =	vimm.s32 $0x0;
	s9 =	smax.u32 s11, $0x1;
	s10 =	simm.s32 $0x180;
	s11 =	simm.s32 $0x400  }
.LBB2_1:
0xf: {  	[tilespmem:s2], [sflag:$0x1] =	stream.strided.gather [hbm4b:s3+s10], $0x6000, s11, s10, $0x38;
	[tilespmem:$0x10000] =	vst v63  }
0x10: {  	_ = 	snop  }
0x11: {  	[tilespmem:s12], [sflag:$0x2] =	stream.strided.gather [hbm4b:s4+s10], $0x6000, s11, s10, $0x38;
	[tilespmem:$0x10000] =	vst v63  }
0x12: {  	_ =	swait.ge [sflag:s13], $0x6000  }
0x13: {  	[sflag:s13] =	ssyncset.done $0x0  }
0x14: {  	s25 =	simm.s32 $0x300;
	[sflag:s13] =	ssyncadd.s32 $0xFFFFA000  }
0x15: {  	v1 =	vld [tilespmem:s25+$0x180]  }
0x16: {  	v2 =	vld [tilespmem:s25+$0x200];
	_ =	sdelay $0x1  }
0x17: {  	v3 =	vld [tilespmem:s25+$0x280];
	_ =	sdelay $0x2  }
0x18: {  	v1 =	vmul.f32 v1, v1;
	v2 =	vmul.f32 v2, v2;
	_ =	sdelay $0x1  }
0x19: {  	v1 =	vadd.f32 v2, v1;
	v2 =	vmul.f32 v3, v3;
	_ =	sdelay $0x1  }
0x1a: {  	v1 =	vadd.f32 v2, v1;
	_ =	sdelay $0x1  }
0x1b: {  	vm0 =	vgt.f32 v1, $5.551652910e+00  }
0x1c: {  	s20 =	simm.s32 $0xC100;
	v1 =	vsel vm0, $0x1, v0  }
0x1d: {  	[tilespmem:s20+$0x80] =	vst v1  }
0x1e: {  	v1 =	vld [tilespmem:s25+$0x190]  }
0x1f: {  	v2 =	vld [tilespmem:s25+$0x210];
	_ =	sdelay $0x1  }
0x20: {  	v3 =	vld [tilespmem:s25+$0x290];
	_ =	sdelay $0x2  }
0x21: {  	v4 =	vld [tilespmem:s25+$0xFFFFFD80];
	v1 =	vmul.f32 v1, v1;
	v2 =	vmul.f32 v2, v2  }
0x22: {  	v5 =	vld [tilespmem:s25+$0xFFFFFE80]  }
0x23: {  	v6 =	vld [tilespmem:s25+$0xFFFFFD00];
	v1 =	vadd.f32 v2, v1;
	v2 =	vmul.f32 v3, v3  }
0x24: {  	v7 =	vld [tilespmem:s25+$0xFFFFFE00]  }
0x25: {  	v3 =	vld [tilespmem:s25+$0xFFFFFF00];
	v1 =	vadd.f32 v2, v1;
	_ =	sdelay $0x1  }
0x26: {  	v2 =	vld [tilespmem:s25+$0xFFFFFF80];
	vm10 =	vgt.f32 v1, $5.551652910e+00  }
0x27: {  	v1 =	vmul.f32 v4, v4;
	v4 =	vmul.f32 v6, v6;
	v6 =	vsel vm10, $0x1, v0  }
0x28: {  	v5 =	vmul.f32 v5, v5;
	[tilespmem:s20+$0x90] =	vst v6  }
0x29: {  	v3 =	vmul.f32 v3, v3;
	v1 =	vadd.f32 v1, v4;
	v4 =	vmul.f32 v7, v7;
	v6 =	vld [tilespmem:s25+$0x1A0]  }
0x2a: {  	v7 =	vld [tilespmem:s25+$0x220]  }
0x2b: {  	v8 =	vld [tilespmem:s25+$0x0];
	v3 =	vadd.f32 v3, v5;
	v2 =	vmul.f32 v2, v2;
	v1 =	vadd.f32 v4, v1  }
0x2c: {  	v4 =	vld [tilespmem:s25+$0x2A0]  }
0x2d: {  	v5 =	vld [tilespmem:s25+$0x80];
	vm11 =	vgt.f32 v1, $5.551652910e+00;
	v1 =	vadd.f32 v2, v3  }
0x2e: {  	v2 =	vsel vm11, $0x1, v0  }
0x2f: {  	v3 =	vld [tilespmem:s25+$0x100];
	vm12 =	vgt.f32 v1, $5.551652910e+00;
	[tilespmem:s20+$0xFFFFFF00] =	vst v2;
	v1 =	vmul.f32 v6, v6;
	v2 =	vmul.f32 v7, v7  }
0x30: {  	v6 =	vsel vm12, $0x1, v0;
	v7 =	vld [tilespmem:s25+$0xFFFFFD10]  }
0x31: {  	[tilespmem:s20+$0xFFFFFF80] =	vst v6;
	v6 =	vld [tilespmem:s25+$0xFFFFFD90];
	v1 =	vadd.f32 v2, v1;
	v2 =	vmul.f32 v4, v4  }
0x32: {  	v5 =	vmul.f32 v5, v5;
	v4 =	vmul.f32 v8, v8;
	v8 =	vld [tilespmem:s25+$0xFFFFFE90]  }
0x33: {  	v9 =	vld [tilespmem:s25+$0xFFFFFF10];
	v1 =	vadd.f32 v2, v1  }
0x34: {  	v3 =	vmul.f32 v3, v3;
	v2 =	vadd.f32 v5, v4;
	v4 =	vld [tilespmem:s25+$0xFFFFFE10]  }
0x35: {  	vm13 =	vgt.f32 v1, $5.551652910e+00  }
0x36: {  	v1 =	vadd.f32 v3, v2;
	v2 =	vld [tilespmem:s25+$0xFFFFFF90];
	v3 =	vsel vm13, $0x1, v0  }
0x37: {  	v5 =	vmul.f32 v7, v7;
	v6 =	vmul.f32 v6, v6;
	[tilespmem:s20+$0xA0] =	vst v3  }
0x38: {  	vm14 =	vgt.f32 v1, $5.551652910e+00;
	v1 =	vmul.f32 v8, v8;
	v3 =	vld [tilespmem:s25+$0x1B0]  }
0x39: {  	v5 =	vadd.f32 v6, v5;
	v6 =	vmul.f32 v9, v9;
	v4 =	vmul.f32 v4, v4;
	v7 =	vld [tilespmem:s25+$0x230]  }
0x3a: {  	v8 =	vsel vm14, $0x1, v0  }
0x3b: {  	[tilespmem:s20+$0x0] =	vst v8;
	v1 =	vadd.f32 v6, v1;
	v2 =	vmul.f32 v2, v2;
	v4 =	vadd.f32 v4, v5;
	v5 =	vld [tilespmem:s25+$0x2B0]  }
0x3c: {  	v6 =	vld [tilespmem:s25+$0x10]  }
0x3d: {  	v1 =	vadd.f32 v2, v1;
	vm15 =	vgt.f32 v4, $5.551652910e+00;
	v2 =	vld [tilespmem:s25+$0x90]  }
0x3e: {  	v4 =	vsel vm15, $0x1, v0;
	v3 =	vmul.f32 v3, v3;
	v7 =	vmul.f32 v7, v7  }
0x3f: {  	v8 =	vld [tilespmem:s25+$0x110];
	vm4 =	vgt.f32 v1, $5.551652910e+00;
	[tilespmem:s20+$0xFFFFFF10] =	vst v4  }
0x40: {  	v1 =	vsel vm4, $0x1, v0;
	v4 =	vld [tilespmem:s25+$0xFFFFFD20];
	v3 =	vadd.f32 v7, v3;
	v5 =	vmul.f32 v5, v5  }
0x41: {  	[tilespmem:s20+$0xFFFFFF90] =	vst v1;
	v1 =	vld [tilespmem:s25+$0xFFFFFDA0]  }
0x42: {  	v7 =	vld [tilespmem:s25+$0xFFFFFEA0];
	v3 =	vadd.f32 v5, v3;
	v5 =	vmul.f32 v6, v6;
	v2 =	vmul.f32 v2, v2  }
0x43: {  	v6 =	vld [tilespmem:s25+$0xFFFFFF20]  }
0x44: {  	v9 =	vld [tilespmem:s25+$0xFFFFFE20];
	vm5 =	vgt.f32 v3, $5.551652910e+00;
	v2 =	vadd.f32 v2, v5;
	v3 =	vmul.f32 v8, v8  }
0x45: {  	v5 =	vld [tilespmem:s25+$0xFFFFFFA0];
	v8 =	vsel vm5, $0x1, v0  }
0x46: {  	[tilespmem:s20+$0xB0] =	vst v8;
	v2 =	vadd.f32 v3, v2  }
0x47: {  	v3 =	vmul.f32 v4, v4;
	v1 =	vmul.f32 v1, v1;
	v4 =	vld [tilespmem:s25+$0x1C0]  }
0x48: {  	v7 =	vmul.f32 v7, v7;
	v6 =	vmul.f32 v6, v6;
	v8 =	vld [tilespmem:s25+$0x240];
	vm6 =	vgt.f32 v2, $5.551652910e+00  }
0x49: {  	v1 =	vadd.f32 v1, v3;
	v2 =	vmul.f32 v9, v9;
	v3 =	vsel vm6, $0x1, v0  }
0x4a: {  	v6 =	vadd.f32 v6, v7;
	v5 =	vmul.f32 v5, v5;
	v7 =	vld [tilespmem:s25+$0x2C0];
	[tilespmem:s20+$0x10] =	vst v3  }
0x4b: {  	v1 =	vadd.f32 v2, v1;
	v2 =	vld [tilespmem:s25+$0x20]  }
0x4c: {  	v3 =	vadd.f32 v5, v6;
	v5 =	vld [tilespmem:s25+$0xA0]  }
0x4d: {  	vm7 =	vgt.f32 v1, $5.551652910e+00;
	v1 =	vmul.f32 v4, v4;
	v4 =	vmul.f32 v8, v8  }
0x4e: {  	v8 =	vld [tilespmem:s25+$0x120];
	v6 =	vsel vm7, $0x1, v0  }
0x4f: {  	vm8 =	vgt.f32 v3, $5.551652910e+00;
	[tilespmem:s20+$0xFFFFFF20] =	vst v6;
	v1 =	vadd.f32 v4, v1;
	v3 =	vmul.f32 v7, v7  }
0x50: {  	v4 =	vsel vm8, $0x1, v0;
	v6 =	vld [tilespmem:s25+$0xFFFFFD30]  }
0x51: {  	[tilespmem:s20+$0xFFFFFFA0] =	vst v4;
	v4 =	vld [tilespmem:s25+$0xFFFFFDB0];
	v1 =	vadd.f32 v3, v1;
	v2 =	vmul.f32 v2, v2;
	v3 =	vmul.f32 v5, v5  }
0x52: {  	v5 =	vld [tilespmem:s25+$0xFFFFFEB0]  }
0x53: {  	v7 =	vld [tilespmem:s25+$0xFFFFFF30];
	vm9 =	vgt.f32 v1, $5.551652910e+00;
	v1 =	vadd.f32 v3, v2;
	v2 =	vmul.f32 v8, v8  }
0x54: {  	v9 =	vld [tilespmem:s25+$0xFFFFFFB0];
	v8 =	vsel vm9, $0x1, v0  }
0x55: {  	v3 =	vld [tilespmem:s25+$0xFFFFFE30];
	[tilespmem:s20+$0xC0] =	vst v8;
	v1 =	vadd.f32 v2, v1  }
0x56: {  	v2 =	vld [tilespmem:s25+$0x1D0]  }
0x57: {  	v8 =	vld [tilespmem:s25+$0x250];
	vm10 =	vgt.f32 v1, $5.551652910e+00  }
0x58: {  	v4 =	vmul.f32 v4, v4;
	v1 =	vmul.f32 v6, v6;
	v6 =	vsel vm10, $0x1, v0  }
0x59: {  	v5 =	vmul.f32 v5, v5;
	v7 =	vmul.f32 v7, v7;
	v10 =	vld [tilespmem:s25+$0x2D0];
	[tilespmem:s20+$0x20] =	vst v6  }
0x5a: {  	v3 =	vmul.f32 v3, v3;
	v1 =	vadd.f32 v4, v1;
	v4 =	vld [tilespmem:s25+$0x30]  }
0x5b: {  	v5 =	vadd.f32 v7, v5;
	v6 =	vmul.f32 v9, v9;
	v7 =	vld [tilespmem:s25+$0xB0]  }
0x5c: {  	v1 =	vadd.f32 v3, v1;
	v2 =	vmul.f32 v2, v2;
	v3 =	vmul.f32 v8, v8  }
0x5d: {  	v5 =	vadd.f32 v6, v5;
	v6 =	vld [tilespmem:s25+$0x130]  }
0x5e: {  	s22 =	simm.s32 $0x900;
	vm11 =	vgt.f32 v1, $5.551652910e+00;
	v1 =	vadd.f32 v3, v2;
	v2 =	vmul.f32 v10, v10  }
0x5f: {  	v11 =	vld [tilespmem:s22+$0x280];
	v3 =	vsel vm11, $0x1, v0  }
0x60: {  	v14 =	vld [tilespmem:s22+$0xFFFFFE80];
	[tilespmem:s20+$0xFFFFFF30] =	vst v3;
	v1 =	vadd.f32 v2, v1;
	v2 =	vmul.f32 v4, v4;
	v3 =	vmul.f32 v7, v7  }
0x61: {  	v15 =	vld [tilespmem:s22+$0xFFFFFF00]  }
0x62: {  	v17 =	vld [tilespmem:s22+$0xFFFFFF80];
	vm13 =	vgt.f32 v1, $5.551652910e+00;
	v1 =	vadd.f32 v3, v2;
	v2 =	vmul.f32 v6, v6  }
0x63: {  	v19 =	vld [tilespmem:s22+$0x100];
	v3 =	vsel vm13, $0x1, v0  }
0x64: {  	v9 =	vld [tilespmem:s22+$0x180];
	[tilespmem:s20+$0xD0] =	vst v3;
	v1 =	vadd.f32 v2, v1  }
0x65: {  	v2 =	vld [tilespmem:s25+$0x1E0]  }
0x66: {  	v3 =	vld [tilespmem:s25+$0x260];
	vm14 =	vgt.f32 v1, $5.551652910e+00  }
0x67: {  	v1 =	vld [tilespmem:s25+$0x2E0];
	v8 =	vsel vm14, $0x1, v0  }
0x68: {  	s23 =	simm.s32 $0xF00;
	[tilespmem:s20+$0x30] =	vst v8;
	v8 =	vld [tilespmem:s22+$0x200]  }
0x69: {  	v23 =	vld [tilespmem:s23+$0x180]  }
0x6a: {  	v24 =	vld [tilespmem:s23+$0x200]  }
0x6b: {  	v25 =	vld [tilespmem:s23+$0xFFFFFD80];
	v2 =	vmul.f32 v2, v2;
	v3 =	vmul.f32 v3, v3  }
0x6c: {  	v26 =	vld [tilespmem:s23+$0xFFFFFE80];
	vm12 =	vgt.f32 v5, $5.551652910e+00;
	v9 =	vmul.f32 v9, v9  }
0x6d: {  	v27 =	vld [tilespmem:s23+$0xFFFFFF00];
	v1 =	vmul.f32 v1, v1;
	v2 =	vadd.f32 v3, v2;
	v8 =	vmul.f32 v8, v8  }
0x6e: {  	v4 =	vsel vm12, $0x1, v0;
	v5 =	vld [tilespmem:s25+$0xFFFFFD40]  }
0x6f: {  	[tilespmem:s20+$0xFFFFFFB0] =	vst v4;
	v4 =	vld [tilespmem:s25+$0xFFFFFDC0];
	v1 =	vadd.f32 v1, v2;
	v2 =	vadd.f32 v8, v9;
	v8 =	vmul.f32 v11, v11  }
0x70: {  	v13 =	vld [tilespmem:s25+$0xFFFFFE40]  }
0x71: {  	v3 =	vld [tilespmem:s22+$0xFFFFFD80];
	v2 =	vadd.f32 v8, v2  }
0x72: {  	v8 =	vld [tilespmem:s22+$0xFFFFFD00]  }
0x73: {  	v28 =	vld [tilespmem:s23+$0x0];
	vm4 =	vgt.f32 v2, $5.551652910e+00  }
0x74: {  	s21 =	simm.s32 $0xC300;
	v4 =	vmul.f32 v4, v4;
	v2 =	vmul.f32 v5, v5;
	v5 =	vld [tilespmem:s22+$0xFFFFFE00];
	v16 =	vsel vm4, $0x1, v0  }
0x75: {  	v6 =	vld [tilespmem:s25+$0xFFFFFEC0];
	[tilespmem:s21+$0x80] =	vst v16  }
0x76: {  	v2 =	vadd.f32 v4, v2;
	v4 =	vmul.f32 v13, v13;
	v13 =	vld [tilespmem:s22+$0x190]  }
0x77: {  	v3 =	vmul.f32 v3, v3;
	v8 =	vmul.f32 v8, v8;
	v16 =	vld [tilespmem:s22+$0x210]  }
0x78: {  	v9 =	vld [tilespmem:s22+$0x0];
	v4 =	vadd.f32 v4, v2  }
0x79: {  	v18 =	vld [tilespmem:s22+$0x290];
	v8 =	vadd.f32 v3, v8;
	v5 =	vmul.f32 v5, v5  }
0x7a: {  	v14 =	vmul.f32 v14, v14;
	v11 =	vld [tilespmem:s22+$0x80];
	vm5 =	vgt.f32 v4, $5.551652910e+00;
	v4 =	vmul.f32 v15, v15  }
0x7b: {  	v7 =	vld [tilespmem:s25+$0xFFFFFF40];
	v5 =	vadd.f32 v5, v8;
	v8 =	vmul.f32 v17, v17  }
0x7c: {  	v10 =	vld [tilespmem:s25+$0x40];
	v4 =	vadd.f32 v4, v14;
	v13 =	vmul.f32 v13, v13;
	v16 =	vmul.f32 v16, v16  }
0x7d: {  	v6 =	vmul.f32 v6, v6;
	v12 =	vld [tilespmem:s25+$0xC0];
	v15 =	vsel vm5, $0x1, v0  }
0x7e: {  	v14 =	vld [tilespmem:s25+$0xFFFFFFC0];
	v4 =	vadd.f32 v8, v4;
	v8 =	vadd.f32 v16, v13;
	v13 =	vmul.f32 v18, v18  }
0x7f: {  	v9 =	vmul.f32 v9, v9;
	v11 =	vmul.f32 v11, v11;
	[tilespmem:s20+$0xFFFFFF40] =	vst v15;
	v15 =	vld [tilespmem:s25+$0x140]  }
0x80: {  	v7 =	vmul.f32 v7, v7;
	vm6 =	vgt.f32 v5, $5.551652910e+00;
	v5 =	vld [tilespmem:s25+$0xFFFFFD50];
	v8 =	vadd.f32 v13, v8  }
0x81: {  	v9 =	vadd.f32 v11, v9;
	v11 =	vld [tilespmem:s25+$0xFFFFFDD0];
	v34 =	vsel vm6, $0x1, v0;
	vm7 =	vgt.f32 v4, $5.551652910e+00  }
0x82: {  	v6 =	vadd.f32 v7, v6;
	[tilespmem:s21+$0xFFFFFF00] =	vst v34;
	v4 =	vld [tilespmem:s25+$0xFFFFFE50];
	v13 =	vsel vm7, $0x1, v0;
	vm8 =	vgt.f32 v8, $5.551652910e+00  }
0x83: {  	v10 =	vmul.f32 v10, v10;
	v7 =	vmul.f32 v12, v12;
	v16 =	vld [tilespmem:s22+$0xFFFFFD10];
	[tilespmem:s21+$0xFFFFFF80] =	vst v13;
	v36 =	vsel vm8, $0x1, v0  }
0x84: {  	v35 =	vmul.f32 v19, v19;
	v13 =	vld [tilespmem:s22+$0xFFFFFD90];
	[tilespmem:s21+$0x90] =	vst v36  }
0x85: {  	v7 =	vadd.f32 v7, v10;
	v38 =	vld [tilespmem:s22+$0x1A0]  }
0x86: {  	v9 =	vadd.f32 v35, v9;
	v12 =	vmul.f32 v14, v14;
	v10 =	vmul.f32 v15, v15;
	v14 =	vld [tilespmem:s22+$0x220]  }
0x87: {  	v5 =	vmul.f32 v5, v5;
	v11 =	vmul.f32 v11, v11;
	v8 =	vld [tilespmem:s22+$0xFFFFFE90]  }
0x88: {  	vm9 =	vgt.f32 v9, $5.551652910e+00;
	v6 =	vadd.f32 v12, v6;
	v12 =	vld [tilespmem:s22+$0x2A0]  }
0x89: {  	v37 =	vsel vm9, $0x1, v0;
	v9 =	vld [tilespmem:s22+$0xFFFFFF10];
	v7 =	vadd.f32 v10, v7;
	v5 =	vadd.f32 v11, v5  }
0x8a: {  	vm10 =	vgt.f32 v6, $5.551652910e+00;
	v6 =	vld [tilespmem:s22+$0xFFFFFE10];
	v4 =	vmul.f32 v4, v4;
	v16 =	vmul.f32 v16, v16  }
0x8b: {  	[tilespmem:s21+$0x0] =	vst v37;
	v39 =	vld [tilespmem:s22+$0xFFFFFF90];
	vm11 =	vgt.f32 v7, $5.551652910e+00;
	v18 =	vmul.f32 v38, v38;
	v14 =	vmul.f32 v14, v14  }
0x8c: {  	v17 =	vld [tilespmem:s22+$0x10];
	v10 =	vsel vm10, $0x1, v0;
	v4 =	vadd.f32 v4, v5;
	v5 =	vmul.f32 v13, v13  }
0x8d: {  	v15 =	vld [tilespmem:s22+$0x90];
	v8 =	vmul.f32 v8, v8;
	v12 =	vmul.f32 v12, v12;
	v14 =	vadd.f32 v14, v18  }
0x8e: {  	v58 =	vld [tilespmem:s23+$0x80];
	[tilespmem:s20+$0xFFFFFFC0] =	vst v10;
	vm12 =	vgt.f32 v4, $5.551652910e+00;
	v4 =	vadd.f32 v5, v16;
	v5 =	vmul.f32 v9, v9  }
0x8f: {  	v10 =	vsel vm11, $0x1, v0;
	v11 =	vld [tilespmem:s25+$0xFFFFFED0];
	v6 =	vmul.f32 v6, v6;
	v12 =	vadd.f32 v12, v14  }
0x90: {  	[tilespmem:s20+$0x40] =	vst v10;
	v10 =	vld [tilespmem:s25+$0xFFFFFF50];
	v5 =	vadd.f32 v5, v8;
	v8 =	vmul.f32 v39, v39  }
0x91: {  	v7 =	vld [tilespmem:s22+$0x110];
	v4 =	vadd.f32 v6, v4;
	v14 =	vsel vm12, $0x1, v0;
	vm13 =	vgt.f32 v12, $5.551652910e+00  }
0x92: {  	v40 =	vld [tilespmem:s25+$0xFFFFFFD0];
	[tilespmem:s20+$0xFFFFFF50] =	vst v14;
	v14 =	vmul.f32 v15, v15;
	v12 =	vmul.f32 v17, v17;
	v41 =	vsel vm13, $0x1, v0  }
0x93: {  	v13 =	vld [tilespmem:s25+$0x50];
	vm14 =	vgt.f32 v4, $5.551652910e+00;
	[tilespmem:s21+$0xA0] =	vst v41  }
0x94: {  	v5 =	vadd.f32 v8, v5;
	v8 =	vsel vm14, $0x1, v0;
	v12 =	vadd.f32 v14, v12;
	v14 =	vld [tilespmem:s22+$0x1B0]  }
0x95: {  	vm15 =	vgt.f32 v1, $5.551652910e+00;
	v11 =	vmul.f32 v11, v11;
	[tilespmem:s21+$0xFFFFFF10] =	vst v8;
	v8 =	vmul.f32 v10, v10;
	v4 =	vld [tilespmem:s22+$0x230]  }
0x96: {  	v1 =	vsel vm15, $0x1, v0;
	v9 =	vld [tilespmem:s25+$0xD0];
	v7 =	vmul.f32 v7, v7  }
0x97: {  	v16 =	vmul.f32 v40, v40;
	vm15 =	vgt.f32 v5, $5.551652910e+00;
	v8 =	vadd.f32 v8, v11;
	v5 =	vld [tilespmem:s22+$0x2B0]  }
0x98: {  	v15 =	vld [tilespmem:s25+$0x150];
	v10 =	vsel vm15, $0x1, v0  }
0x99: {  	v13 =	vmul.f32 v13, v13;
	[tilespmem:s21+$0xFFFFFF90] =	vst v10;
	v42 =	vld [tilespmem:s22+$0xFFFFFDA0];
	v7 =	vadd.f32 v7, v12;
	v8 =	vadd.f32 v16, v8  }
0x9a: {  	v11 =	vld [tilespmem:s22+$0xFFFFFEA0];
	v14 =	vmul.f32 v14, v14;
	v4 =	vmul.f32 v4, v4  }
0x9b: {  	v9 =	vmul.f32 v9, v9;
	vm4 =	vgt.f32 v7, $5.551652910e+00;
	v7 =	vld [tilespmem:s22+$0xFFFFFD20];
	vm5 =	vgt.f32 v8, $5.551652910e+00  }
0x9c: {  	v8 =	vld [tilespmem:s22+$0xFFFFFE20];
	v10 =	vsel vm4, $0x1, v0;
	v5 =	vmul.f32 v5, v5;
	v4 =	vadd.f32 v4, v14  }
0x9d: {  	[tilespmem:s21+$0x10] =	vst v10;
	v10 =	vld [tilespmem:s22+$0xFFFFFF20]  }
0x9e: {  	v9 =	vadd.f32 v9, v13;
	v43 =	vld [tilespmem:s22+$0x20];
	v14 =	vmul.f32 v15, v15;
	v4 =	vadd.f32 v5, v4  }
0x9f: {  	v13 =	vld [tilespmem:s22+$0xA0]  }
0xa0: {  	v5 =	vadd.f32 v14, v9;
	v9 =	vsel vm5, $0x1, v0;
	v14 =	vld [tilespmem:s22+$0xFFFFFFA0];
	vm6 =	vgt.f32 v4, $5.551652910e+00  }
0xa1: {  	v7 =	vmul.f32 v7, v7;
	[tilespmem:s20+$0xFFFFFFD0] =	vst v9;
	v9 =	vld [tilespmem:s22+$0x120];
	v4 =	vmul.f32 v42, v42;
	v15 =	vsel vm6, $0x1, v0  }
0xa2: {  	v6 =	vld [tilespmem:s25+$0xFFFFFD60];
	v11 =	vmul.f32 v11, v11;
	[tilespmem:s21+$0xB0] =	vst v15  }
0xa3: {  	v8 =	vmul.f32 v8, v8;
	v4 =	vadd.f32 v4, v7;
	v7 =	vmul.f32 v10, v10;
	v10 =	vld [tilespmem:s22+$0x1C0]  }
0xa4: {  	v13 =	vmul.f32 v13, v13;
	v15 =	vmul.f32 v43, v43;
	v46 =	vld [tilespmem:s22+$0x240]  }
0xa5: {  	v12 =	vld [tilespmem:s25+$0xFFFFFDE0];
	v14 =	vmul.f32 v14, v14;
	v4 =	vadd.f32 v8, v4  }
0xa6: {  	v7 =	vadd.f32 v7, v11;
	v8 =	vadd.f32 v13, v15;
	v9 =	vmul.f32 v9, v9;
	v13 =	vld [tilespmem:s22+$0x2C0]  }
0xa7: {  	vm1 =	vgt.f32 v5, $5.551652910e+00;
	v5 =	vld [tilespmem:s25+$0xFFFFFEE0];
	vm7 =	vgt.f32 v4, $5.551652910e+00  }
0xa8: {  	v45 =	vld [tilespmem:s25+$0xFFFFFF60];
	v7 =	vadd.f32 v14, v7;
	v4 =	vadd.f32 v9, v8;
	v8 =	vsel vm7, $0x1, v0  }
0xa9: {  	v9 =	vld [tilespmem:s25+$0xFFFFFE60];
	[tilespmem:s21+$0xFFFFFF20] =	vst v8;
	v8 =	vmul.f32 v10, v10;
	v10 =	vmul.f32 v46, v46  }
0xaa: {  	vm8 =	vgt.f32 v7, $5.551652910e+00;
	v7 =	vld [tilespmem:s25+$0xFFFFFFE0]  }
0xab: {  	v15 =	vsel vm8, $0x1, v0;
	v47 =	vld [tilespmem:s22+$0xFFFFFD30];
	v8 =	vadd.f32 v10, v8;
	v10 =	vmul.f32 v13, v13  }
0xac: {  	v6 =	vmul.f32 v6, v6;
	vm9 =	vgt.f32 v4, $5.551652910e+00;
	v4 =	vld [tilespmem:s22+$0xFFFFFDB0];
	[tilespmem:s21+$0xFFFFFFA0] =	vst v15  }
0xad: {  	v12 =	vmul.f32 v12, v12;
	v13 =	vsel vm9, $0x1, v0;
	v15 =	vld [tilespmem:s22+$0xFFFFFEB0];
	v8 =	vadd.f32 v10, v8  }
0xae: {  	[tilespmem:s21+$0x20] =	vst v13;
	v13 =	vld [tilespmem:s22+$0xFFFFFF30]  }
0xaf: {  	v6 =	vadd.f32 v12, v6;
	v5 =	vmul.f32 v5, v5;
	v50 =	vld [tilespmem:s22+$0xFFFFFFB0];
	vm10 =	vgt.f32 v8, $5.551652910e+00  }
0xb0: {  	v9 =	vmul.f32 v9, v9;
	v48 =	vld [tilespmem:s22+$0x30];
	v8 =	vmul.f32 v45, v45;
	v49 =	vsel vm10, $0x1, v0  }
0xb1: {  	v10 =	vld [tilespmem:s22+$0xFFFFFE30];
	[tilespmem:s21+$0xC0] =	vst v49  }
0xb2: {  	v7 =	vmul.f32 v7, v7;
	v6 =	vadd.f32 v9, v6;
	v5 =	vadd.f32 v8, v5;
	v9 =	vld [tilespmem:s22+$0x1D0]  }
0xb3: {  	v51 =	vld [tilespmem:s22+$0x250]  }
0xb4: {  	v12 =	vld [tilespmem:s22+$0xB0];
	v4 =	vmul.f32 v4, v4;
	v8 =	vmul.f32 v47, v47;
	v5 =	vadd.f32 v7, v5  }
0xb5: {  	v13 =	vmul.f32 v13, v13;
	v18 =	vld [tilespmem:s22+$0x2D0];
	v7 =	vmul.f32 v15, v15  }
0xb6: {  	v29 =	vld [tilespmem:s23+$0xFFFFFD00];
	v4 =	vadd.f32 v4, v8;
	vm12 =	vgt.f32 v5, $5.551652910e+00;
	v5 =	vmul.f32 v10, v10  }
0xb7: {  	vm11 =	vgt.f32 v6, $5.551652910e+00;
	v6 =	vld [tilespmem:s22+$0x130];
	v7 =	vadd.f32 v13, v7;
	v13 =	vmul.f32 v50, v50  }
0xb8: {  	v59 =	vld [tilespmem:s23+$0xFFFFFE00];
	v4 =	vadd.f32 v5, v4;
	v5 =	vmul.f32 v9, v9;
	v16 =	vmul.f32 v51, v51  }
0xb9: {  	v61 =	vld [tilespmem:s23+$0xFFFFFF80];
	[tilespmem:s20+$0xE0] =	vst v1;
	v17 =	vmul.f32 v48, v48;
	v12 =	vmul.f32 v12, v12  }
0xba: {  	v1 =	vld [tilespmem:s25+$0x1F0];
	v13 =	vadd.f32 v13, v7;
	v18 =	vmul.f32 v18, v18;
	v16 =	vadd.f32 v16, v5  }
0xbb: {  	v2 =	vld [tilespmem:s25+$0x270];
	v44 =	vsel vm1, $0x1, v0;
	v12 =	vadd.f32 v12, v17  }
0xbc: {  	v3 =	vld [tilespmem:s25+$0x2F0];
	[tilespmem:s20+$0x50] =	vst v44;
	v6 =	vmul.f32 v6, v6;
	vm14 =	vgt.f32 v13, $5.551652910e+00;
	v13 =	vadd.f32 v18, v16  }
0xbd: {  	v11 =	vld [tilespmem:s25+$0x60]  }
0xbe: {  	v14 =	vld [tilespmem:s25+$0xE0];
	v15 =	vsel vm11, $0x1, v0;
	v6 =	vadd.f32 v6, v12;
	vm15 =	vgt.f32 v13, $5.551652910e+00  }
0xbf: {  	[tilespmem:s20+$0xFFFFFF60] =	vst v15;
	v15 =	vld [tilespmem:s25+$0x160];
	v12 =	vsel vm15, $0x1, v0  }
0xc0: {  	v10 =	vld [tilespmem:s25+$0xFFFFFD70];
	vm4 =	vgt.f32 v6, $5.551652910e+00;
	[tilespmem:s21+$0xD0] =	vst v12  }
0xc1: {  	v6 =	vsel vm4, $0x1, v0;
	v12 =	vld [tilespmem:s22+$0x1E0]  }
0xc2: {  	v8 =	vsel vm12, $0x1, v0;
	[tilespmem:s21+$0x30] =	vst v6;
	v6 =	vld [tilespmem:s22+$0x260]  }
0xc3: {  	[tilespmem:s20+$0xFFFFFFE0] =	vst v8;
	v8 =	vld [tilespmem:s25+$0xFFFFFDF0]  }
0xc4: {  	v13 =	vld [tilespmem:s22+$0x2E0]  }
0xc5: {  	v9 =	vld [tilespmem:s25+$0xFFFFFEF0]  }
0xc6: {  	v7 =	vld [tilespmem:s25+$0xFFFFFF70]  }
0xc7: {  	vm13 =	vgt.f32 v4, $5.551652910e+00;
	v4 =	vld [tilespmem:s25+$0xFFFFFE70];
	v12 =	vmul.f32 v12, v12;
	v6 =	vmul.f32 v6, v6  }
0xc8: {  	v5 =	vld [tilespmem:s25+$0xFFFFFFF0];
	v52 =	vsel vm13, $0x1, v0  }
0xc9: {  	[tilespmem:s21+$0xFFFFFF30] =	vst v52;
	v6 =	vadd.f32 v6, v12;
	v12 =	vmul.f32 v13, v13;
	v13 =	vld [tilespmem:s23+$0x280]  }
0xca: {  	v53 =	vsel vm14, $0x1, v0;
	v17 =	vld [tilespmem:s22+$0xFFFFFD40]  }
0xcb: {  	[tilespmem:s21+$0xFFFFFFB0] =	vst v53;
	v54 =	vld [tilespmem:s22+$0xFFFFFDC0]  }
0xcc: {  	v57 =	vmul.f32 v24, v24;
	v55 =	vld [tilespmem:s22+$0xFFFFFEC0];
	v6 =	vadd.f32 v12, v6;
	v12 =	vmul.f32 v23, v23  }
0xcd: {  	v56 =	vld [tilespmem:s22+$0xFFFFFF40]  }
0xce: {  	v22 =	vld [tilespmem:s22+$0xFFFFFE40];
	vm5 =	vgt.f32 v6, $5.551652910e+00;
	v23 =	vadd.f32 v57, v12;
	v13 =	vmul.f32 v13, v13  }
0xcf: {  	v20 =	vld [tilespmem:s22+$0x40];
	v6 =	vsel vm5, $0x1, v0  }
0xd0: {  	v14 =	vmul.f32 v14, v14;
	v21 =	vld [tilespmem:s22+$0xC0];
	[tilespmem:s21+$0xE0] =	vst v6;
	v6 =	vmul.f32 v11, v11;
	v13 =	vadd.f32 v13, v23  }
0xd1: {  	v34 =	vld [tilespmem:s22+$0xFFFFFFC0];
	v17 =	vmul.f32 v17, v17;
	v16 =	vmul.f32 v54, v54  }
0xd2: {  	v15 =	vmul.f32 v15, v15;
	v38 =	vld [tilespmem:s22+$0x140];
	v14 =	vadd.f32 v14, v6;
	vm6 =	vgt.f32 v13, $5.551652910e+00  }
0xd3: {  	s24 =	simm.s32 $0xC500;
	v60 =	vmul.f32 v22, v22;
	v12 =	vld [tilespmem:s22+$0x1F0];
	v13 =	vadd.f32 v16, v17;
	v62 =	vsel vm6, $0x1, v0  }
0xd4: {  	v14 =	vadd.f32 v15, v14;
	v15 =	vld [tilespmem:s23+$0x100];
	[tilespmem:s24+$0x80] =	vst v62  }
0xd5: {  	v32 =	vmul.f32 v29, v29;
	v26 =	vmul.f32 v26, v26;
	v13 =	vadd.f32 v60, v13;
	v63 =	vld [tilespmem:s23+$0x190]  }
0xd6: {  	v28 =	vmul.f32 v28, v28;
	vm7 =	vgt.f32 v14, $5.551652910e+00;
	v14 =	vmul.f32 v25, v25;
	v33 =	vld [tilespmem:s23+$0x210]  }
0xd7: {  	v24 =	vmul.f32 v58, v58;
	v36 =	vmul.f32 v59, v59;
	v37 =	vld [tilespmem:s23+$0x290];
	vm8 =	vgt.f32 v13, $5.551652910e+00  }
0xd8: {  	v11 =	vld [tilespmem:s22+$0x270];
	v13 =	vmul.f32 v27, v27;
	v35 =	vsel vm8, $0x1, v0;
	v14 =	vadd.f32 v14, v32  }
0xd9: {  	v24 =	vadd.f32 v24, v28;
	v6 =	vld [tilespmem:s22+$0x2F0];
	v17 =	vmul.f32 v61, v61;
	[tilespmem:s21+$0xFFFFFF40] =	vst v35  }
0xda: {  	v13 =	vadd.f32 v13, v26;
	v15 =	vmul.f32 v15, v15;
	v14 =	vadd.f32 v36, v14;
	v40 =	vld [tilespmem:s22+$0xFFFFFD50]  }
0xdb: {  	v39 =	vsel vm7, $0x1, v0;
	v41 =	vld [tilespmem:s22+$0xFFFFFDD0];
	v16 =	vmul.f32 v63, v63;
	v25 =	vmul.f32 v33, v33  }
0xdc: {  	[tilespmem:s20+$0x60] =	vst v39;
	v42 =	vld [tilespmem:s22+$0xFFFFFE50];
	v23 =	vmul.f32 v37, v37;
	vm9 =	vgt.f32 v14, $5.551652910e+00;
	v14 =	vadd.f32 v17, v13  }
0xdd: {  	v15 =	vadd.f32 v15, v24;
	v13 =	vld [tilespmem:s25+$0x70];
	v43 =	vsel vm9, $0x1, v0;
	v16 =	vadd.f32 v25, v16  }
0xde: {  	v20 =	vmul.f32 v20, v20;
	vm10 =	vgt.f32 v14, $5.551652910e+00;
	[tilespmem:s24+$0xFFFFFF00] =	vst v43;
	v14 =	vld [tilespmem:s25+$0xF0]  }
0xdf: {  	v21 =	vmul.f32 v21, v21;
	vm11 =	vgt.f32 v15, $5.551652910e+00;
	v45 =	vld [tilespmem:s23+$0xFFFFFD10];
	v16 =	vadd.f32 v23, v16  }
0xe0: {  	v46 =	vsel vm11, $0x1, v0;
	v15 =	vld [tilespmem:s23+$0xFFFFFD90]  }
0xe1: {  	v20 =	vadd.f32 v21, v20;
	v26 =	vmul.f32 v38, v38;
	[tilespmem:s24+$0x0] =	vst v46;
	v58 =	vld [tilespmem:s23+$0xFFFFFE10];
	vm12 =	vgt.f32 v16, $5.551652910e+00  }
0xe2: {  	v1 =	vmul.f32 v1, v1;
	v2 =	vmul.f32 v2, v2;
	v51 =	vld [tilespmem:s23+$0x10];
	v50 =	vsel vm12, $0x1, v0  }
0xe3: {  	v47 =	vmul.f32 v55, v55;
	v20 =	vadd.f32 v26, v20;
	v55 =	vld [tilespmem:s23+$0x90];
	[tilespmem:s24+$0x90] =	vst v50  }
0xe4: {  	v3 =	vmul.f32 v3, v3;
	v1 =	vadd.f32 v2, v1;
	v48 =	vmul.f32 v56, v56;
	v53 =	vld [tilespmem:s23+$0x1A0]  }
0xe5: {  	vm14 =	vgt.f32 v20, $5.551652910e+00;
	v2 =	vmul.f32 v40, v40;
	v56 =	vmul.f32 v41, v41;
	v54 =	vld [tilespmem:s23+$0x220]  }
0xe6: {  	v52 =	vmul.f32 v34, v34;
	v63 =	vsel vm14, $0x1, v0;
	v61 =	vld [tilespmem:s23+$0x110];
	v16 =	vadd.f32 v48, v47  }
0xe7: {  	v44 =	vsel vm10, $0x1, v0;
	v17 =	vmul.f32 v42, v42;
	[tilespmem:s21+$0x40] =	vst v63;
	v2 =	vadd.f32 v56, v2;
	v57 =	vld [tilespmem:s23+$0x2A0]  }
0xe8: {  	v1 =	vadd.f32 v3, v1;
	v10 =	vmul.f32 v10, v10;
	[tilespmem:s24+$0xFFFFFF80] =	vst v44;
	v34 =	vld [tilespmem:s22+$0xD0];
	v16 =	vadd.f32 v52, v16  }
0xe9: {  	v24 =	vld [tilespmem:s23+$0xFFFFFE90];
	v2 =	vadd.f32 v17, v2;
	v25 =	vmul.f32 v45, v45;
	v15 =	vmul.f32 v15, v15  }
0xea: {  	v49 =	vld [tilespmem:s23+$0xFFFFFF10];
	vm13 =	vgt.f32 v16, $5.551652910e+00;
	v62 =	vmul.f32 v53, v53;
	v21 =	vmul.f32 v54, v54  }
0xeb: {  	v8 =	vmul.f32 v8, v8;
	v60 =	vld [tilespmem:s23+$0xFFFFFF90];
	vm15 =	vgt.f32 v2, $5.551652910e+00;
	v59 =	vsel vm13, $0x1, v0  }
0xec: {  	v2 =	vadd.f32 v15, v25;
	v15 =	vld [tilespmem:s22+$0x50];
	[tilespmem:s21+$0xFFFFFFC0] =	vst v59;
	v31 =	vmul.f32 v57, v57;
	v3 =	vadd.f32 v21, v62  }
0xed: {  	v7 =	vmul.f32 v7, v7;
	v16 =	vmul.f32 v58, v58;
	v30 =	vld [tilespmem:s22+$0xFFFFFED0]  }
0xee: {  	v23 =	vmul.f32 v51, v51;
	v35 =	vsel vm15, $0x1, v0;
	v32 =	vld [tilespmem:s22+$0xFFFFFF50];
	v3 =	vadd.f32 v31, v3  }
0xef: {  	v18 =	vmul.f32 v55, v55;
	v20 =	vmul.f32 v61, v61;
	[tilespmem:s21+$0xFFFFFF50] =	vst v35;
	v36 =	vld [tilespmem:s22+$0xFFFFFFD0];
	v2 =	vadd.f32 v16, v2  }
0xf0: {  	v33 =	vmul.f32 v24, v24;
	v19 =	vmul.f32 v49, v49;
	v40 =	vld [tilespmem:s22+$0xFFFFFD60];
	vm4 =	vgt.f32 v3, $5.551652910e+00  }
0xf1: {  	v37 =	vadd.f32 v18, v23;
	vm5 =	vgt.f32 v2, $5.551652910e+00;
	v2 =	vld [tilespmem:s22+$0xFFFFFDE0];
	v39 =	vsel vm4, $0x1, v0  }
0xf2: {  	vm6 =	vgt.f32 v1, $5.551652910e+00;
	v1 =	vmul.f32 v9, v9;
	v38 =	vmul.f32 v60, v60;
	v3 =	vld [tilespmem:s22+$0x150];
	[tilespmem:s24+$0xA0] =	vst v39  }
0xf3: {  	v19 =	vadd.f32 v19, v33;
	v9 =	vadd.f32 v20, v37;
	v41 =	vsel vm5, $0x1, v0;
	v22 =	vld [tilespmem:s23+$0x1B0]  }
0xf4: {  	v8 =	vadd.f32 v8, v10;
	[tilespmem:s24+$0xFFFFFF10] =	vst v41;
	v10 =	vmul.f32 v30, v30;
	v44 =	vmul.f32 v32, v32;
	v42 =	vld [tilespmem:s23+$0x230]  }
0xf5: {  	v4 =	vmul.f32 v4, v4;
	v18 =	vadd.f32 v38, v19;
	vm8 =	vgt.f32 v9, $5.551652910e+00;
	v43 =	vld [tilespmem:s23+$0xFFFFFD20]  }
0xf6: {  	v46 =	vsel vm8, $0x1, v0;
	v48 =	vmul.f32 v36, v36;
	v10 =	vadd.f32 v44, v10;
	v9 =	vld [tilespmem:s23+$0x2B0]  }
0xf7: {  	v17 =	vmul.f32 v34, v34;
	v15 =	vmul.f32 v15, v15;
	vm7 =	vgt.f32 v18, $5.551652910e+00;
	v47 =	vld [tilespmem:s23+$0xFFFFFDA0];
	[tilespmem:s24+$0x10] =	vst v46  }
0xf8: {  	v45 =	vsel vm7, $0x1, v0;
	v51 =	vld [tilespmem:s23+$0x20];
	v10 =	vadd.f32 v48, v10;
	v3 =	vmul.f32 v3, v3  }
0xf9: {  	v15 =	vadd.f32 v17, v15;
	[tilespmem:s24+$0xFFFFFF90] =	vst v45;
	v52 =	vld [tilespmem:s23+$0xA0];
	v50 =	vmul.f32 v22, v22;
	v16 =	vmul.f32 v42, v42  }
0xfa: {  	v4 =	vadd.f32 v4, v8;
	v1 =	vadd.f32 v7, v1;
	v49 =	vld [tilespmem:s23+$0xFFFFFEA0];
	vm9 =	vgt.f32 v10, $5.551652910e+00  }
0xfb: {  	v7 =	vld [tilespmem:s23+$0xFFFFFF20];
	v3 =	vadd.f32 v3, v15;
	v9 =	vmul.f32 v9, v9;
	v16 =	vadd.f32 v16, v50  }
0xfc: {  	v5 =	vmul.f32 v5, v5;
	vm2 =	vgt.f32 v4, $5.551652910e+00;
	v10 =	vld [tilespmem:s23+$0xFFFFFE20];
	v8 =	vsel vm9, $0x1, v0  }
0xfd: {  	v12 =	vmul.f32 v12, v12;
	[tilespmem:s21+$0xFFFFFFD0] =	vst v8;
	v15 =	vld [tilespmem:s23+$0xFFFFFFA0];
	vm10 =	vgt.f32 v3, $5.551652910e+00;
	v9 =	vadd.f32 v9, v16  }
0xfe: {  	v11 =	vmul.f32 v11, v11;
	v6 =	vmul.f32 v6, v6;
	v56 =	vld [tilespmem:s22+$0xFFFFFF60];
	v8 =	vsel vm10, $0x1, v0  }
0xff: {  	v53 =	vmul.f32 v43, v43;
	v54 =	vmul.f32 v47, v47;
	v3 =	vld [tilespmem:s23+$0x120];
	[tilespmem:s21+$0x50] =	vst v8;
	vm11 =	vgt.f32 v9, $5.551652910e+00  }
0x100: {  	v4 =	vadd.f32 v11, v12;
	v7 =	vmul.f32 v7, v7;
	v57 =	vld [tilespmem:s22+$0x60];
	v55 =	vsel vm11, $0x1, v0  }
0x101: {  	v10 =	vmul.f32 v10, v10;
	v8 =	vmul.f32 v49, v49;
	v16 =	vadd.f32 v54, v53;
	v11 =	vld [tilespmem:s22+$0xE0];
	[tilespmem:s24+$0xB0] =	vst v55  }
0x102: {  	v1 =	vadd.f32 v5, v1;
	v5 =	vmul.f32 v51, v51;
	v58 =	vmul.f32 v52, v52;
	v59 =	vld [tilespmem:s23+$0x1C0]  }
0x103: {  	v7 =	vadd.f32 v7, v8;
	v8 =	vmul.f32 v15, v15;
	v10 =	vadd.f32 v10, v16;
	v15 =	vld [tilespmem:s23+$0x240]  }
0x104: {  	v4 =	vadd.f32 v6, v4;
	v14 =	vmul.f32 v14, v14;
	v5 =	vadd.f32 v58, v5;
	v9 =	vld [tilespmem:s22+$0xFFFFFEE0]  }
0x105: {  	v3 =	vmul.f32 v3, v3;
	v7 =	vadd.f32 v8, v7;
	vm12 =	vgt.f32 v10, $5.551652910e+00;
	v8 =	vld [tilespmem:s23+$0x2C0]  }
0x106: {  	vm15 =	vgt.f32 v1, $5.551652910e+00;
	v10 =	vmul.f32 v13, v13;
	v13 =	vld [tilespmem:s22+$0xFFFFFE60];
	v12 =	vsel vm12, $0x1, v0  }
0x107: {  	v1 =	vmul.f32 v40, v40;
	v3 =	vadd.f32 v3, v5;
	v5 =	vld [tilespmem:s22+$0xFFFFFFE0];
	vm13 =	vgt.f32 v7, $5.551652910e+00;
	[tilespmem:s24+$0xFFFFFF20] =	vst v12  }
0x108: {  	v7 =	vsel vm13, $0x1, v0;
	v12 =	vld [tilespmem:s23+$0xFFFFFD30];
	v60 =	vmul.f32 v59, v59;
	v15 =	vmul.f32 v15, v15  }
0x109: {  	v2 =	vmul.f32 v2, v2;
	v6 =	vadd.f32 v14, v10;
	vm14 =	vgt.f32 v3, $5.551652910e+00;
	[tilespmem:s24+$0xFFFFFFA0] =	vst v7;
	v3 =	vld [tilespmem:s23+$0xFFFFFDB0]  }
0x10a: {  	v7 =	vsel vm14, $0x1, v0;
	v14 =	vld [tilespmem:s23+$0xFFFFFEB0];
	v8 =	vmul.f32 v8, v8;
	v10 =	vadd.f32 v15, v60  }
0x10b: {  	v1 =	vadd.f32 v2, v1;
	v9 =	vmul.f32 v9, v9;
	[tilespmem:s24+$0x20] =	vst v7;
	v7 =	vld [tilespmem:s23+$0xFFFFFF30]  }
0x10c: {  	v2 =	vmul.f32 v13, v13;
	v13 =	vld [tilespmem:s23+$0xB0];
	v15 =	vmul.f32 v56, v56;
	v8 =	vadd.f32 v8, v10  }
0x10d: {  	vm5 =	vgt.f32 v4, $5.551652910e+00;
	v4 =	vmul.f32 v5, v5;
	v10 =	vld [tilespmem:s23+$0x30]  }
0x10e: {  	v1 =	vadd.f32 v2, v1;
	v2 =	vld [tilespmem:s23+$0xFFFFFFB0];
	v9 =	vadd.f32 v15, v9;
	vm4 =	vgt.f32 v8, $5.551652910e+00  }
0x10f: {  	v15 =	vld [tilespmem:s23+$0xFFFFFE30];
	v8 =	vmul.f32 v11, v11;
	v11 =	vsel vm4, $0x1, v0  }
0x110: {  	v61 =	vsel vm6, $0x1, v0;
	v5 =	vld [tilespmem:s23+$0x130];
	v3 =	vmul.f32 v3, v3;
	v4 =	vadd.f32 v4, v9;
	[tilespmem:s24+$0xC0] =	vst v11  }
0x111: {  	vm6 =	vgt.f32 v1, $5.551652910e+00;
	v7 =	vmul.f32 v7, v7;
	v11 =	vmul.f32 v12, v12;
	v12 =	vld [tilespmem:s23+$0x1D0]  }
0x112: {  	v9 =	vmul.f32 v14, v14;
	vm7 =	vgt.f32 v4, $5.551652910e+00;
	v1 =	vld [tilespmem:s23+$0x250];
	v4 =	vmul.f32 v10, v10  }
0x113: {  	v14 =	vld [tilespmem:s22+$0x160];
	v10 =	vmul.f32 v13, v13;
	v3 =	vadd.f32 v3, v11;
	v11 =	vsel vm6, $0x1, v0  }
0x114: {  	v2 =	vmul.f32 v2, v2;
	v7 =	vadd.f32 v7, v9;
	v9 =	vmul.f32 v15, v15;
	[tilespmem:s21+$0xFFFFFF60] =	vst v11;
	v11 =	vld [tilespmem:s23+$0x2D0]  }
0x115: {  	v5 =	vmul.f32 v5, v5;
	v13 =	vsel vm7, $0x1, v0;
	v4 =	vadd.f32 v10, v4;
	v15 =	vld [tilespmem:s22+$0xFFFFFD70]  }
0x116: {  	v62 =	vmul.f32 v57, v57;
	[tilespmem:s21+$0xFFFFFFE0] =	vst v13;
	v2 =	vadd.f32 v2, v7;
	v10 =	vld [tilespmem:s22+$0xFFFFFDF0];
	v3 =	vadd.f32 v9, v3  }
0x117: {  	v4 =	vadd.f32 v5, v4;
	v5 =	vld [tilespmem:s22+$0xFFFFFF70];
	v9 =	vmul.f32 v12, v12;
	v1 =	vmul.f32 v1, v1  }
0x118: {  	v8 =	vadd.f32 v8, v62;
	vm9 =	vgt.f32 v2, $5.551652910e+00;
	v2 =	vmul.f32 v14, v14;
	v12 =	vld [tilespmem:s22+$0xFFFFFEF0]  }
0x119: {  	vm8 =	vgt.f32 v3, $5.551652910e+00;
	v1 =	vadd.f32 v1, v9;
	v3 =	vmul.f32 v11, v11;
	v9 =	vld [tilespmem:s22+$0xFFFFFE70]  }
0x11a: {  	v63 =	vsel vm2, $0x1, v0;
	v7 =	vsel vm15, $0x1, v0;
	v13 =	vld [tilespmem:s22+$0xFFFFFFF0];
	v11 =	vsel vm8, $0x1, v0  }
0x11b: {  	v2 =	vadd.f32 v2, v8;
	vm10 =	vgt.f32 v4, $5.551652910e+00;
	[tilespmem:s24+$0xFFFFFF30] =	vst v11;
	v1 =	vadd.f32 v3, v1;
	v3 =	vld [tilespmem:s25+$0x170]  }
0x11c: {  	v4 =	vsel vm9, $0x1, v0;
	v11 =	vmul.f32 v15, v15;
	v10 =	vmul.f32 v10, v10;
	v8 =	vld [tilespmem:s23+$0xFFFFFD40]  }
0x11d: {  	[tilespmem:s24+$0xFFFFFFB0] =	vst v4;
	v4 =	vmul.f32 v12, v12;
	v12 =	vld [tilespmem:s23+$0xFFFFFDC0];
	vm11 =	vgt.f32 v1, $5.551652910e+00;
	v1 =	vmul.f32 v5, v5  }
0x11e: {  	v5 =	vadd.f32 v10, v11;
	v10 =	vld [tilespmem:s23+$0xFFFFFEC0];
	v11 =	vsel vm11, $0x1, v0;
	v9 =	vmul.f32 v9, v9  }
0x11f: {  	v13 =	vmul.f32 v13, v13;
	vm12 =	vgt.f32 v2, $5.551652910e+00;
	v14 =	vld [tilespmem:s23+$0xFFFFFF40];
	[tilespmem:s24+$0xD0] =	vst v11;
	v1 =	vadd.f32 v1, v4  }
0x120: {  	[tilespmem:s20+$0xFFFFFF70] =	vst v63;
	v11 =	vsel vm10, $0x1, v0;
	v2 =	vadd.f32 v9, v5;
	v4 =	vld [tilespmem:s23+$0x1E0];
	v3 =	vmul.f32 v3, v3  }
0x121: {  	[tilespmem:s24+$0x30] =	vst v11;
	v9 =	vsel vm5, $0x1, v0;
	v11 =	vsel vm12, $0x1, v0;
	v5 =	vld [tilespmem:s23+$0x260];
	v1 =	vadd.f32 v13, v1  }
0x122: {  	[tilespmem:s20+$0xF0] =	vst v61;
	v13 =	vmul.f32 v8, v8;
	v12 =	vmul.f32 v12, v12;
	v8 =	vld [tilespmem:s23+$0x40];
	v3 =	vadd.f32 v3, v6  }
0x123: {  	[tilespmem:s20+$0xFFFFFFF0] =	vst v7;
	v10 =	vmul.f32 v10, v10;
	v6 =	vld [tilespmem:s23+$0x2E0];
	vm13 =	vgt.f32 v2, $5.551652910e+00;
	vm14 =	vgt.f32 v1, $5.551652910e+00  }
0x124: {  	[tilespmem:s21+$0xF0] =	vst v9;
	v9 =	vld [tilespmem:s23+$0xC0];
	v7 =	vadd.f32 v12, v13;
	v12 =	vmul.f32 v14, v14;
	vm15 =	vgt.f32 v3, $5.551652910e+00  }
0x125: {  	s26 =	simm.s32 $0x1500;
	s25 =	simm.s32 $0x8;
	[tilespmem:s21+$0x60] =	vst v11;
	v11 =	vld [tilespmem:s23+$0xFFFFFE40];
	v3 =	vsel vm13, $0x1, v0;
	v2 =	vsel vm14, $0x1, v0;
	v1 =	vsel vm15, $0x1, v0  }
.LBB2_2:
0x126: {  	v13 =	vld [tilespmem:s26+$0x180];
	v10 =	vadd.f32 v12, v10;
	v4 =	vmul.f32 v4, v4;
	v5 =	vmul.f32 v5, v5;
	[tilespmem:s21+$0xFFFFFF70] =	vst v3  }
0x127: {  	v3 =	vld [tilespmem:s26+$0x200];
	v8 =	vmul.f32 v8, v8;
	[tilespmem:s21+$0xFFFFFFF0] =	vst v2  }
0x128: {  	v2 =	vld [tilespmem:s26+$0xFFFFFD80];
	v4 =	vadd.f32 v5, v4;
	v5 =	vmul.f32 v6, v6;
	[tilespmem:s20+$0x70] =	vst v1;
	s20 =	smov.u32 s21;
	s21 =	smov.u32 s24  }
0x129: {  	v1 =	vld [tilespmem:s26+$0x280];
	v6 =	vmul.f32 v9, v9  }
0x12a: {  	v9 =	vld [tilespmem:s26+$0xFFFFFE80];
	v11 =	vmul.f32 v11, v11;
	v4 =	vadd.f32 v5, v4  }
0x12b: {  	v5 =	vld [tilespmem:s26+$0xFFFFFF00];
	v6 =	vadd.f32 v6, v8  }
0x12c: {  	v12 =	vmul.f32 v13, v13;
	v8 =	vld [tilespmem:s26+$0x0];
	v3 =	vmul.f32 v3, v3;
	vm0 =	vgt.f32 v4, $5.551652910e+00  }
0x12d: {  	v7 =	vadd.f32 v11, v7;
	v2 =	vmul.f32 v2, v2;
	v4 =	vld [tilespmem:s26+$0x80];
	v11 =	vsel vm0, $0x1, v0  }
0x12e: {  	s25 =	sadd.s32 $0x4, s25;
	v13 =	vld [tilespmem:s26+$0xFFFFFD00];
	v3 =	vadd.f32 v3, v12;
	v1 =	vmul.f32 v1, v1;
	[tilespmem:s24+$0xE0] =	vst v11  }
0x12f: {  	p0 =	slt.u32 s25, $0x3C;
	vm0 =	vgt.f32 v7, $5.551652910e+00;
	v9 =	vmul.f32 v9, v9;
	v7 =	vld [tilespmem:s23+$0x1F0]  }
0x130: {  	v5 =	vmul.f32 v5, v5;
	v1 =	vadd.f32 v1, v3;
	v3 =	vsel vm0, $0x1, v0;
	v11 =	vld [tilespmem:s23+$0x270]  }
0x131: {  	v12 =	vld [tilespmem:s26+$0xFFFFFE00];
	v8 =	vmul.f32 v8, v8;
	[tilespmem:s24+$0xFFFFFF40] =	vst v3  }
0x132: {  	v3 =	vadd.f32 v5, v9;
	v4 =	vmul.f32 v4, v4;
	vm0 =	vgt.f32 v1, $5.551652910e+00;
	v1 =	vld [tilespmem:s23+$0x2F0]  }
0x133: {  	s24 =	sadd.s32 $0x200, s24;
	v5 =	vmul.f32 v13, v13;
	v9 =	vld [tilespmem:s26+$0xFFFFFF80];
	v13 =	vsel vm0, $0x1, v0  }
0x134: {  	v14 =	vld [tilespmem:s26+$0x100];
	v4 =	vadd.f32 v4, v8;
	[tilespmem:s24+$0x80] =	vst v13  }
0x135: {  	v7 =	vmul.f32 v7, v7;
	v2 =	vadd.f32 v2, v5;
	v5 =	vld [tilespmem:s26+$0x190];
	v8 =	vmul.f32 v11, v11  }
0x136: {  	v11 =	vmul.f32 v12, v12;
	v12 =	vld [tilespmem:s26+$0x210]  }
0x137: {  	v13 =	vld [tilespmem:s23+$0xFFFFFFC0];
	v7 =	vadd.f32 v8, v7;
	v1 =	vmul.f32 v1, v1  }
0x138: {  	v2 =	vadd.f32 v11, v2;
	v8 =	vmul.f32 v9, v9;
	v9 =	vld [tilespmem:s26+$0x290]  }
0x139: {  	v11 =	vmul.f32 v14, v14;
	v14 =	vld [tilespmem:s23+$0x140];
	v1 =	vadd.f32 v1, v7  }
0x13a: {  	vm0 =	vgt.f32 v2, $5.551652910e+00;
	v2 =	vadd.f32 v8, v3;
	v3 =	vld [tilespmem:s23+$0xFFFFFD50]  }
0x13b: {  	v5 =	vmul.f32 v5, v5;
	v7 =	vmul.f32 v12, v12;
	v8 =	vld [tilespmem:s23+$0xFFFFFDD0];
	vm1 =	vgt.f32 v1, $5.551652910e+00  }
0x13c: {  	v1 =	vadd.f32 v11, v4;
	vm2 =	vgt.f32 v2, $5.551652910e+00;
	v2 =	vld [tilespmem:s23+$0xFFFFFE50];
	v4 =	vsel vm1, $0x1, v0  }
0x13d: {  	v11 =	vsel vm0, $0x1, v0;
	v5 =	vadd.f32 v7, v5;
	v7 =	vmul.f32 v9, v9;
	[tilespmem:s21+$0xF0] =	vst v4;
	v4 =	vld [tilespmem:s22+$0x70]  }
0x13e: {  	v9 =	vsel vm2, $0x1, v0;
	vm0 =	vgt.f32 v1, $5.551652910e+00;
	v1 =	vmul.f32 v13, v13;
	[tilespmem:s24+$0xFFFFFF00] =	vst v11;
	v11 =	vld [tilespmem:s22+$0xF0]  }
0x13f: {  	v12 =	vld [tilespmem:s26+$0xFFFFFD10];
	[tilespmem:s24+$0xFFFFFF80] =	vst v9;
	v9 =	vsel vm0, $0x1, v0;
	v5 =	vadd.f32 v7, v5;
	v7 =	vmul.f32 v14, v14  }
0x140: {  	v3 =	vmul.f32 v3, v3;
	v1 =	vadd.f32 v1, v10;
	v13 =	vld [tilespmem:s26+$0xFFFFFD90];
	[tilespmem:s24+$0x0] =	vst v9;
	v8 =	vmul.f32 v8, v8  }
0x141: {  	v9 =	vld [tilespmem:s26+$0xFFFFFE90];
	vm0 =	vgt.f32 v5, $5.551652910e+00;
	v2 =	vmul.f32 v2, v2;
	v5 =	vadd.f32 v7, v6  }
0x142: {  	v6 =	vld [tilespmem:s26+$0xFFFFFF10];
	v7 =	vsel vm0, $0x1, v0;
	v3 =	vadd.f32 v8, v3;
	vm0 =	vgt.f32 v1, $5.551652910e+00  }
0x143: {  	v4 =	vmul.f32 v4, v4;
	v1 =	vld [tilespmem:s26+$0x10];
	[tilespmem:s24+$0x90] =	vst v7;
	v7 =	vsel vm0, $0x1, v0;
	vm0 =	vgt.f32 v5, $5.551652910e+00  }
0x144: {  	v5 =	vmul.f32 v12, v12;
	v8 =	vld [tilespmem:s26+$0x1A0];
	v2 =	vadd.f32 v2, v3;
	[tilespmem:s21+$0xFFFFFFC0] =	vst v7;
	v3 =	vsel vm0, $0x1, v0  }
0x145: {  	v7 =	vmul.f32 v13, v13;
	v10 =	vld [tilespmem:s26+$0x220];
	[tilespmem:s21+$0x40] =	vst v3;
	v3 =	vmul.f32 v11, v11  }
0x146: {  	v9 =	vmul.f32 v9, v9;
	v11 =	vld [tilespmem:s26+$0x90];
	vm0 =	vgt.f32 v2, $5.551652910e+00  }
0x147: {  	v2 =	vadd.f32 v7, v5;
	v5 =	vmul.f32 v6, v6;
	v6 =	vld [tilespmem:s26+$0x2A0];
	v7 =	vsel vm0, $0x1, v0  }
0x148: {  	v12 =	vld [tilespmem:s26+$0xFFFFFE10];
	v13 =	vmul.f32 v1, v1;
	[tilespmem:s21+$0xFFFFFF50] =	vst v7;
	v1 =	vadd.f32 v3, v4  }
0x149: {  	v3 =	vld [tilespmem:s26+$0xFFFFFF90];
	v4 =	vadd.f32 v5, v9  }
0x14a: {  	v7 =	vmul.f32 v8, v8;
	v5 =	vld [tilespmem:s26+$0x110];
	v8 =	vmul.f32 v10, v10  }
0x14b: {  	v9 =	vmul.f32 v11, v11;
	v10 =	vld [tilespmem:s23+$0xFFFFFED0]  }
0x14c: {  	v7 =	vadd.f32 v8, v7;
	v6 =	vmul.f32 v6, v6;
	v8 =	vld [tilespmem:s23+$0xFFFFFF50]  }
0x14d: {  	v11 =	vmul.f32 v12, v12;
	v9 =	vadd.f32 v9, v13;
	v12 =	vld [tilespmem:s23+$0x50]  }
0x14e: {  	v3 =	vmul.f32 v3, v3;
	v6 =	vadd.f32 v6, v7;
	v7 =	vld [tilespmem:s23+$0xD0]  }
0x14f: {  	v2 =	vadd.f32 v11, v2;
	v5 =	vmul.f32 v5, v5;
	v11 =	vld [tilespmem:s23+$0xFFFFFFD0]  }
0x150: {  	v3 =	vadd.f32 v3, v4;
	vm0 =	vgt.f32 v6, $5.551652910e+00;
	v4 =	vmul.f32 v10, v10;
	v6 =	vld [tilespmem:s23+$0x150]  }
0x151: {  	vm1 =	vgt.f32 v2, $5.551652910e+00;
	v2 =	vadd.f32 v5, v9;
	v5 =	vsel vm0, $0x1, v0;
	v9 =	vld [tilespmem:s23+$0xFFFFFD60]  }
0x152: {  	v10 =	vsel vm1, $0x1, v0;
	vm0 =	vgt.f32 v3, $5.551652910e+00;
	[tilespmem:s24+$0xA0] =	vst v5;
	v3 =	vld [tilespmem:s23+$0xFFFFFDE0];
	v5 =	vmul.f32 v8, v8  }
0x153: {  	[tilespmem:s24+$0xFFFFFF10] =	vst v10;
	v8 =	vsel vm0, $0x1, v0;
	vm0 =	vgt.f32 v2, $5.551652910e+00;
	v2 =	vld [tilespmem:s26+$0x1B0];
	v10 =	vmul.f32 v12, v12  }
0x154: {  	[tilespmem:s24+$0xFFFFFF90] =	vst v8;
	v8 =	vsel vm0, $0x1, v0;
	v12 =	vld [tilespmem:s26+$0x230];
	v4 =	vadd.f32 v5, v4;
	v5 =	vmul.f32 v7, v7  }
0x155: {  	v7 =	vld [tilespmem:s26+$0xFFFFFD20];
	[tilespmem:s24+$0x10] =	vst v8;
	v8 =	vmul.f32 v11, v11;
	v6 =	vmul.f32 v6, v6  }
0x156: {  	v11 =	vld [tilespmem:s26+$0x2B0];
	v9 =	vmul.f32 v9, v9;
	v5 =	vadd.f32 v5, v10  }
0x157: {  	v10 =	vld [tilespmem:s26+$0xFFFFFDA0];
	v3 =	vmul.f32 v3, v3;
	v4 =	vadd.f32 v8, v4  }
0x158: {  	v8 =	vld [tilespmem:s26+$0xFFFFFEA0];
	v5 =	vadd.f32 v6, v5  }
0x159: {  	v2 =	vmul.f32 v2, v2;
	v6 =	vld [tilespmem:s26+$0xFFFFFF20];
	v12 =	vmul.f32 v12, v12;
	vm0 =	vgt.f32 v4, $5.551652910e+00  }
0x15a: {  	v4 =	vmul.f32 v7, v7;
	v7 =	vld [tilespmem:s26+$0x20];
	v13 =	vsel vm0, $0x1, v0;
	vm0 =	vgt.f32 v5, $5.551652910e+00  }
0x15b: {  	v5 =	vld [tilespmem:s26+$0xA0];
	v2 =	vadd.f32 v12, v2;
	v11 =	vmul.f32 v11, v11;
	[tilespmem:s21+$0xFFFFFFD0] =	vst v13;
	v12 =	vsel vm0, $0x1, v0  }
0x15c: {  	v3 =	vadd.f32 v3, v9;
	v13 =	vld [tilespmem:s26+$0xFFFFFE20];
	v10 =	vmul.f32 v10, v10;
	[tilespmem:s21+$0x50] =	vst v12  }
0x15d: {  	v9 =	vld [tilespmem:s26+$0xFFFFFFA0];
	v8 =	vmul.f32 v8, v8;
	v2 =	vadd.f32 v11, v2  }
0x15e: {  	v4 =	vadd.f32 v10, v4;
	v6 =	vmul.f32 v6, v6;
	v10 =	vld [tilespmem:s26+$0x120]  }
0x15f: {  	v7 =	vmul.f32 v7, v7;
	vm0 =	vgt.f32 v2, $5.551652910e+00;
	v2 =	vld [tilespmem:s23+$0xFFFFFEE0]  }
0x160: {  	v6 =	vadd.f32 v6, v8;
	v5 =	vmul.f32 v5, v5;
	v8 =	vsel vm0, $0x1, v0;
	v11 =	vld [tilespmem:s23+$0xFFFFFF60]  }
0x161: {  	v12 =	vmul.f32 v13, v13;
	[tilespmem:s24+$0xB0] =	vst v8;
	v8 =	vld [tilespmem:s23+$0x60]  }
0x162: {  	v9 =	vmul.f32 v9, v9;
	v5 =	vadd.f32 v5, v7;
	v7 =	vld [tilespmem:s26+$0x1C0]  }
0x163: {  	v4 =	vadd.f32 v12, v4;
	v10 =	vmul.f32 v10, v10;
	v12 =	vld [tilespmem:s26+$0x240]  }
0x164: {  	v6 =	vadd.f32 v9, v6;
	v2 =	vmul.f32 v2, v2;
	v9 =	vld [tilespmem:s23+$0xE0]  }
0x165: {  	vm0 =	vgt.f32 v4, $5.551652910e+00;
	v4 =	vadd.f32 v10, v5;
	v5 =	vld [tilespmem:s26+$0x2C0];
	v10 =	vmul.f32 v11, v11  }
0x166: {  	v11 =	vsel vm0, $0x1, v0;
	vm0 =	vgt.f32 v6, $5.551652910e+00;
	v6 =	vld [tilespmem:s23+$0xFFFFFE60];
	v8 =	vmul.f32 v8, v8  }
0x167: {  	[tilespmem:s24+$0xFFFFFF20] =	vst v11;
	v11 =	vsel vm0, $0x1, v0;
	vm0 =	vgt.f32 v4, $5.551652910e+00;
	v4 =	vld [tilespmem:s23+$0xFFFFFFE0];
	v2 =	vadd.f32 v10, v2  }
0x168: {  	v7 =	vmul.f32 v7, v7;
	v10 =	vld [tilespmem:s26+$0xFFFFFD30];
	[tilespmem:s24+$0xFFFFFFA0] =	vst v11;
	v11 =	vsel vm0, $0x1, v0;
	v12 =	vmul.f32 v12, v12  }
0x169: {  	v13 =	vld [tilespmem:s26+$0xFFFFFDB0];
	[tilespmem:s24+$0x20] =	vst v11;
	v9 =	vmul.f32 v9, v9  }
0x16a: {  	v11 =	vld [tilespmem:s26+$0xFFFFFEB0];
	v7 =	vadd.f32 v12, v7;
	v5 =	vmul.f32 v5, v5  }
0x16b: {  	v12 =	vld [tilespmem:s26+$0xFFFFFF30];
	v6 =	vmul.f32 v6, v6;
	v8 =	vadd.f32 v9, v8  }
0x16c: {  	v9 =	vld [tilespmem:s26+$0x30];
	v5 =	vadd.f32 v5, v7;
	v4 =	vmul.f32 v4, v4  }
0x16d: {  	v7 =	vmul.f32 v10, v10;
	v10 =	vld [tilespmem:s26+$0xB0];
	v3 =	vadd.f32 v6, v3  }
0x16e: {  	v6 =	vld [tilespmem:s26+$0xFFFFFE30];
	v13 =	vmul.f32 v13, v13;
	vm0 =	vgt.f32 v5, $5.551652910e+00;
	v2 =	vadd.f32 v4, v2  }
0x16f: {  	v4 =	vld [tilespmem:s26+$0xFFFFFFB0];
	v5 =	vmul.f32 v11, v11;
	v11 =	vsel vm0, $0x1, v0;
	vm0 =	vgt.f32 v3, $5.551652910e+00  }
0x170: {  	v3 =	vadd.f32 v13, v7;
	v7 =	vmul.f32 v12, v12;
	v12 =	vld [tilespmem:s26+$0x130];
	[tilespmem:s24+$0xC0] =	vst v11;
	vm1 =	vgt.f32 v2, $5.551652910e+00  }
0x171: {  	v11 =	vsel vm0, $0x1, v0;
	v2 =	vmul.f32 v9, v9;
	v9 =	vld [tilespmem:s26+$0x1D0];
	v13 =	vsel vm1, $0x1, v0  }
0x172: {  	v5 =	vadd.f32 v7, v5;
	v7 =	vmul.f32 v10, v10;
	v10 =	vld [tilespmem:s26+$0x250];
	[tilespmem:s21+$0xFFFFFF60] =	vst v11  }
0x173: {  	v6 =	vmul.f32 v6, v6;
	[tilespmem:s21+$0xFFFFFFE0] =	vst v13;
	v11 =	vld [tilespmem:s23+$0x160]  }
0x174: {  	v4 =	vmul.f32 v4, v4;
	v2 =	vadd.f32 v7, v2;
	v7 =	vld [tilespmem:s26+$0x2D0]  }
0x175: {  	v3 =	vadd.f32 v6, v3;
	v6 =	vmul.f32 v12, v12;
	v12 =	vld [tilespmem:s23+$0xFFFFFD70]  }
0x176: {  	v4 =	vadd.f32 v4, v5;
	v5 =	vld [tilespmem:s23+$0xFFFFFDF0]  }
0x177: {  	v2 =	vadd.f32 v6, v2;
	v6 =	vmul.f32 v9, v9;
	v9 =	vmul.f32 v10, v10;
	v10 =	vld [tilespmem:s23+$0xFFFFFEF0]  }
0x178: {  	vm0 =	vgt.f32 v3, $5.551652910e+00;
	vm1 =	vgt.f32 v4, $5.551652910e+00;
	v3 =	vld [tilespmem:s23+$0xFFFFFF70];
	v4 =	vmul.f32 v11, v11  }
0x179: {  	vm2 =	vgt.f32 v2, $5.551652910e+00;
	v2 =	vadd.f32 v9, v6;
	v6 =	vmul.f32 v7, v7;
	v7 =	vld [tilespmem:s23+$0xFFFFFE70]  }
0x17a: {  	v9 =	vsel vm0, $0x1, v0;
	v11 =	vsel vm1, $0x1, v0;
	v13 =	vsel vm2, $0x1, v0;
	v14 =	vld [tilespmem:s23+$0xFFFFFFF0]  }
0x17b: {  	v4 =	vadd.f32 v4, v8;
	[tilespmem:s24+$0xFFFFFF30] =	vst v9;
	v2 =	vadd.f32 v6, v2;
	v6 =	vmul.f32 v12, v12;
	v8 =	vld [tilespmem:s22+$0x170];
	s22 =	smov.u32 s23;
	s23 =	smov.u32 s26  }
0x17c: {  	v5 =	vmul.f32 v5, v5;
	v9 =	vld [tilespmem:s26+$0xFFFFFD40];
	[tilespmem:s24+$0xFFFFFFB0] =	vst v11;
	v10 =	vmul.f32 v10, v10  }
0x17d: {  	vm1 =	vgt.f32 v4, $5.551652910e+00;
	v11 =	vld [tilespmem:s26+$0xFFFFFDC0];
	[tilespmem:s24+$0x30] =	vst v13;
	vm0 =	vgt.f32 v2, $5.551652910e+00;
	v2 =	vmul.f32 v3, v3  }
0x17e: {  	v6 =	vadd.f32 v5, v6;
	v5 =	vsel vm1, $0x1, v0;
	v3 =	vld [tilespmem:s26+$0xFFFFFEC0];
	v4 =	vsel vm0, $0x1, v0  }
0x17f: {  	v7 =	vmul.f32 v7, v7;
	v12 =	vld [tilespmem:s26+$0xFFFFFF40];
	[tilespmem:s24+$0xD0] =	vst v4;
	v2 =	vadd.f32 v2, v10;
	v10 =	vmul.f32 v14, v14  }
0x180: {  	v4 =	vld [tilespmem:s26+$0x1E0];
	[tilespmem:s21+$0x60] =	vst v5;
	v13 =	vmul.f32 v8, v8  }
.Ltmp0:
0x181: {  	v7 =	vadd.f32 v7, v6;
	v9 =	vmul.f32 v9, v9;
	v5 =	vld [tilespmem:s26+$0x260];
	v2 =	vadd.f32 v10, v2;
	(pc) =	sbr.rel @p0 .LBB2_2-.Ltmp0, $4  }
0x182: {  	v11 =	vmul.f32 v11, v11;
	v8 =	vld [tilespmem:s26+$0x40];
	v1 =	vadd.f32 v13, v1  }
0x183: {  	vm0 =	vgt.f32 v7, $5.551652910e+00;
	v10 =	vmul.f32 v3, v3;
	v6 =	vld [tilespmem:s26+$0x2E0];
	vm1 =	vgt.f32 v2, $5.551652910e+00  }
0x184: {  	v7 =	vadd.f32 v11, v9;
	v12 =	vmul.f32 v12, v12;
	v9 =	vld [tilespmem:s26+$0xC0];
	vm2 =	vgt.f32 v1, $5.551652910e+00  }
0x185: {  	v3 =	vsel vm0, $0x1, v0;
	s26 =	sadd.s32 $0x600, s26;
	v2 =	vsel vm1, $0x1, v0;
	v11 =	vld [tilespmem:s23+$0xFFFFFE40];
	v1 =	vsel vm2, $0x1, v0  }
0x186: {  	_ =	sdelay $0x1  }
0x187: {  	v13 =	vld [tilespmem:s23+$0xFFFFFFC0];
	_ =	sdelay $0x1  }
0x188: {  	v11 =	vmul.f32 v11, v11;
	_ =	sdelay $0x1  }
0x189: {  	v7 =	vadd.f32 v11, v7  }
0x18a: {  	v10 =	vadd.f32 v12, v10;
	v12 =	vmul.f32 v13, v13;
	v11 =	vld [tilespmem:s23+$0x140]  }
0x18b: {  	vm0 =	vgt.f32 v7, $5.551652910e+00  }
0x18c: {  	v10 =	vadd.f32 v12, v10;
	v7 =	vsel vm0, $0x1, v0  }
0x18d: {  	v8 =	vmul.f32 v8, v8;
	v9 =	vmul.f32 v9, v9;
	[tilespmem:s24+$0xFFFFFF40] =	vst v7  }
0x18e: {  	vm7 =	vgt.f32 v10, $5.551652910e+00;
	v7 =	vld [tilespmem:s23+$0xFFFFFD50]  }
0x18f: {  	v8 =	vadd.f32 v9, v8;
	v9 =	vld [tilespmem:s23+$0xFFFFFDD0];
	v10 =	vmul.f32 v11, v11;
	v11 =	vsel vm7, $0x1, v0  }
0x190: {  	v12 =	vld [tilespmem:s23+$0xFFFFFE50];
	[tilespmem:s24+$0xFFFFFFC0] =	vst v11  }
0x191: {  	v8 =	vadd.f32 v10, v8;
	v10 =	vld [tilespmem:s23+$0xFFFFFED0]  }
0x192: {  	v11 =	vld [tilespmem:s23+$0xFFFFFF50]  }
0x193: {  	vm8 =	vgt.f32 v8, $5.551652910e+00  }
0x194: {  	v13 =	vld [tilespmem:s23+$0xFFFFFFD0];
	v8 =	vsel vm8, $0x1, v0  }
0x195: {  	v7 =	vmul.f32 v7, v7;
	v9 =	vmul.f32 v9, v9;
	[tilespmem:s24+$0x40] =	vst v8  }
0x196: {  	v8 =	vmul.f32 v12, v12;
	v12 =	vld [tilespmem:s23+$0x50]  }
0x197: {  	v7 =	vadd.f32 v9, v7;
	v9 =	vld [tilespmem:s23+$0xD0];
	v10 =	vmul.f32 v10, v10;
	v11 =	vmul.f32 v11, v11;
	_ =	sdelay $0x1  }
0x198: {  	v7 =	vadd.f32 v8, v7;
	v8 =	vld [tilespmem:s23+$0x150];
	v10 =	vadd.f32 v11, v10;
	v11 =	vmul.f32 v13, v13;
	_ =	sdelay $0x1  }
0x199: {  	vm9 =	vgt.f32 v7, $5.551652910e+00;
	v7 =	vadd.f32 v11, v10  }
0x19a: {  	v10 =	vsel vm9, $0x1, v0;
	v11 =	vmul.f32 v12, v12;
	v9 =	vmul.f32 v9, v9  }
0x19b: {  	[tilespmem:s24+$0xFFFFFF50] =	vst v10;
	vm10 =	vgt.f32 v7, $5.551652910e+00  }
0x19c: {  	v7 =	vld [tilespmem:s23+$0xFFFFFD60];
	v8 =	vmul.f32 v8, v8;
	v9 =	vadd.f32 v9, v11;
	v10 =	vsel vm10, $0x1, v0  }
0x19d: {  	v4 =	vmul.f32 v4, v4;
	v5 =	vmul.f32 v5, v5;
	v11 =	vld [tilespmem:s23+$0xFFFFFDE0];
	[tilespmem:s24+$0xFFFFFFD0] =	vst v10  }
0x19e: {  	v8 =	vadd.f32 v8, v9;
	v9 =	vld [tilespmem:s23+$0xFFFFFEE0]  }
0x19f: {  	v4 =	vadd.f32 v5, v4;
	v5 =	vmul.f32 v6, v6;
	v6 =	vld [tilespmem:s23+$0xFFFFFF60]  }
0x1a0: {  	vm11 =	vgt.f32 v8, $5.551652910e+00;
	v8 =	vld [tilespmem:s23+$0xFFFFFE60]  }
0x1a1: {  	v4 =	vadd.f32 v5, v4;
	v5 =	vsel vm11, $0x1, v0  }
0x1a2: {  	[tilespmem:s24+$0x50] =	vst v5;
	v5 =	vld [tilespmem:s23+$0xFFFFFFE0]  }
0x1a3: {  	vm12 =	vgt.f32 v4, $5.551652910e+00;
	v4 =	vmul.f32 v7, v7;
	v7 =	vmul.f32 v11, v11;
	v10 =	vld [tilespmem:s23+$0x60]  }
0x1a4: {  	v9 =	vmul.f32 v9, v9;
	v12 =	vld [tilespmem:s23+$0xE0]  }
0x1a5: {  	v4 =	vadd.f32 v7, v4;
	v6 =	vmul.f32 v6, v6;
	v7 =	vmul.f32 v8, v8  }
0x1a6: {  	v11 =	vsel vm12, $0x1, v0;
	v8 =	vld [tilespmem:s23+$0x160]  }
0x1a7: {  	v13 =	vld [tilespmem:s22+$0xF0];
	[tilespmem:s24+$0xE0] =	vst v11;
	v6 =	vadd.f32 v6, v9;
	v5 =	vmul.f32 v5, v5;
	v4 =	vadd.f32 v7, v4  }
0x1a8: {  	v11 =	vld [tilespmem:s23+$0x1F0];
	v9 =	vmul.f32 v10, v10  }
0x1a9: {  	v7 =	vld [tilespmem:s23+$0x270];
	v12 =	vmul.f32 v12, v12;
	v5 =	vadd.f32 v5, v6;
	vm13 =	vgt.f32 v4, $5.551652910e+00  }
0x1aa: {  	v10 =	vld [tilespmem:s23+$0x2F0];
	v6 =	vsel vm13, $0x1, v0  }
0x1ab: {  	v4 =	vld [tilespmem:s22+$0x70];
	v9 =	vadd.f32 v12, v9;
	vm14 =	vgt.f32 v5, $5.551652910e+00;
	[tilespmem:s24+$0xFFFFFF60] =	vst v6;
	v5 =	vmul.f32 v8, v8  }
0x1ac: {  	v6 =	vsel vm14, $0x1, v0;
	v8 =	vld [tilespmem:s23+$0xFFFFFD70]  }
0x1ad: {  	[tilespmem:s24+$0xFFFFFFE0] =	vst v6;
	v6 =	vld [tilespmem:s23+$0xFFFFFDF0];
	v5 =	vadd.f32 v5, v9  }
0x1ae: {  	v9 =	vld [tilespmem:s23+$0xFFFFFEF0]  }
0x1af: {  	v12 =	vld [tilespmem:s23+$0xFFFFFF70];
	vm15 =	vgt.f32 v5, $5.551652910e+00  }
0x1b0: {  	v7 =	vmul.f32 v7, v7;
	v15 =	vld [tilespmem:s23+$0xFFFFFFF0];
	v5 =	vmul.f32 v11, v11;
	v14 =	vsel vm15, $0x1, v0  }
0x1b1: {  	v11 =	vld [tilespmem:s23+$0xFFFFFE70];
	[tilespmem:s24+$0x60] =	vst v14  }
0x1b2: {  	v5 =	vadd.f32 v7, v5;
	v7 =	vmul.f32 v10, v10;
	v10 =	vld [tilespmem:s23+$0x70]  }
0x1b3: {  	v14 =	vld [tilespmem:s23+$0xF0]  }
0x1b4: {  	v4 =	vmul.f32 v4, v4;
	v5 =	vadd.f32 v7, v5;
	v7 =	vmul.f32 v13, v13;
	v13 =	vld [tilespmem:s22+$0x170]  }
0x1b5: {  	v8 =	vmul.f32 v8, v8;
	v6 =	vmul.f32 v6, v6;
	v16 =	vld [tilespmem:s23+$0x170]  }
0x1b6: {  	vm4 =	vgt.f32 v5, $5.551652910e+00;
	v5 =	vmul.f32 v9, v9;
	v9 =	vmul.f32 v12, v12  }
0x1b7: {  	v6 =	vadd.f32 v6, v8;
	v8 =	vmul.f32 v11, v11;
	v11 =	vmul.f32 v15, v15  }
0x1b8: {  	v5 =	vadd.f32 v9, v5;
	v9 =	vmul.f32 v10, v10;
	v10 =	vmul.f32 v14, v14  }
0x1b9: {  	[tilespmem:s21+$0xFFFFFF70] =	vst v3;
	v3 =	vadd.f32 v7, v4;
	v6 =	vadd.f32 v8, v6;
	v4 =	vmul.f32 v13, v13  }
0x1ba: {  	[tilespmem:s21+$0xFFFFFFF0] =	vst v2;
	v7 =	vmul.f32 v16, v16;
	v2 =	vadd.f32 v11, v5;
	v5 =	vadd.f32 v10, v9  }
0x1bb: {  	[tilespmem:s20+$0x70] =	vst v1;
	v1 =	vsel vm4, $0x1, v0;
	vm5 =	vgt.f32 v6, $5.551652910e+00;
	v3 =	vadd.f32 v4, v3  }
0x1bc: {  	[tilespmem:s24+$0xF0] =	vst v1;
	v1 =	vsel vm5, $0x1, v0;
	vm1 =	vgt.f32 v2, $5.551652910e+00;
	v2 =	vadd.f32 v7, v5  }
0x1bd: {  	[tilespmem:s24+$0xFFFFFF70] =	vst v1;
	vm6 =	vgt.f32 v3, $5.551652910e+00;
	v3 =	vsel vm1, $0x1, v0  }
0x1be: {  	v1 =	vsel vm6, $0x1, v0;
	[tilespmem:s24+$0xFFFFFFF0] =	vst v3;
	vm7 =	vgt.f32 v2, $5.551652910e+00  }
0x1bf: {  	[tilespmem:s21+$0x70] =	vst v1;
	v1 =	vsel vm7, $0x1, v0  }
0x1c0: {  	[tilespmem:s24+$0x70] =	vst v1  }
0x1c1: {  	[hbm4b:s5+s2] =	stream.linear.scatter [tilespmem:s14], [sflag:$0x3], $0x2000, $0x38;
	[tilespmem:$0x10000] =	vst v63  }
0x1c2: {  	_ = 	snop  }
0x1c3: {  	[tilespmem:s2], [sflag:$0x1] =	stream.strided.gather [hbm4b:s6+s10], $0x6000, s11, s10, $0x38;
	[tilespmem:$0x10000] =	vst v63  }
0x1c4: {  	_ =	swait.ge [sflag:s15], $0x6000  }
0x1c5: {  	[sflag:s15] =	ssyncset.done $0x0  }
0x1c6: {  	s25 =	simm.s32 $0x6300;
	[sflag:s15] =	ssyncadd.s32 $0xFFFFA000  }
0x1c7: {  	v1 =	vld [tilespmem:s25+$0x180]  }
0x1c8: {  	v2 =	vld [tilespmem:s25+$0x200];
	_ =	sdelay $0x1  }
0x1c9: {  	v3 =	vld [tilespmem:s25+$0x280];
	_ =	sdelay $0x2  }
0x1ca: {  	v1 =	vmul.f32 v1, v1;
	v2 =	vmul.f32 v2, v2;
	_ =	sdelay $0x1  }
0x1cb: {  	v1 =	vadd.f32 v2, v1;
	v2 =	vmul.f32 v3, v3;
	_ =	sdelay $0x1  }
0x1cc: {  	v1 =	vadd.f32 v2, v1;
	_ =	sdelay $0x1  }
0x1cd: {  	vm8 =	vgt.f32 v1, $5.551652910e+00  }
0x1ce: {  	s20 =	simm.s32 $0xE100;
	v1 =	vsel vm8, $0x1, v0  }
0x1cf: {  	[tilespmem:s20+$0x80] =	vst v1  }
0x1d0: {  	v1 =	vld [tilespmem:s25+$0x190]  }
0x1d1: {  	v2 =	vld [tilespmem:s25+$0x210];
	_ =	sdelay $0x1  }
0x1d2: {  	v3 =	vld [tilespmem:s25+$0x290];
	_ =	sdelay $0x2  }
0x1d3: {  	v4 =	vld [tilespmem:s25+$0xFFFFFD80];
	v1 =	vmul.f32 v1, v1;
	v2 =	vmul.f32 v2, v2  }
0x1d4: {  	v5 =	vld [tilespmem:s25+$0xFFFFFE80]  }
0x1d5: {  	v6 =	vld [tilespmem:s25+$0xFFFFFD00];
	v1 =	vadd.f32 v2, v1;
	v2 =	vmul.f32 v3, v3  }
0x1d6: {  	v7 =	vld [tilespmem:s25+$0xFFFFFE00]  }
0x1d7: {  	v3 =	vld [tilespmem:s25+$0xFFFFFF00];
	v1 =	vadd.f32 v2, v1;
	_ =	sdelay $0x1  }
0x1d8: {  	v2 =	vld [tilespmem:s25+$0xFFFFFF80];
	vm9 =	vgt.f32 v1, $5.551652910e+00  }
0x1d9: {  	v1 =	vmul.f32 v4, v4;
	v4 =	vmul.f32 v6, v6;
	v6 =	vsel vm9, $0x1, v0  }
0x1da: {  	v5 =	vmul.f32 v5, v5;
	[tilespmem:s20+$0x90] =	vst v6  }
0x1db: {  	v3 =	vmul.f32 v3, v3;
	v1 =	vadd.f32 v1, v4;
	v4 =	vmul.f32 v7, v7;
	v6 =	vld [tilespmem:s25+$0x1A0]  }
0x1dc: {  	v7 =	vld [tilespmem:s25+$0x220]  }
0x1dd: {  	v8 =	vld [tilespmem:s25+$0x0];
	v3 =	vadd.f32 v3, v5;
	v2 =	vmul.f32 v2, v2;
	v1 =	vadd.f32 v4, v1  }
0x1de: {  	v4 =	vld [tilespmem:s25+$0x2A0]  }
0x1df: {  	v5 =	vld [tilespmem:s25+$0x80];
	vm10 =	vgt.f32 v1, $5.551652910e+00;
	v1 =	vadd.f32 v2, v3  }
0x1e0: {  	v2 =	vsel vm10, $0x1, v0  }
0x1e1: {  	v3 =	vld [tilespmem:s25+$0x100];
	vm11 =	vgt.f32 v1, $5.551652910e+00;
	[tilespmem:s20+$0xFFFFFF00] =	vst v2;
	v1 =	vmul.f32 v6, v6;
	v2 =	vmul.f32 v7, v7  }
0x1e2: {  	v6 =	vsel vm11, $0x1, v0;
	v7 =	vld [tilespmem:s25+$0xFFFFFD10]  }
0x1e3: {  	[tilespmem:s20+$0xFFFFFF80] =	vst v6;
	v6 =	vld [tilespmem:s25+$0xFFFFFD90];
	v1 =	vadd.f32 v2, v1;
	v2 =	vmul.f32 v4, v4  }
0x1e4: {  	v5 =	vmul.f32 v5, v5;
	v4 =	vmul.f32 v8, v8;
	v8 =	vld [tilespmem:s25+$0xFFFFFE90]  }
0x1e5: {  	v9 =	vld [tilespmem:s25+$0xFFFFFF10];
	v1 =	vadd.f32 v2, v1  }
0x1e6: {  	v3 =	vmul.f32 v3, v3;
	v2 =	vadd.f32 v5, v4;
	v4 =	vld [tilespmem:s25+$0xFFFFFE10]  }
0x1e7: {  	vm12 =	vgt.f32 v1, $5.551652910e+00  }
0x1e8: {  	v1 =	vadd.f32 v3, v2;
	v2 =	vld [tilespmem:s25+$0xFFFFFF90];
	v3 =	vsel vm12, $0x1, v0  }
0x1e9: {  	v5 =	vmul.f32 v7, v7;
	v6 =	vmul.f32 v6, v6;
	[tilespmem:s20+$0xA0] =	vst v3  }
0x1ea: {  	vm13 =	vgt.f32 v1, $5.551652910e+00;
	v1 =	vmul.f32 v8, v8;
	v3 =	vld [tilespmem:s25+$0x1B0]  }
0x1eb: {  	v5 =	vadd.f32 v6, v5;
	v6 =	vmul.f32 v9, v9;
	v4 =	vmul.f32 v4, v4;
	v7 =	vld [tilespmem:s25+$0x230]  }
0x1ec: {  	v8 =	vsel vm13, $0x1, v0  }
0x1ed: {  	[tilespmem:s20+$0x0] =	vst v8;
	v1 =	vadd.f32 v6, v1;
	v2 =	vmul.f32 v2, v2;
	v4 =	vadd.f32 v4, v5;
	v5 =	vld [tilespmem:s25+$0x2B0]  }
0x1ee: {  	v6 =	vld [tilespmem:s25+$0x10]  }
0x1ef: {  	v1 =	vadd.f32 v2, v1;
	vm14 =	vgt.f32 v4, $5.551652910e+00;
	v2 =	vld [tilespmem:s25+$0x90]  }
0x1f0: {  	v4 =	vsel vm14, $0x1, v0;
	v3 =	vmul.f32 v3, v3;
	v7 =	vmul.f32 v7, v7  }
0x1f1: {  	v8 =	vld [tilespmem:s25+$0x110];
	vm15 =	vgt.f32 v1, $5.551652910e+00;
	[tilespmem:s20+$0xFFFFFF10] =	vst v4  }
0x1f2: {  	v1 =	vsel vm15, $0x1, v0;
	v4 =	vld [tilespmem:s25+$0xFFFFFD20];
	v3 =	vadd.f32 v7, v3;
	v5 =	vmul.f32 v5, v5  }
0x1f3: {  	[tilespmem:s20+$0xFFFFFF90] =	vst v1;
	v1 =	vld [tilespmem:s25+$0xFFFFFDA0]  }
0x1f4: {  	v7 =	vld [tilespmem:s25+$0xFFFFFEA0];
	v3 =	vadd.f32 v5, v3;
	v5 =	vmul.f32 v6, v6;
	v2 =	vmul.f32 v2, v2  }
0x1f5: {  	v6 =	vld [tilespmem:s25+$0xFFFFFF20]  }
0x1f6: {  	v9 =	vld [tilespmem:s25+$0xFFFFFE20];
	vm4 =	vgt.f32 v3, $5.551652910e+00;
	v2 =	vadd.f32 v2, v5;
	v3 =	vmul.f32 v8, v8  }
0x1f7: {  	v5 =	vld [tilespmem:s25+$0xFFFFFFA0];
	v8 =	vsel vm4, $0x1, v0  }
0x1f8: {  	[tilespmem:s20+$0xB0] =	vst v8;
	v2 =	vadd.f32 v3, v2  }
0x1f9: {  	v3 =	vmul.f32 v4, v4;
	v1 =	vmul.f32 v1, v1;
	v4 =	vld [tilespmem:s25+$0x1C0]  }
0x1fa: {  	v7 =	vmul.f32 v7, v7;
	v6 =	vmul.f32 v6, v6;
	v8 =	vld [tilespmem:s25+$0x240];
	vm5 =	vgt.f32 v2, $5.551652910e+00  }
0x1fb: {  	v1 =	vadd.f32 v1, v3;
	v2 =	vmul.f32 v9, v9;
	v3 =	vsel vm5, $0x1, v0  }
0x1fc: {  	v6 =	vadd.f32 v6, v7;
	v5 =	vmul.f32 v5, v5;
	v7 =	vld [tilespmem:s25+$0x2C0];
	[tilespmem:s20+$0x10] =	vst v3  }
0x1fd: {  	v1 =	vadd.f32 v2, v1;
	v2 =	vld [tilespmem:s25+$0x20]  }
0x1fe: {  	v3 =	vadd.f32 v5, v6;
	v5 =	vld [tilespmem:s25+$0xA0]  }
0x1ff: {  	vm6 =	vgt.f32 v1, $5.551652910e+00;
	v1 =	vmul.f32 v4, v4;
	v4 =	vmul.f32 v8, v8  }
0x200: {  	v8 =	vld [tilespmem:s25+$0x120];
	v6 =	vsel vm6, $0x1, v0  }
0x201: {  	vm7 =	vgt.f32 v3, $5.551652910e+00;
	[tilespmem:s20+$0xFFFFFF20] =	vst v6;
	v1 =	vadd.f32 v4, v1;
	v3 =	vmul.f32 v7, v7  }
0x202: {  	v4 =	vsel vm7, $0x1, v0;
	v6 =	vld [tilespmem:s25+$0xFFFFFD30]  }
0x203: {  	[tilespmem:s20+$0xFFFFFFA0] =	vst v4;
	v4 =	vld [tilespmem:s25+$0xFFFFFDB0];
	v1 =	vadd.f32 v3, v1;
	v2 =	vmul.f32 v2, v2;
	v3 =	vmul.f32 v5, v5  }
0x204: {  	v5 =	vld [tilespmem:s25+$0xFFFFFEB0]  }
0x205: {  	v7 =	vld [tilespmem:s25+$0xFFFFFF30];
	vm8 =	vgt.f32 v1, $5.551652910e+00;
	v1 =	vadd.f32 v3, v2;
	v2 =	vmul.f32 v8, v8  }
0x206: {  	v9 =	vld [tilespmem:s25+$0xFFFFFFB0];
	v8 =	vsel vm8, $0x1, v0  }
0x207: {  	v3 =	vld [tilespmem:s25+$0xFFFFFE30];
	[tilespmem:s20+$0xC0] =	vst v8;
	v1 =	vadd.f32 v2, v1  }
0x208: {  	v2 =	vld [tilespmem:s25+$0x1D0]  }
0x209: {  	v8 =	vld [tilespmem:s25+$0x250];
	vm9 =	vgt.f32 v1, $5.551652910e+00  }
0x20a: {  	v4 =	vmul.f32 v4, v4;
	v1 =	vmul.f32 v6, v6;
	v6 =	vsel vm9, $0x1, v0  }
0x20b: {  	v5 =	vmul.f32 v5, v5;
	v7 =	vmul.f32 v7, v7;
	v10 =	vld [tilespmem:s25+$0x2D0];
	[tilespmem:s20+$0x20] =	vst v6  }
0x20c: {  	v3 =	vmul.f32 v3, v3;
	v1 =	vadd.f32 v4, v1;
	v4 =	vld [tilespmem:s25+$0x30]  }
0x20d: {  	v5 =	vadd.f32 v7, v5;
	v6 =	vmul.f32 v9, v9;
	v7 =	vld [tilespmem:s25+$0xB0]  }
0x20e: {  	v1 =	vadd.f32 v3, v1;
	v2 =	vmul.f32 v2, v2;
	v3 =	vmul.f32 v8, v8  }
0x20f: {  	v5 =	vadd.f32 v6, v5;
	v6 =	vld [tilespmem:s25+$0x130]  }
0x210: {  	s22 =	simm.s32 $0x6900;
	vm10 =	vgt.f32 v1, $5.551652910e+00;
	v1 =	vadd.f32 v3, v2;
	v2 =	vmul.f32 v10, v10  }
0x211: {  	v11 =	vld [tilespmem:s22+$0x280];
	v3 =	vsel vm10, $0x1, v0  }
0x212: {  	v14 =	vld [tilespmem:s22+$0xFFFFFE80];
	[tilespmem:s20+$0xFFFFFF30] =	vst v3;
	v1 =	vadd.f32 v2, v1;
	v2 =	vmul.f32 v4, v4;
	v3 =	vmul.f32 v7, v7  }
0x213: {  	v15 =	vld [tilespmem:s22+$0xFFFFFF00]  }
0x214: {  	v17 =	vld [tilespmem:s22+$0xFFFFFF80];
	vm12 =	vgt.f32 v1, $5.551652910e+00;
	v1 =	vadd.f32 v3, v2;
	v2 =	vmul.f32 v6, v6  }
0x215: {  	v19 =	vld [tilespmem:s22+$0x100];
	v3 =	vsel vm12, $0x1, v0  }
0x216: {  	v9 =	vld [tilespmem:s22+$0x180];
	[tilespmem:s20+$0xD0] =	vst v3;
	v1 =	vadd.f32 v2, v1  }
0x217: {  	v2 =	vld [tilespmem:s25+$0x1E0]  }
0x218: {  	v3 =	vld [tilespmem:s25+$0x260];
	vm13 =	vgt.f32 v1, $5.551652910e+00  }
0x219: {  	v1 =	vld [tilespmem:s25+$0x2E0];
	v8 =	vsel vm13, $0x1, v0  }
0x21a: {  	s23 =	simm.s32 $0x6F00;
	[tilespmem:s20+$0x30] =	vst v8;
	v8 =	vld [tilespmem:s22+$0x200]  }
0x21b: {  	v23 =	vld [tilespmem:s23+$0x180]  }
0x21c: {  	v24 =	vld [tilespmem:s23+$0x200]  }
0x21d: {  	v25 =	vld [tilespmem:s23+$0xFFFFFD80];
	v2 =	vmul.f32 v2, v2;
	v3 =	vmul.f32 v3, v3  }
0x21e: {  	v26 =	vld [tilespmem:s23+$0xFFFFFE80];
	vm11 =	vgt.f32 v5, $5.551652910e+00;
	v9 =	vmul.f32 v9, v9  }
0x21f: {  	v27 =	vld [tilespmem:s23+$0xFFFFFF00];
	v1 =	vmul.f32 v1, v1;
	v2 =	vadd.f32 v3, v2;
	v8 =	vmul.f32 v8, v8  }
0x220: {  	v4 =	vsel vm11, $0x1, v0;
	v5 =	vld [tilespmem:s25+$0xFFFFFD40]  }
0x221: {  	[tilespmem:s20+$0xFFFFFFB0] =	vst v4;
	v4 =	vld [tilespmem:s25+$0xFFFFFDC0];
	v1 =	vadd.f32 v1, v2;
	v2 =	vadd.f32 v8, v9;
	v8 =	vmul.f32 v11, v11  }
0x222: {  	v13 =	vld [tilespmem:s25+$0xFFFFFE40]  }
0x223: {  	v3 =	vld [tilespmem:s22+$0xFFFFFD80];
	v2 =	vadd.f32 v8, v2  }
0x224: {  	v8 =	vld [tilespmem:s22+$0xFFFFFD00]  }
0x225: {  	v28 =	vld [tilespmem:s23+$0x0];
	vm15 =	vgt.f32 v2, $5.551652910e+00  }
0x226: {  	s21 =	simm.s32 $0xE300;
	v4 =	vmul.f32 v4, v4;
	v2 =	vmul.f32 v5, v5;
	v5 =	vld [tilespmem:s22+$0xFFFFFE00];
	v33 =	vsel vm15, $0x1, v0  }
0x227: {  	v6 =	vld [tilespmem:s25+$0xFFFFFEC0];
	[tilespmem:s21+$0x80] =	vst v33  }
0x228: {  	v2 =	vadd.f32 v4, v2;
	v4 =	vmul.f32 v13, v13;
	v13 =	vld [tilespmem:s22+$0x190]  }
0x229: {  	v3 =	vmul.f32 v3, v3;
	v8 =	vmul.f32 v8, v8;
	v16 =	vld [tilespmem:s22+$0x210]  }
0x22a: {  	v9 =	vld [tilespmem:s22+$0x0];
	v4 =	vadd.f32 v4, v2  }
0x22b: {  	v18 =	vld [tilespmem:s22+$0x290];
	v8 =	vadd.f32 v3, v8;
	v5 =	vmul.f32 v5, v5  }
0x22c: {  	v14 =	vmul.f32 v14, v14;
	v11 =	vld [tilespmem:s22+$0x80];
	vm4 =	vgt.f32 v4, $5.551652910e+00;
	v4 =	vmul.f32 v15, v15  }
0x22d: {  	v7 =	vld [tilespmem:s25+$0xFFFFFF40];
	v5 =	vadd.f32 v5, v8;
	v8 =	vmul.f32 v17, v17  }
0x22e: {  	v10 =	vld [tilespmem:s25+$0x40];
	v4 =	vadd.f32 v4, v14;
	v13 =	vmul.f32 v13, v13;
	v16 =	vmul.f32 v16, v16  }
0x22f: {  	v6 =	vmul.f32 v6, v6;
	v12 =	vld [tilespmem:s25+$0xC0];
	v15 =	vsel vm4, $0x1, v0  }
0x230: {  	v14 =	vld [tilespmem:s25+$0xFFFFFFC0];
	v4 =	vadd.f32 v8, v4;
	v8 =	vadd.f32 v16, v13;
	v13 =	vmul.f32 v18, v18  }
0x231: {  	v9 =	vmul.f32 v9, v9;
	v11 =	vmul.f32 v11, v11;
	[tilespmem:s20+$0xFFFFFF40] =	vst v15;
	v15 =	vld [tilespmem:s25+$0x140]  }
0x232: {  	v7 =	vmul.f32 v7, v7;
	vm5 =	vgt.f32 v5, $5.551652910e+00;
	v5 =	vld [tilespmem:s25+$0xFFFFFD50];
	v8 =	vadd.f32 v13, v8  }
0x233: {  	v9 =	vadd.f32 v11, v9;
	v11 =	vld [tilespmem:s25+$0xFFFFFDD0];
	v34 =	vsel vm5, $0x1, v0;
	vm6 =	vgt.f32 v4, $5.551652910e+00  }
0x234: {  	v6 =	vadd.f32 v7, v6;
	[tilespmem:s21+$0xFFFFFF00] =	vst v34;
	v4 =	vld [tilespmem:s25+$0xFFFFFE50];
	v13 =	vsel vm6, $0x1, v0;
	vm7 =	vgt.f32 v8, $5.551652910e+00  }
0x235: {  	v10 =	vmul.f32 v10, v10;
	v7 =	vmul.f32 v12, v12;
	v16 =	vld [tilespmem:s22+$0xFFFFFD10];
	[tilespmem:s21+$0xFFFFFF80] =	vst v13;
	v36 =	vsel vm7, $0x1, v0  }
0x236: {  	v35 =	vmul.f32 v19, v19;
	v13 =	vld [tilespmem:s22+$0xFFFFFD90];
	[tilespmem:s21+$0x90] =	vst v36  }
0x237: {  	v7 =	vadd.f32 v7, v10;
	v38 =	vld [tilespmem:s22+$0x1A0]  }
0x238: {  	v9 =	vadd.f32 v35, v9;
	v12 =	vmul.f32 v14, v14;
	v10 =	vmul.f32 v15, v15;
	v14 =	vld [tilespmem:s22+$0x220]  }
0x239: {  	v5 =	vmul.f32 v5, v5;
	v11 =	vmul.f32 v11, v11;
	v8 =	vld [tilespmem:s22+$0xFFFFFE90]  }
0x23a: {  	vm8 =	vgt.f32 v9, $5.551652910e+00;
	v6 =	vadd.f32 v12, v6;
	v12 =	vld [tilespmem:s22+$0x2A0]  }
0x23b: {  	v37 =	vsel vm8, $0x1, v0;
	v9 =	vld [tilespmem:s22+$0xFFFFFF10];
	v7 =	vadd.f32 v10, v7;
	v5 =	vadd.f32 v11, v5  }
0x23c: {  	vm9 =	vgt.f32 v6, $5.551652910e+00;
	v6 =	vld [tilespmem:s22+$0xFFFFFE10];
	v4 =	vmul.f32 v4, v4;
	v16 =	vmul.f32 v16, v16  }
0x23d: {  	[tilespmem:s21+$0x0] =	vst v37;
	v39 =	vld [tilespmem:s22+$0xFFFFFF90];
	vm10 =	vgt.f32 v7, $5.551652910e+00;
	v18 =	vmul.f32 v38, v38;
	v14 =	vmul.f32 v14, v14  }
0x23e: {  	v17 =	vld [tilespmem:s22+$0x10];
	v10 =	vsel vm9, $0x1, v0;
	v4 =	vadd.f32 v4, v5;
	v5 =	vmul.f32 v13, v13  }
0x23f: {  	v15 =	vld [tilespmem:s22+$0x90];
	v8 =	vmul.f32 v8, v8;
	v12 =	vmul.f32 v12, v12;
	v14 =	vadd.f32 v14, v18  }
0x240: {  	v58 =	vld [tilespmem:s23+$0x80];
	[tilespmem:s20+$0xFFFFFFC0] =	vst v10;
	vm11 =	vgt.f32 v4, $5.551652910e+00;
	v4 =	vadd.f32 v5, v16;
	v5 =	vmul.f32 v9, v9  }
0x241: {  	v10 =	vsel vm10, $0x1, v0;
	v11 =	vld [tilespmem:s25+$0xFFFFFED0];
	v6 =	vmul.f32 v6, v6;
	v12 =	vadd.f32 v12, v14  }
0x242: {  	[tilespmem:s20+$0x40] =	vst v10;
	v10 =	vld [tilespmem:s25+$0xFFFFFF50];
	v5 =	vadd.f32 v5, v8;
	v8 =	vmul.f32 v39, v39  }
0x243: {  	v7 =	vld [tilespmem:s22+$0x110];
	v4 =	vadd.f32 v6, v4;
	v14 =	vsel vm11, $0x1, v0;
	vm12 =	vgt.f32 v12, $5.551652910e+00  }
0x244: {  	v40 =	vld [tilespmem:s25+$0xFFFFFFD0];
	[tilespmem:s20+$0xFFFFFF50] =	vst v14;
	v14 =	vmul.f32 v15, v15;
	v12 =	vmul.f32 v17, v17;
	v41 =	vsel vm12, $0x1, v0  }
0x245: {  	v13 =	vld [tilespmem:s25+$0x50];
	vm13 =	vgt.f32 v4, $5.551652910e+00;
	[tilespmem:s21+$0xA0] =	vst v41  }
0x246: {  	v5 =	vadd.f32 v8, v5;
	v8 =	vsel vm13, $0x1, v0;
	v12 =	vadd.f32 v14, v12;
	v14 =	vld [tilespmem:s22+$0x1B0]  }
0x247: {  	vm14 =	vgt.f32 v1, $5.551652910e+00;
	v11 =	vmul.f32 v11, v11;
	[tilespmem:s21+$0xFFFFFF10] =	vst v8;
	v8 =	vmul.f32 v10, v10;
	v4 =	vld [tilespmem:s22+$0x230]  }
0x248: {  	v1 =	vsel vm14, $0x1, v0;
	v9 =	vld [tilespmem:s25+$0xD0];
	v7 =	vmul.f32 v7, v7  }
0x249: {  	v16 =	vmul.f32 v40, v40;
	vm14 =	vgt.f32 v5, $5.551652910e+00;
	v8 =	vadd.f32 v8, v11;
	v5 =	vld [tilespmem:s22+$0x2B0]  }
0x24a: {  	v15 =	vld [tilespmem:s25+$0x150];
	v10 =	vsel vm14, $0x1, v0  }
0x24b: {  	v13 =	vmul.f32 v13, v13;
	[tilespmem:s21+$0xFFFFFF90] =	vst v10;
	v42 =	vld [tilespmem:s22+$0xFFFFFDA0];
	v7 =	vadd.f32 v7, v12;
	v8 =	vadd.f32 v16, v8  }
0x24c: {  	v11 =	vld [tilespmem:s22+$0xFFFFFEA0];
	v14 =	vmul.f32 v14, v14;
	v4 =	vmul.f32 v4, v4  }
0x24d: {  	v9 =	vmul.f32 v9, v9;
	vm15 =	vgt.f32 v7, $5.551652910e+00;
	v7 =	vld [tilespmem:s22+$0xFFFFFD20];
	vm4 =	vgt.f32 v8, $5.551652910e+00  }
0x24e: {  	v8 =	vld [tilespmem:s22+$0xFFFFFE20];
	v10 =	vsel vm15, $0x1, v0;
	v5 =	vmul.f32 v5, v5;
	v4 =	vadd.f32 v4, v14  }
0x24f: {  	[tilespmem:s21+$0x10] =	vst v10;
	v10 =	vld [tilespmem:s22+$0xFFFFFF20]  }
0x250: {  	v9 =	vadd.f32 v9, v13;
	v43 =	vld [tilespmem:s22+$0x20];
	v14 =	vmul.f32 v15, v15;
	v4 =	vadd.f32 v5, v4  }
0x251: {  	v13 =	vld [tilespmem:s22+$0xA0]  }
0x252: {  	v5 =	vadd.f32 v14, v9;
	v9 =	vsel vm4, $0x1, v0;
	v14 =	vld [tilespmem:s22+$0xFFFFFFA0];
	vm5 =	vgt.f32 v4, $5.551652910e+00  }
0x253: {  	v7 =	vmul.f32 v7, v7;
	[tilespmem:s20+$0xFFFFFFD0] =	vst v9;
	v9 =	vld [tilespmem:s22+$0x120];
	v4 =	vmul.f32 v42, v42;
	v15 =	vsel vm5, $0x1, v0  }
0x254: {  	v6 =	vld [tilespmem:s25+$0xFFFFFD60];
	v11 =	vmul.f32 v11, v11;
	[tilespmem:s21+$0xB0] =	vst v15  }
0x255: {  	v8 =	vmul.f32 v8, v8;
	v4 =	vadd.f32 v4, v7;
	v7 =	vmul.f32 v10, v10;
	v10 =	vld [tilespmem:s22+$0x1C0]  }
0x256: {  	v13 =	vmul.f32 v13, v13;
	v15 =	vmul.f32 v43, v43;
	v46 =	vld [tilespmem:s22+$0x240]  }
0x257: {  	v12 =	vld [tilespmem:s25+$0xFFFFFDE0];
	v14 =	vmul.f32 v14, v14;
	v4 =	vadd.f32 v8, v4  }
0x258: {  	v7 =	vadd.f32 v7, v11;
	v8 =	vadd.f32 v13, v15;
	v9 =	vmul.f32 v9, v9;
	v13 =	vld [tilespmem:s22+$0x2C0]  }
0x259: {  	vm6 =	vgt.f32 v5, $5.551652910e+00;
	v5 =	vld [tilespmem:s25+$0xFFFFFEE0];
	vm7 =	vgt.f32 v4, $5.551652910e+00  }
0x25a: {  	v45 =	vld [tilespmem:s25+$0xFFFFFF60];
	v7 =	vadd.f32 v14, v7;
	v4 =	vadd.f32 v9, v8;
	v8 =	vsel vm7, $0x1, v0  }
0x25b: {  	v9 =	vld [tilespmem:s25+$0xFFFFFE60];
	[tilespmem:s21+$0xFFFFFF20] =	vst v8;
	v8 =	vmul.f32 v10, v10;
	v10 =	vmul.f32 v46, v46  }
0x25c: {  	vm8 =	vgt.f32 v7, $5.551652910e+00;
	v7 =	vld [tilespmem:s25+$0xFFFFFFE0]  }
0x25d: {  	v15 =	vsel vm8, $0x1, v0;
	v47 =	vld [tilespmem:s22+$0xFFFFFD30];
	v8 =	vadd.f32 v10, v8;
	v10 =	vmul.f32 v13, v13  }
0x25e: {  	v6 =	vmul.f32 v6, v6;
	vm9 =	vgt.f32 v4, $5.551652910e+00;
	v4 =	vld [tilespmem:s22+$0xFFFFFDB0];
	[tilespmem:s21+$0xFFFFFFA0] =	vst v15  }
0x25f: {  	v12 =	vmul.f32 v12, v12;
	v13 =	vsel vm9, $0x1, v0;
	v15 =	vld [tilespmem:s22+$0xFFFFFEB0];
	v8 =	vadd.f32 v10, v8  }
0x260: {  	[tilespmem:s21+$0x20] =	vst v13;
	v13 =	vld [tilespmem:s22+$0xFFFFFF30]  }
0x261: {  	v6 =	vadd.f32 v12, v6;
	v5 =	vmul.f32 v5, v5;
	v50 =	vld [tilespmem:s22+$0xFFFFFFB0];
	vm10 =	vgt.f32 v8, $5.551652910e+00  }
0x262: {  	v9 =	vmul.f32 v9, v9;
	v48 =	vld [tilespmem:s22+$0x30];
	v8 =	vmul.f32 v45, v45;
	v49 =	vsel vm10, $0x1, v0  }
0x263: {  	v10 =	vld [tilespmem:s22+$0xFFFFFE30];
	[tilespmem:s21+$0xC0] =	vst v49  }
0x264: {  	v7 =	vmul.f32 v7, v7;
	v6 =	vadd.f32 v9, v6;
	v5 =	vadd.f32 v8, v5;
	v9 =	vld [tilespmem:s22+$0x1D0]  }
0x265: {  	v51 =	vld [tilespmem:s22+$0x250]  }
0x266: {  	v12 =	vld [tilespmem:s22+$0xB0];
	v4 =	vmul.f32 v4, v4;
	v8 =	vmul.f32 v47, v47;
	v5 =	vadd.f32 v7, v5  }
0x267: {  	v13 =	vmul.f32 v13, v13;
	v18 =	vld [tilespmem:s22+$0x2D0];
	v7 =	vmul.f32 v15, v15  }
0x268: {  	v29 =	vld [tilespmem:s23+$0xFFFFFD00];
	v4 =	vadd.f32 v4, v8;
	vm12 =	vgt.f32 v5, $5.551652910e+00;
	v5 =	vmul.f32 v10, v10  }
0x269: {  	vm11 =	vgt.f32 v6, $5.551652910e+00;
	v6 =	vld [tilespmem:s22+$0x130];
	v7 =	vadd.f32 v13, v7;
	v13 =	vmul.f32 v50, v50  }
0x26a: {  	v59 =	vld [tilespmem:s23+$0xFFFFFE00];
	v4 =	vadd.f32 v5, v4;
	v5 =	vmul.f32 v9, v9;
	v16 =	vmul.f32 v51, v51  }
0x26b: {  	v61 =	vld [tilespmem:s23+$0xFFFFFF80];
	[tilespmem:s20+$0xE0] =	vst v1;
	v17 =	vmul.f32 v48, v48;
	v12 =	vmul.f32 v12, v12  }
0x26c: {  	v1 =	vld [tilespmem:s25+$0x1F0];
	v13 =	vadd.f32 v13, v7;
	v18 =	vmul.f32 v18, v18;
	v16 =	vadd.f32 v16, v5  }
0x26d: {  	v2 =	vld [tilespmem:s25+$0x270];
	v44 =	vsel vm6, $0x1, v0;
	v12 =	vadd.f32 v12, v17  }
0x26e: {  	v3 =	vld [tilespmem:s25+$0x2F0];
	[tilespmem:s20+$0x50] =	vst v44;
	v6 =	vmul.f32 v6, v6;
	vm14 =	vgt.f32 v13, $5.551652910e+00;
	v13 =	vadd.f32 v18, v16  }
0x26f: {  	v11 =	vld [tilespmem:s25+$0x60]  }
0x270: {  	v14 =	vld [tilespmem:s25+$0xE0];
	v15 =	vsel vm11, $0x1, v0;
	v6 =	vadd.f32 v6, v12;
	vm15 =	vgt.f32 v13, $5.551652910e+00  }
0x271: {  	[tilespmem:s20+$0xFFFFFF60] =	vst v15;
	v15 =	vld [tilespmem:s25+$0x160];
	v12 =	vsel vm15, $0x1, v0  }
0x272: {  	v10 =	vld [tilespmem:s25+$0xFFFFFD70];
	vm4 =	vgt.f32 v6, $5.551652910e+00;
	[tilespmem:s21+$0xD0] =	vst v12  }
0x273: {  	v6 =	vsel vm4, $0x1, v0;
	v12 =	vld [tilespmem:s22+$0x1E0]  }
0x274: {  	v8 =	vsel vm12, $0x1, v0;
	[tilespmem:s21+$0x30] =	vst v6;
	v6 =	vld [tilespmem:s22+$0x260]  }
0x275: {  	[tilespmem:s20+$0xFFFFFFE0] =	vst v8;
	v8 =	vld [tilespmem:s25+$0xFFFFFDF0]  }
0x276: {  	v13 =	vld [tilespmem:s22+$0x2E0]  }
0x277: {  	v9 =	vld [tilespmem:s25+$0xFFFFFEF0]  }
0x278: {  	v7 =	vld [tilespmem:s25+$0xFFFFFF70]  }
0x279: {  	vm13 =	vgt.f32 v4, $5.551652910e+00;
	v4 =	vld [tilespmem:s25+$0xFFFFFE70];
	v12 =	vmul.f32 v12, v12;
	v6 =	vmul.f32 v6, v6  }
0x27a: {  	v5 =	vld [tilespmem:s25+$0xFFFFFFF0];
	v52 =	vsel vm13, $0x1, v0  }
0x27b: {  	[tilespmem:s21+$0xFFFFFF30] =	vst v52;
	v6 =	vadd.f32 v6, v12;
	v12 =	vmul.f32 v13, v13;
	v13 =	vld [tilespmem:s23+$0x280]  }
0x27c: {  	v53 =	vsel vm14, $0x1, v0;
	v17 =	vld [tilespmem:s22+$0xFFFFFD40]  }
0x27d: {  	[tilespmem:s21+$0xFFFFFFB0] =	vst v53;
	v54 =	vld [tilespmem:s22+$0xFFFFFDC0]  }
0x27e: {  	v57 =	vmul.f32 v24, v24;
	v55 =	vld [tilespmem:s22+$0xFFFFFEC0];
	v6 =	vadd.f32 v12, v6;
	v12 =	vmul.f32 v23, v23  }
0x27f: {  	v56 =	vld [tilespmem:s22+$0xFFFFFF40]  }
0x280: {  	v22 =	vld [tilespmem:s22+$0xFFFFFE40];
	vm5 =	vgt.f32 v6, $5.551652910e+00;
	v23 =	vadd.f32 v57, v12;
	v13 =	vmul.f32 v13, v13  }
0x281: {  	v20 =	vld [tilespmem:s22+$0x40];
	v6 =	vsel vm5, $0x1, v0  }
0x282: {  	v14 =	vmul.f32 v14, v14;
	v21 =	vld [tilespmem:s22+$0xC0];
	[tilespmem:s21+$0xE0] =	vst v6;
	v6 =	vmul.f32 v11, v11;
	v13 =	vadd.f32 v13, v23  }
0x283: {  	v34 =	vld [tilespmem:s22+$0xFFFFFFC0];
	v17 =	vmul.f32 v17, v17;
	v16 =	vmul.f32 v54, v54  }
0x284: {  	v15 =	vmul.f32 v15, v15;
	v38 =	vld [tilespmem:s22+$0x140];
	v14 =	vadd.f32 v14, v6;
	vm6 =	vgt.f32 v13, $5.551652910e+00  }
0x285: {  	s24 =	simm.s32 $0xE500;
	v60 =	vmul.f32 v22, v22;
	v12 =	vld [tilespmem:s22+$0x1F0];
	v13 =	vadd.f32 v16, v17;
	v62 =	vsel vm6, $0x1, v0  }
0x286: {  	v14 =	vadd.f32 v15, v14;
	v15 =	vld [tilespmem:s23+$0x100];
	[tilespmem:s24+$0x80] =	vst v62  }
0x287: {  	v32 =	vmul.f32 v29, v29;
	v26 =	vmul.f32 v26, v26;
	v13 =	vadd.f32 v60, v13;
	v63 =	vld [tilespmem:s23+$0x190]  }
0x288: {  	v28 =	vmul.f32 v28, v28;
	vm7 =	vgt.f32 v14, $5.551652910e+00;
	v14 =	vmul.f32 v25, v25;
	v33 =	vld [tilespmem:s23+$0x210]  }
0x289: {  	v24 =	vmul.f32 v58, v58;
	v36 =	vmul.f32 v59, v59;
	v37 =	vld [tilespmem:s23+$0x290];
	vm8 =	vgt.f32 v13, $5.551652910e+00  }
0x28a: {  	v11 =	vld [tilespmem:s22+$0x270];
	v13 =	vmul.f32 v27, v27;
	v35 =	vsel vm8, $0x1, v0;
	v14 =	vadd.f32 v14, v32  }
0x28b: {  	v24 =	vadd.f32 v24, v28;
	v6 =	vld [tilespmem:s22+$0x2F0];
	v17 =	vmul.f32 v61, v61;
	[tilespmem:s21+$0xFFFFFF40] =	vst v35  }
0x28c: {  	v13 =	vadd.f32 v13, v26;
	v15 =	vmul.f32 v15, v15;
	v14 =	vadd.f32 v36, v14;
	v40 =	vld [tilespmem:s22+$0xFFFFFD50]  }
0x28d: {  	v39 =	vsel vm7, $0x1, v0;
	v41 =	vld [tilespmem:s22+$0xFFFFFDD0];
	v16 =	vmul.f32 v63, v63;
	v25 =	vmul.f32 v33, v33  }
0x28e: {  	[tilespmem:s20+$0x60] =	vst v39;
	v42 =	vld [tilespmem:s22+$0xFFFFFE50];
	v23 =	vmul.f32 v37, v37;
	vm9 =	vgt.f32 v14, $5.551652910e+00;
	v14 =	vadd.f32 v17, v13  }
0x28f: {  	v15 =	vadd.f32 v15, v24;
	v13 =	vld [tilespmem:s25+$0x70];
	v43 =	vsel vm9, $0x1, v0;
	v16 =	vadd.f32 v25, v16  }
0x290: {  	v20 =	vmul.f32 v20, v20;
	vm10 =	vgt.f32 v14, $5.551652910e+00;
	[tilespmem:s24+$0xFFFFFF00] =	vst v43;
	v14 =	vld [tilespmem:s25+$0xF0]  }
0x291: {  	v21 =	vmul.f32 v21, v21;
	vm11 =	vgt.f32 v15, $5.551652910e+00;
	v45 =	vld [tilespmem:s23+$0xFFFFFD10];
	v16 =	vadd.f32 v23, v16  }
0x292: {  	v46 =	vsel vm11, $0x1, v0;
	v15 =	vld [tilespmem:s23+$0xFFFFFD90]  }
0x293: {  	v20 =	vadd.f32 v21, v20;
	v26 =	vmul.f32 v38, v38;
	[tilespmem:s24+$0x0] =	vst v46;
	v58 =	vld [tilespmem:s23+$0xFFFFFE10];
	vm12 =	vgt.f32 v16, $5.551652910e+00  }
0x294: {  	v1 =	vmul.f32 v1, v1;
	v2 =	vmul.f32 v2, v2;
	v51 =	vld [tilespmem:s23+$0x10];
	v50 =	vsel vm12, $0x1, v0  }
0x295: {  	v47 =	vmul.f32 v55, v55;
	v20 =	vadd.f32 v26, v20;
	v55 =	vld [tilespmem:s23+$0x90];
	[tilespmem:s24+$0x90] =	vst v50  }
0x296: {  	v3 =	vmul.f32 v3, v3;
	v1 =	vadd.f32 v2, v1;
	v48 =	vmul.f32 v56, v56;
	v53 =	vld [tilespmem:s23+$0x1A0]  }
0x297: {  	vm14 =	vgt.f32 v20, $5.551652910e+00;
	v2 =	vmul.f32 v40, v40;
	v56 =	vmul.f32 v41, v41;
	v54 =	vld [tilespmem:s23+$0x220]  }
0x298: {  	v52 =	vmul.f32 v34, v34;
	v63 =	vsel vm14, $0x1, v0;
	v61 =	vld [tilespmem:s23+$0x110];
	v16 =	vadd.f32 v48, v47  }
0x299: {  	v44 =	vsel vm10, $0x1, v0;
	v17 =	vmul.f32 v42, v42;
	[tilespmem:s21+$0x40] =	vst v63;
	v2 =	vadd.f32 v56, v2;
	v57 =	vld [tilespmem:s23+$0x2A0]  }
0x29a: {  	v1 =	vadd.f32 v3, v1;
	v10 =	vmul.f32 v10, v10;
	[tilespmem:s24+$0xFFFFFF80] =	vst v44;
	v34 =	vld [tilespmem:s22+$0xD0];
	v16 =	vadd.f32 v52, v16  }
0x29b: {  	v24 =	vld [tilespmem:s23+$0xFFFFFE90];
	v2 =	vadd.f32 v17, v2;
	v25 =	vmul.f32 v45, v45;
	v15 =	vmul.f32 v15, v15  }
0x29c: {  	v49 =	vld [tilespmem:s23+$0xFFFFFF10];
	vm13 =	vgt.f32 v16, $5.551652910e+00;
	v62 =	vmul.f32 v53, v53;
	v21 =	vmul.f32 v54, v54  }
0x29d: {  	v8 =	vmul.f32 v8, v8;
	v60 =	vld [tilespmem:s23+$0xFFFFFF90];
	vm15 =	vgt.f32 v2, $5.551652910e+00;
	v59 =	vsel vm13, $0x1, v0  }
0x29e: {  	v2 =	vadd.f32 v15, v25;
	v15 =	vld [tilespmem:s22+$0x50];
	[tilespmem:s21+$0xFFFFFFC0] =	vst v59;
	v31 =	vmul.f32 v57, v57;
	v3 =	vadd.f32 v21, v62  }
0x29f: {  	v7 =	vmul.f32 v7, v7;
	v16 =	vmul.f32 v58, v58;
	v30 =	vld [tilespmem:s22+$0xFFFFFED0]  }
0x2a0: {  	v23 =	vmul.f32 v51, v51;
	v35 =	vsel vm15, $0x1, v0;
	v32 =	vld [tilespmem:s22+$0xFFFFFF50];
	v3 =	vadd.f32 v31, v3  }
0x2a1: {  	v18 =	vmul.f32 v55, v55;
	v20 =	vmul.f32 v61, v61;
	[tilespmem:s21+$0xFFFFFF50] =	vst v35;
	v36 =	vld [tilespmem:s22+$0xFFFFFFD0];
	v2 =	vadd.f32 v16, v2  }
0x2a2: {  	v33 =	vmul.f32 v24, v24;
	v19 =	vmul.f32 v49, v49;
	v40 =	vld [tilespmem:s22+$0xFFFFFD60];
	vm4 =	vgt.f32 v3, $5.551652910e+00  }
0x2a3: {  	v37 =	vadd.f32 v18, v23;
	vm5 =	vgt.f32 v2, $5.551652910e+00;
	v2 =	vld [tilespmem:s22+$0xFFFFFDE0];
	v39 =	vsel vm4, $0x1, v0  }
0x2a4: {  	vm6 =	vgt.f32 v1, $5.551652910e+00;
	v1 =	vmul.f32 v9, v9;
	v38 =	vmul.f32 v60, v60;
	v3 =	vld [tilespmem:s22+$0x150];
	[tilespmem:s24+$0xA0] =	vst v39  }
0x2a5: {  	v19 =	vadd.f32 v19, v33;
	v9 =	vadd.f32 v20, v37;
	v41 =	vsel vm5, $0x1, v0;
	v22 =	vld [tilespmem:s23+$0x1B0]  }
0x2a6: {  	v8 =	vadd.f32 v8, v10;
	[tilespmem:s24+$0xFFFFFF10] =	vst v41;
	v10 =	vmul.f32 v30, v30;
	v44 =	vmul.f32 v32, v32;
	v42 =	vld [tilespmem:s23+$0x230]  }
0x2a7: {  	v4 =	vmul.f32 v4, v4;
	v18 =	vadd.f32 v38, v19;
	vm8 =	vgt.f32 v9, $5.551652910e+00;
	v43 =	vld [tilespmem:s23+$0xFFFFFD20]  }
0x2a8: {  	v46 =	vsel vm8, $0x1, v0;
	v48 =	vmul.f32 v36, v36;
	v10 =	vadd.f32 v44, v10;
	v9 =	vld [tilespmem:s23+$0x2B0]  }
0x2a9: {  	v17 =	vmul.f32 v34, v34;
	v15 =	vmul.f32 v15, v15;
	vm7 =	vgt.f32 v18, $5.551652910e+00;
	v47 =	vld [tilespmem:s23+$0xFFFFFDA0];
	[tilespmem:s24+$0x10] =	vst v46  }
0x2aa: {  	v45 =	vsel vm7, $0x1, v0;
	v51 =	vld [tilespmem:s23+$0x20];
	v10 =	vadd.f32 v48, v10;
	v3 =	vmul.f32 v3, v3  }
0x2ab: {  	v15 =	vadd.f32 v17, v15;
	[tilespmem:s24+$0xFFFFFF90] =	vst v45;
	v52 =	vld [tilespmem:s23+$0xA0];
	v50 =	vmul.f32 v22, v22;
	v16 =	vmul.f32 v42, v42  }
0x2ac: {  	v4 =	vadd.f32 v4, v8;
	v1 =	vadd.f32 v7, v1;
	v49 =	vld [tilespmem:s23+$0xFFFFFEA0];
	vm9 =	vgt.f32 v10, $5.551652910e+00  }
0x2ad: {  	v7 =	vld [tilespmem:s23+$0xFFFFFF20];
	v3 =	vadd.f32 v3, v15;
	v9 =	vmul.f32 v9, v9;
	v16 =	vadd.f32 v16, v50  }
0x2ae: {  	v5 =	vmul.f32 v5, v5;
	vm2 =	vgt.f32 v4, $5.551652910e+00;
	v10 =	vld [tilespmem:s23+$0xFFFFFE20];
	v8 =	vsel vm9, $0x1, v0  }
0x2af: {  	v12 =	vmul.f32 v12, v12;
	[tilespmem:s21+$0xFFFFFFD0] =	vst v8;
	v15 =	vld [tilespmem:s23+$0xFFFFFFA0];
	vm10 =	vgt.f32 v3, $5.551652910e+00;
	v9 =	vadd.f32 v9, v16  }
0x2b0: {  	v11 =	vmul.f32 v11, v11;
	v6 =	vmul.f32 v6, v6;
	v56 =	vld [tilespmem:s22+$0xFFFFFF60];
	v8 =	vsel vm10, $0x1, v0  }
0x2b1: {  	v53 =	vmul.f32 v43, v43;
	v54 =	vmul.f32 v47, v47;
	v3 =	vld [tilespmem:s23+$0x120];
	[tilespmem:s21+$0x50] =	vst v8;
	vm11 =	vgt.f32 v9, $5.551652910e+00  }
0x2b2: {  	v4 =	vadd.f32 v11, v12;
	v7 =	vmul.f32 v7, v7;
	v57 =	vld [tilespmem:s22+$0x60];
	v55 =	vsel vm11, $0x1, v0  }
0x2b3: {  	v10 =	vmul.f32 v10, v10;
	v8 =	vmul.f32 v49, v49;
	v16 =	vadd.f32 v54, v53;
	v11 =	vld [tilespmem:s22+$0xE0];
	[tilespmem:s24+$0xB0] =	vst v55  }
0x2b4: {  	v1 =	vadd.f32 v5, v1;
	v5 =	vmul.f32 v51, v51;
	v58 =	vmul.f32 v52, v52;
	v59 =	vld [tilespmem:s23+$0x1C0]  }
0x2b5: {  	v7 =	vadd.f32 v7, v8;
	v8 =	vmul.f32 v15, v15;
	v10 =	vadd.f32 v10, v16;
	v15 =	vld [tilespmem:s23+$0x240]  }
0x2b6: {  	v4 =	vadd.f32 v6, v4;
	v14 =	vmul.f32 v14, v14;
	v5 =	vadd.f32 v58, v5;
	v9 =	vld [tilespmem:s22+$0xFFFFFEE0]  }
0x2b7: {  	v3 =	vmul.f32 v3, v3;
	v7 =	vadd.f32 v8, v7;
	vm12 =	vgt.f32 v10, $5.551652910e+00;
	v8 =	vld [tilespmem:s23+$0x2C0]  }
0x2b8: {  	vm15 =	vgt.f32 v1, $5.551652910e+00;
	v10 =	vmul.f32 v13, v13;
	v13 =	vld [tilespmem:s22+$0xFFFFFE60];
	v12 =	vsel vm12, $0x1, v0  }
0x2b9: {  	v1 =	vmul.f32 v40, v40;
	v3 =	vadd.f32 v3, v5;
	v5 =	vld [tilespmem:s22+$0xFFFFFFE0];
	vm13 =	vgt.f32 v7, $5.551652910e+00;
	[tilespmem:s24+$0xFFFFFF20] =	vst v12  }
0x2ba: {  	v7 =	vsel vm13, $0x1, v0;
	v12 =	vld [tilespmem:s23+$0xFFFFFD30];
	v60 =	vmul.f32 v59, v59;
	v15 =	vmul.f32 v15, v15  }
0x2bb: {  	v2 =	vmul.f32 v2, v2;
	v6 =	vadd.f32 v14, v10;
	vm14 =	vgt.f32 v3, $5.551652910e+00;
	[tilespmem:s24+$0xFFFFFFA0] =	vst v7;
	v3 =	vld [tilespmem:s23+$0xFFFFFDB0]  }
0x2bc: {  	v7 =	vsel vm14, $0x1, v0;
	v14 =	vld [tilespmem:s23+$0xFFFFFEB0];
	v8 =	vmul.f32 v8, v8;
	v10 =	vadd.f32 v15, v60  }
0x2bd: {  	v1 =	vadd.f32 v2, v1;
	v9 =	vmul.f32 v9, v9;
	[tilespmem:s24+$0x20] =	vst v7;
	v7 =	vld [tilespmem:s23+$0xFFFFFF30]  }
0x2be: {  	v2 =	vmul.f32 v13, v13;
	v13 =	vld [tilespmem:s23+$0xB0];
	v15 =	vmul.f32 v56, v56;
	v8 =	vadd.f32 v8, v10  }
0x2bf: {  	vm5 =	vgt.f32 v4, $5.551652910e+00;
	v4 =	vmul.f32 v5, v5;
	v10 =	vld [tilespmem:s23+$0x30]  }
0x2c0: {  	v1 =	vadd.f32 v2, v1;
	v2 =	vld [tilespmem:s23+$0xFFFFFFB0];
	v9 =	vadd.f32 v15, v9;
	vm4 =	vgt.f32 v8, $5.551652910e+00  }
0x2c1: {  	v15 =	vld [tilespmem:s23+$0xFFFFFE30];
	v8 =	vmul.f32 v11, v11;
	v11 =	vsel vm4, $0x1, v0  }
0x2c2: {  	v61 =	vsel vm6, $0x1, v0;
	v5 =	vld [tilespmem:s23+$0x130];
	v3 =	vmul.f32 v3, v3;
	v4 =	vadd.f32 v4, v9;
	[tilespmem:s24+$0xC0] =	vst v11  }
0x2c3: {  	vm6 =	vgt.f32 v1, $5.551652910e+00;
	v7 =	vmul.f32 v7, v7;
	v11 =	vmul.f32 v12, v12;
	v12 =	vld [tilespmem:s23+$0x1D0]  }
0x2c4: {  	v9 =	vmul.f32 v14, v14;
	vm7 =	vgt.f32 v4, $5.551652910e+00;
	v1 =	vld [tilespmem:s23+$0x250];
	v4 =	vmul.f32 v10, v10  }
0x2c5: {  	v14 =	vld [tilespmem:s22+$0x160];
	v10 =	vmul.f32 v13, v13;
	v3 =	vadd.f32 v3, v11;
	v11 =	vsel vm6, $0x1, v0  }
0x2c6: {  	v2 =	vmul.f32 v2, v2;
	v7 =	vadd.f32 v7, v9;
	v9 =	vmul.f32 v15, v15;
	[tilespmem:s21+$0xFFFFFF60] =	vst v11;
	v11 =	vld [tilespmem:s23+$0x2D0]  }
0x2c7: {  	v5 =	vmul.f32 v5, v5;
	v13 =	vsel vm7, $0x1, v0;
	v4 =	vadd.f32 v10, v4;
	v15 =	vld [tilespmem:s22+$0xFFFFFD70]  }
0x2c8: {  	v62 =	vmul.f32 v57, v57;
	[tilespmem:s21+$0xFFFFFFE0] =	vst v13;
	v2 =	vadd.f32 v2, v7;
	v10 =	vld [tilespmem:s22+$0xFFFFFDF0];
	v3 =	vadd.f32 v9, v3  }
0x2c9: {  	v4 =	vadd.f32 v5, v4;
	v5 =	vld [tilespmem:s22+$0xFFFFFF70];
	v9 =	vmul.f32 v12, v12;
	v1 =	vmul.f32 v1, v1  }
0x2ca: {  	v8 =	vadd.f32 v8, v62;
	vm9 =	vgt.f32 v2, $5.551652910e+00;
	v2 =	vmul.f32 v14, v14;
	v12 =	vld [tilespmem:s22+$0xFFFFFEF0]  }
0x2cb: {  	vm8 =	vgt.f32 v3, $5.551652910e+00;
	v1 =	vadd.f32 v1, v9;
	v3 =	vmul.f32 v11, v11;
	v9 =	vld [tilespmem:s22+$0xFFFFFE70]  }
0x2cc: {  	v63 =	vsel vm2, $0x1, v0;
	v7 =	vsel vm15, $0x1, v0;
	v13 =	vld [tilespmem:s22+$0xFFFFFFF0];
	v11 =	vsel vm8, $0x1, v0  }
0x2cd: {  	v2 =	vadd.f32 v2, v8;
	vm10 =	vgt.f32 v4, $5.551652910e+00;
	[tilespmem:s24+$0xFFFFFF30] =	vst v11;
	v1 =	vadd.f32 v3, v1;
	v3 =	vld [tilespmem:s25+$0x170]  }
0x2ce: {  	v4 =	vsel vm9, $0x1, v0;
	v11 =	vmul.f32 v15, v15;
	v10 =	vmul.f32 v10, v10;
	v8 =	vld [tilespmem:s23+$0xFFFFFD40]  }
0x2cf: {  	[tilespmem:s24+$0xFFFFFFB0] =	vst v4;
	v4 =	vmul.f32 v12, v12;
	v12 =	vld [tilespmem:s23+$0xFFFFFDC0];
	vm11 =	vgt.f32 v1, $5.551652910e+00;
	v1 =	vmul.f32 v5, v5  }
0x2d0: {  	v5 =	vadd.f32 v10, v11;
	v10 =	vld [tilespmem:s23+$0xFFFFFEC0];
	v11 =	vsel vm11, $0x1, v0;
	v9 =	vmul.f32 v9, v9  }
0x2d1: {  	v13 =	vmul.f32 v13, v13;
	vm12 =	vgt.f32 v2, $5.551652910e+00;
	v14 =	vld [tilespmem:s23+$0xFFFFFF40];
	[tilespmem:s24+$0xD0] =	vst v11;
	v1 =	vadd.f32 v1, v4  }
0x2d2: {  	[tilespmem:s20+$0xFFFFFF70] =	vst v63;
	v11 =	vsel vm10, $0x1, v0;
	v2 =	vadd.f32 v9, v5;
	v4 =	vld [tilespmem:s23+$0x1E0];
	v3 =	vmul.f32 v3, v3  }
0x2d3: {  	[tilespmem:s24+$0x30] =	vst v11;
	v9 =	vsel vm5, $0x1, v0;
	v11 =	vsel vm12, $0x1, v0;
	v5 =	vld [tilespmem:s23+$0x260];
	v1 =	vadd.f32 v13, v1  }
0x2d4: {  	[tilespmem:s20+$0xF0] =	vst v61;
	v13 =	vmul.f32 v8, v8;
	v12 =	vmul.f32 v12, v12;
	v8 =	vld [tilespmem:s23+$0x40];
	v3 =	vadd.f32 v3, v6  }
0x2d5: {  	[tilespmem:s20+$0xFFFFFFF0] =	vst v7;
	v10 =	vmul.f32 v10, v10;
	v6 =	vld [tilespmem:s23+$0x2E0];
	vm13 =	vgt.f32 v2, $5.551652910e+00;
	vm14 =	vgt.f32 v1, $5.551652910e+00  }
0x2d6: {  	[tilespmem:s21+$0xF0] =	vst v9;
	v9 =	vld [tilespmem:s23+$0xC0];
	v7 =	vadd.f32 v12, v13;
	v12 =	vmul.f32 v14, v14;
	vm15 =	vgt.f32 v3, $5.551652910e+00  }
0x2d7: {  	s26 =	simm.s32 $0x7500;
	s25 =	simm.s32 $0x8;
	[tilespmem:s21+$0x60] =	vst v11;
	v11 =	vld [tilespmem:s23+$0xFFFFFE40];
	v3 =	vsel vm13, $0x1, v0;
	v2 =	vsel vm14, $0x1, v0;
	v1 =	vsel vm15, $0x1, v0  }
.LBB2_4:
0x2d8: {  	v13 =	vld [tilespmem:s26+$0x180];
	v10 =	vadd.f32 v12, v10;
	v4 =	vmul.f32 v4, v4;
	v5 =	vmul.f32 v5, v5;
	[tilespmem:s21+$0xFFFFFF70] =	vst v3  }
0x2d9: {  	v3 =	vld [tilespmem:s26+$0x200];
	v8 =	vmul.f32 v8, v8;
	[tilespmem:s21+$0xFFFFFFF0] =	vst v2  }
0x2da: {  	v2 =	vld [tilespmem:s26+$0xFFFFFD80];
	v4 =	vadd.f32 v5, v4;
	v5 =	vmul.f32 v6, v6;
	[tilespmem:s20+$0x70] =	vst v1;
	s20 =	smov.u32 s21;
	s21 =	smov.u32 s24  }
0x2db: {  	v1 =	vld [tilespmem:s26+$0x280];
	v6 =	vmul.f32 v9, v9  }
0x2dc: {  	v9 =	vld [tilespmem:s26+$0xFFFFFE80];
	v11 =	vmul.f32 v11, v11;
	v4 =	vadd.f32 v5, v4  }
0x2dd: {  	v5 =	vld [tilespmem:s26+$0xFFFFFF00];
	v6 =	vadd.f32 v6, v8  }
0x2de: {  	v12 =	vmul.f32 v13, v13;
	v8 =	vld [tilespmem:s26+$0x0];
	v3 =	vmul.f32 v3, v3;
	vm0 =	vgt.f32 v4, $5.551652910e+00  }
0x2df: {  	v7 =	vadd.f32 v11, v7;
	v2 =	vmul.f32 v2, v2;
	v4 =	vld [tilespmem:s26+$0x80];
	v11 =	vsel vm0, $0x1, v0  }
0x2e0: {  	s25 =	sadd.s32 $0x4, s25;
	v13 =	vld [tilespmem:s26+$0xFFFFFD00];
	v3 =	vadd.f32 v3, v12;
	v1 =	vmul.f32 v1, v1;
	[tilespmem:s24+$0xE0] =	vst v11  }
0x2e1: {  	p0 =	slt.u32 s25, $0x3C;
	vm0 =	vgt.f32 v7, $5.551652910e+00;
	v9 =	vmul.f32 v9, v9;
	v7 =	vld [tilespmem:s23+$0x1F0]  }
0x2e2: {  	v5 =	vmul.f32 v5, v5;
	v1 =	vadd.f32 v1, v3;
	v3 =	vsel vm0, $0x1, v0;
	v11 =	vld [tilespmem:s23+$0x270]  }
0x2e3: {  	v12 =	vld [tilespmem:s26+$0xFFFFFE00];
	v8 =	vmul.f32 v8, v8;
	[tilespmem:s24+$0xFFFFFF40] =	vst v3  }
0x2e4: {  	v3 =	vadd.f32 v5, v9;
	v4 =	vmul.f32 v4, v4;
	vm0 =	vgt.f32 v1, $5.551652910e+00;
	v1 =	vld [tilespmem:s23+$0x2F0]  }
0x2e5: {  	s24 =	sadd.s32 $0x200, s24;
	v5 =	vmul.f32 v13, v13;
	v9 =	vld [tilespmem:s26+$0xFFFFFF80];
	v13 =	vsel vm0, $0x1, v0  }
0x2e6: {  	v14 =	vld [tilespmem:s26+$0x100];
	v4 =	vadd.f32 v4, v8;
	[tilespmem:s24+$0x80] =	vst v13  }
0x2e7: {  	v7 =	vmul.f32 v7, v7;
	v2 =	vadd.f32 v2, v5;
	v5 =	vld [tilespmem:s26+$0x190];
	v8 =	vmul.f32 v11, v11  }
0x2e8: {  	v11 =	vmul.f32 v12, v12;
	v12 =	vld [tilespmem:s26+$0x210]  }
0x2e9: {  	v13 =	vld [tilespmem:s23+$0xFFFFFFC0];
	v7 =	vadd.f32 v8, v7;
	v1 =	vmul.f32 v1, v1  }
0x2ea: {  	v2 =	vadd.f32 v11, v2;
	v8 =	vmul.f32 v9, v9;
	v9 =	vld [tilespmem:s26+$0x290]  }
0x2eb: {  	v11 =	vmul.f32 v14, v14;
	v14 =	vld [tilespmem:s23+$0x140];
	v1 =	vadd.f32 v1, v7  }
0x2ec: {  	vm0 =	vgt.f32 v2, $5.551652910e+00;
	v2 =	vadd.f32 v8, v3;
	v3 =	vld [tilespmem:s23+$0xFFFFFD50]  }
0x2ed: {  	v5 =	vmul.f32 v5, v5;
	v7 =	vmul.f32 v12, v12;
	v8 =	vld [tilespmem:s23+$0xFFFFFDD0];
	vm1 =	vgt.f32 v1, $5.551652910e+00  }
0x2ee: {  	v1 =	vadd.f32 v11, v4;
	vm2 =	vgt.f32 v2, $5.551652910e+00;
	v2 =	vld [tilespmem:s23+$0xFFFFFE50];
	v4 =	vsel vm1, $0x1, v0  }
0x2ef: {  	v11 =	vsel vm0, $0x1, v0;
	v5 =	vadd.f32 v7, v5;
	v7 =	vmul.f32 v9, v9;
	[tilespmem:s21+$0xF0] =	vst v4;
	v4 =	vld [tilespmem:s22+$0x70]  }
0x2f0: {  	v9 =	vsel vm2, $0x1, v0;
	vm0 =	vgt.f32 v1, $5.551652910e+00;
	v1 =	vmul.f32 v13, v13;
	[tilespmem:s24+$0xFFFFFF00] =	vst v11;
	v11 =	vld [tilespmem:s22+$0xF0]  }
0x2f1: {  	v12 =	vld [tilespmem:s26+$0xFFFFFD10];
	[tilespmem:s24+$0xFFFFFF80] =	vst v9;
	v9 =	vsel vm0, $0x1, v0;
	v5 =	vadd.f32 v7, v5;
	v7 =	vmul.f32 v14, v14  }
0x2f2: {  	v3 =	vmul.f32 v3, v3;
	v1 =	vadd.f32 v1, v10;
	v13 =	vld [tilespmem:s26+$0xFFFFFD90];
	[tilespmem:s24+$0x0] =	vst v9;
	v8 =	vmul.f32 v8, v8  }
0x2f3: {  	v9 =	vld [tilespmem:s26+$0xFFFFFE90];
	vm0 =	vgt.f32 v5, $5.551652910e+00;
	v2 =	vmul.f32 v2, v2;
	v5 =	vadd.f32 v7, v6  }
0x2f4: {  	v6 =	vld [tilespmem:s26+$0xFFFFFF10];
	v7 =	vsel vm0, $0x1, v0;
	v3 =	vadd.f32 v8, v3;
	vm0 =	vgt.f32 v1, $5.551652910e+00  }
0x2f5: {  	v4 =	vmul.f32 v4, v4;
	v1 =	vld [tilespmem:s26+$0x10];
	[tilespmem:s24+$0x90] =	vst v7;
	v7 =	vsel vm0, $0x1, v0;
	vm0 =	vgt.f32 v5, $5.551652910e+00  }
0x2f6: {  	v5 =	vmul.f32 v12, v12;
	v8 =	vld [tilespmem:s26+$0x1A0];
	v2 =	vadd.f32 v2, v3;
	[tilespmem:s21+$0xFFFFFFC0] =	vst v7;
	v3 =	vsel vm0, $0x1, v0  }
0x2f7: {  	v7 =	vmul.f32 v13, v13;
	v10 =	vld [tilespmem:s26+$0x220];
	[tilespmem:s21+$0x40] =	vst v3;
	v3 =	vmul.f32 v11, v11  }
0x2f8: {  	v9 =	vmul.f32 v9, v9;
	v11 =	vld [tilespmem:s26+$0x90];
	vm0 =	vgt.f32 v2, $5.551652910e+00  }
0x2f9: {  	v2 =	vadd.f32 v7, v5;
	v5 =	vmul.f32 v6, v6;
	v6 =	vld [tilespmem:s26+$0x2A0];
	v7 =	vsel vm0, $0x1, v0  }
0x2fa: {  	v12 =	vld [tilespmem:s26+$0xFFFFFE10];
	v13 =	vmul.f32 v1, v1;
	[tilespmem:s21+$0xFFFFFF50] =	vst v7;
	v1 =	vadd.f32 v3, v4  }
0x2fb: {  	v3 =	vld [tilespmem:s26+$0xFFFFFF90];
	v4 =	vadd.f32 v5, v9  }
0x2fc: {  	v7 =	vmul.f32 v8, v8;
	v5 =	vld [tilespmem:s26+$0x110];
	v8 =	vmul.f32 v10, v10  }
0x2fd: {  	v9 =	vmul.f32 v11, v11;
	v10 =	vld [tilespmem:s23+$0xFFFFFED0]  }
0x2fe: {  	v7 =	vadd.f32 v8, v7;
	v6 =	vmul.f32 v6, v6;
	v8 =	vld [tilespmem:s23+$0xFFFFFF50]  }
0x2ff: {  	v11 =	vmul.f32 v12, v12;
	v9 =	vadd.f32 v9, v13;
	v12 =	vld [tilespmem:s23+$0x50]  }
0x300: {  	v3 =	vmul.f32 v3, v3;
	v6 =	vadd.f32 v6, v7;
	v7 =	vld [tilespmem:s23+$0xD0]  }
0x301: {  	v2 =	vadd.f32 v11, v2;
	v5 =	vmul.f32 v5, v5;
	v11 =	vld [tilespmem:s23+$0xFFFFFFD0]  }
0x302: {  	v3 =	vadd.f32 v3, v4;
	vm0 =	vgt.f32 v6, $5.551652910e+00;
	v4 =	vmul.f32 v10, v10;
	v6 =	vld [tilespmem:s23+$0x150]  }
0x303: {  	vm1 =	vgt.f32 v2, $5.551652910e+00;
	v2 =	vadd.f32 v5, v9;
	v5 =	vsel vm0, $0x1, v0;
	v9 =	vld [tilespmem:s23+$0xFFFFFD60]  }
0x304: {  	v10 =	vsel vm1, $0x1, v0;
	vm0 =	vgt.f32 v3, $5.551652910e+00;
	[tilespmem:s24+$0xA0] =	vst v5;
	v3 =	vld [tilespmem:s23+$0xFFFFFDE0];
	v5 =	vmul.f32 v8, v8  }
0x305: {  	[tilespmem:s24+$0xFFFFFF10] =	vst v10;
	v8 =	vsel vm0, $0x1, v0;
	vm0 =	vgt.f32 v2, $5.551652910e+00;
	v2 =	vld [tilespmem:s26+$0x1B0];
	v10 =	vmul.f32 v12, v12  }
0x306: {  	[tilespmem:s24+$0xFFFFFF90] =	vst v8;
	v8 =	vsel vm0, $0x1, v0;
	v12 =	vld [tilespmem:s26+$0x230];
	v4 =	vadd.f32 v5, v4;
	v5 =	vmul.f32 v7, v7  }
0x307: {  	v7 =	vld [tilespmem:s26+$0xFFFFFD20];
	[tilespmem:s24+$0x10] =	vst v8;
	v8 =	vmul.f32 v11, v11;
	v6 =	vmul.f32 v6, v6  }
0x308: {  	v11 =	vld [tilespmem:s26+$0x2B0];
	v9 =	vmul.f32 v9, v9;
	v5 =	vadd.f32 v5, v10  }
0x309: {  	v10 =	vld [tilespmem:s26+$0xFFFFFDA0];
	v3 =	vmul.f32 v3, v3;
	v4 =	vadd.f32 v8, v4  }
0x30a: {  	v8 =	vld [tilespmem:s26+$0xFFFFFEA0];
	v5 =	vadd.f32 v6, v5  }
0x30b: {  	v2 =	vmul.f32 v2, v2;
	v6 =	vld [tilespmem:s26+$0xFFFFFF20];
	v12 =	vmul.f32 v12, v12;
	vm0 =	vgt.f32 v4, $5.551652910e+00  }
0x30c: {  	v4 =	vmul.f32 v7, v7;
	v7 =	vld [tilespmem:s26+$0x20];
	v13 =	vsel vm0, $0x1, v0;
	vm0 =	vgt.f32 v5, $5.551652910e+00  }
0x30d: {  	v5 =	vld [tilespmem:s26+$0xA0];
	v2 =	vadd.f32 v12, v2;
	v11 =	vmul.f32 v11, v11;
	[tilespmem:s21+$0xFFFFFFD0] =	vst v13;
	v12 =	vsel vm0, $0x1, v0  }
0x30e: {  	v3 =	vadd.f32 v3, v9;
	v13 =	vld [tilespmem:s26+$0xFFFFFE20];
	v10 =	vmul.f32 v10, v10;
	[tilespmem:s21+$0x50] =	vst v12  }
0x30f: {  	v9 =	vld [tilespmem:s26+$0xFFFFFFA0];
	v8 =	vmul.f32 v8, v8;
	v2 =	vadd.f32 v11, v2  }
0x310: {  	v4 =	vadd.f32 v10, v4;
	v6 =	vmul.f32 v6, v6;
	v10 =	vld [tilespmem:s26+$0x120]  }
0x311: {  	v7 =	vmul.f32 v7, v7;
	vm0 =	vgt.f32 v2, $5.551652910e+00;
	v2 =	vld [tilespmem:s23+$0xFFFFFEE0]  }
0x312: {  	v6 =	vadd.f32 v6, v8;
	v5 =	vmul.f32 v5, v5;
	v8 =	vsel vm0, $0x1, v0;
	v11 =	vld [tilespmem:s23+$0xFFFFFF60]  }
0x313: {  	v12 =	vmul.f32 v13, v13;
	[tilespmem:s24+$0xB0] =	vst v8;
	v8 =	vld [tilespmem:s23+$0x60]  }
0x314: {  	v9 =	vmul.f32 v9, v9;
	v5 =	vadd.f32 v5, v7;
	v7 =	vld [tilespmem:s26+$0x1C0]  }
0x315: {  	v4 =	vadd.f32 v12, v4;
	v10 =	vmul.f32 v10, v10;
	v12 =	vld [tilespmem:s26+$0x240]  }
0x316: {  	v6 =	vadd.f32 v9, v6;
	v2 =	vmul.f32 v2, v2;
	v9 =	vld [tilespmem:s23+$0xE0]  }
0x317: {  	vm0 =	vgt.f32 v4, $5.551652910e+00;
	v4 =	vadd.f32 v10, v5;
	v5 =	vld [tilespmem:s26+$0x2C0];
	v10 =	vmul.f32 v11, v11  }
0x318: {  	v11 =	vsel vm0, $0x1, v0;
	vm0 =	vgt.f32 v6, $5.551652910e+00;
	v6 =	vld [tilespmem:s23+$0xFFFFFE60];
	v8 =	vmul.f32 v8, v8  }
0x319: {  	[tilespmem:s24+$0xFFFFFF20] =	vst v11;
	v11 =	vsel vm0, $0x1, v0;
	vm0 =	vgt.f32 v4, $5.551652910e+00;
	v4 =	vld [tilespmem:s23+$0xFFFFFFE0];
	v2 =	vadd.f32 v10, v2  }
0x31a: {  	v7 =	vmul.f32 v7, v7;
	v10 =	vld [tilespmem:s26+$0xFFFFFD30];
	[tilespmem:s24+$0xFFFFFFA0] =	vst v11;
	v11 =	vsel vm0, $0x1, v0;
	v12 =	vmul.f32 v12, v12  }
0x31b: {  	v13 =	vld [tilespmem:s26+$0xFFFFFDB0];
	[tilespmem:s24+$0x20] =	vst v11;
	v9 =	vmul.f32 v9, v9  }
0x31c: {  	v11 =	vld [tilespmem:s26+$0xFFFFFEB0];
	v7 =	vadd.f32 v12, v7;
	v5 =	vmul.f32 v5, v5  }
0x31d: {  	v12 =	vld [tilespmem:s26+$0xFFFFFF30];
	v6 =	vmul.f32 v6, v6;
	v8 =	vadd.f32 v9, v8  }
0x31e: {  	v9 =	vld [tilespmem:s26+$0x30];
	v5 =	vadd.f32 v5, v7;
	v4 =	vmul.f32 v4, v4  }
0x31f: {  	v7 =	vmul.f32 v10, v10;
	v10 =	vld [tilespmem:s26+$0xB0];
	v3 =	vadd.f32 v6, v3  }
0x320: {  	v6 =	vld [tilespmem:s26+$0xFFFFFE30];
	v13 =	vmul.f32 v13, v13;
	vm0 =	vgt.f32 v5, $5.551652910e+00;
	v2 =	vadd.f32 v4, v2  }
0x321: {  	v4 =	vld [tilespmem:s26+$0xFFFFFFB0];
	v5 =	vmul.f32 v11, v11;
	v11 =	vsel vm0, $0x1, v0;
	vm0 =	vgt.f32 v3, $5.551652910e+00  }
0x322: {  	v3 =	vadd.f32 v13, v7;
	v7 =	vmul.f32 v12, v12;
	v12 =	vld [tilespmem:s26+$0x130];
	[tilespmem:s24+$0xC0] =	vst v11;
	vm1 =	vgt.f32 v2, $5.551652910e+00  }
0x323: {  	v11 =	vsel vm0, $0x1, v0;
	v2 =	vmul.f32 v9, v9;
	v9 =	vld [tilespmem:s26+$0x1D0];
	v13 =	vsel vm1, $0x1, v0  }
0x324: {  	v5 =	vadd.f32 v7, v5;
	v7 =	vmul.f32 v10, v10;
	v10 =	vld [tilespmem:s26+$0x250];
	[tilespmem:s21+$0xFFFFFF60] =	vst v11  }
0x325: {  	v6 =	vmul.f32 v6, v6;
	[tilespmem:s21+$0xFFFFFFE0] =	vst v13;
	v11 =	vld [tilespmem:s23+$0x160]  }
0x326: {  	v4 =	vmul.f32 v4, v4;
	v2 =	vadd.f32 v7, v2;
	v7 =	vld [tilespmem:s26+$0x2D0]  }
0x327: {  	v3 =	vadd.f32 v6, v3;
	v6 =	vmul.f32 v12, v12;
	v12 =	vld [tilespmem:s23+$0xFFFFFD70]  }
0x328: {  	v4 =	vadd.f32 v4, v5;
	v5 =	vld [tilespmem:s23+$0xFFFFFDF0]  }
0x329: {  	v2 =	vadd.f32 v6, v2;
	v6 =	vmul.f32 v9, v9;
	v9 =	vmul.f32 v10, v10;
	v10 =	vld [tilespmem:s23+$0xFFFFFEF0]  }
0x32a: {  	vm0 =	vgt.f32 v3, $5.551652910e+00;
	vm1 =	vgt.f32 v4, $5.551652910e+00;
	v3 =	vld [tilespmem:s23+$0xFFFFFF70];
	v4 =	vmul.f32 v11, v11  }
0x32b: {  	vm2 =	vgt.f32 v2, $5.551652910e+00;
	v2 =	vadd.f32 v9, v6;
	v6 =	vmul.f32 v7, v7;
	v7 =	vld [tilespmem:s23+$0xFFFFFE70]  }
0x32c: {  	v9 =	vsel vm0, $0x1, v0;
	v11 =	vsel vm1, $0x1, v0;
	v13 =	vsel vm2, $0x1, v0;
	v14 =	vld [tilespmem:s23+$0xFFFFFFF0]  }
0x32d: {  	v4 =	vadd.f32 v4, v8;
	[tilespmem:s24+$0xFFFFFF30] =	vst v9;
	v2 =	vadd.f32 v6, v2;
	v6 =	vmul.f32 v12, v12;
	v8 =	vld [tilespmem:s22+$0x170];
	s22 =	smov.u32 s23;
	s23 =	smov.u32 s26  }
0x32e: {  	v5 =	vmul.f32 v5, v5;
	v9 =	vld [tilespmem:s26+$0xFFFFFD40];
	[tilespmem:s24+$0xFFFFFFB0] =	vst v11;
	v10 =	vmul.f32 v10, v10  }
0x32f: {  	vm1 =	vgt.f32 v4, $5.551652910e+00;
	v11 =	vld [tilespmem:s26+$0xFFFFFDC0];
	[tilespmem:s24+$0x30] =	vst v13;
	vm0 =	vgt.f32 v2, $5.551652910e+00;
	v2 =	vmul.f32 v3, v3  }
0x330: {  	v6 =	vadd.f32 v5, v6;
	v5 =	vsel vm1, $0x1, v0;
	v3 =	vld [tilespmem:s26+$0xFFFFFEC0];
	v4 =	vsel vm0, $0x1, v0  }
0x331: {  	v7 =	vmul.f32 v7, v7;
	v12 =	vld [tilespmem:s26+$0xFFFFFF40];
	[tilespmem:s24+$0xD0] =	vst v4;
	v2 =	vadd.f32 v2, v10;
	v10 =	vmul.f32 v14, v14  }
0x332: {  	v4 =	vld [tilespmem:s26+$0x1E0];
	[tilespmem:s21+$0x60] =	vst v5;
	v13 =	vmul.f32 v8, v8  }
.Ltmp1:
0x333: {  	v7 =	vadd.f32 v7, v6;
	v9 =	vmul.f32 v9, v9;
	v5 =	vld [tilespmem:s26+$0x260];
	v2 =	vadd.f32 v10, v2;
	(pc) =	sbr.rel @p0 .LBB2_4-.Ltmp1, $4  }
0x334: {  	v11 =	vmul.f32 v11, v11;
	v8 =	vld [tilespmem:s26+$0x40];
	v1 =	vadd.f32 v13, v1  }
0x335: {  	vm0 =	vgt.f32 v7, $5.551652910e+00;
	v10 =	vmul.f32 v3, v3;
	v6 =	vld [tilespmem:s26+$0x2E0];
	vm1 =	vgt.f32 v2, $5.551652910e+00  }
0x336: {  	v7 =	vadd.f32 v11, v9;
	v12 =	vmul.f32 v12, v12;
	v9 =	vld [tilespmem:s26+$0xC0];
	vm2 =	vgt.f32 v1, $5.551652910e+00  }
0x337: {  	v3 =	vsel vm0, $0x1, v0;
	s26 =	sadd.s32 $0x600, s26;
	v2 =	vsel vm1, $0x1, v0;
	v11 =	vld [tilespmem:s23+$0xFFFFFE40];
	v1 =	vsel vm2, $0x1, v0  }
0x338: {  	_ =	sdelay $0x1  }
0x339: {  	v13 =	vld [tilespmem:s23+$0xFFFFFFC0];
	_ =	sdelay $0x1  }
0x33a: {  	v11 =	vmul.f32 v11, v11;
	_ =	sdelay $0x1  }
0x33b: {  	v7 =	vadd.f32 v11, v7  }
0x33c: {  	v10 =	vadd.f32 v12, v10;
	v12 =	vmul.f32 v13, v13;
	v11 =	vld [tilespmem:s23+$0x140]  }
0x33d: {  	vm0 =	vgt.f32 v7, $5.551652910e+00  }
0x33e: {  	v10 =	vadd.f32 v12, v10;
	v7 =	vsel vm0, $0x1, v0  }
0x33f: {  	v8 =	vmul.f32 v8, v8;
	v9 =	vmul.f32 v9, v9;
	[tilespmem:s24+$0xFFFFFF40] =	vst v7  }
0x340: {  	vm7 =	vgt.f32 v10, $5.551652910e+00;
	v7 =	vld [tilespmem:s23+$0xFFFFFD50]  }
0x341: {  	v8 =	vadd.f32 v9, v8;
	v9 =	vld [tilespmem:s23+$0xFFFFFDD0];
	v10 =	vmul.f32 v11, v11;
	v11 =	vsel vm7, $0x1, v0  }
0x342: {  	v12 =	vld [tilespmem:s23+$0xFFFFFE50];
	[tilespmem:s24+$0xFFFFFFC0] =	vst v11  }
0x343: {  	v8 =	vadd.f32 v10, v8;
	v10 =	vld [tilespmem:s23+$0xFFFFFED0]  }
0x344: {  	v11 =	vld [tilespmem:s23+$0xFFFFFF50]  }
0x345: {  	vm8 =	vgt.f32 v8, $5.551652910e+00  }
0x346: {  	v13 =	vld [tilespmem:s23+$0xFFFFFFD0];
	v8 =	vsel vm8, $0x1, v0  }
0x347: {  	v7 =	vmul.f32 v7, v7;
	v9 =	vmul.f32 v9, v9;
	[tilespmem:s24+$0x40] =	vst v8  }
0x348: {  	v8 =	vmul.f32 v12, v12;
	v12 =	vld [tilespmem:s23+$0x50]  }
0x349: {  	v7 =	vadd.f32 v9, v7;
	v9 =	vld [tilespmem:s23+$0xD0];
	v10 =	vmul.f32 v10, v10;
	v11 =	vmul.f32 v11, v11;
	_ =	sdelay $0x1  }
0x34a: {  	v7 =	vadd.f32 v8, v7;
	v8 =	vld [tilespmem:s23+$0x150];
	v10 =	vadd.f32 v11, v10;
	v11 =	vmul.f32 v13, v13;
	_ =	sdelay $0x1  }
0x34b: {  	vm9 =	vgt.f32 v7, $5.551652910e+00;
	v7 =	vadd.f32 v11, v10  }
0x34c: {  	v10 =	vsel vm9, $0x1, v0;
	v11 =	vmul.f32 v12, v12;
	v9 =	vmul.f32 v9, v9  }
0x34d: {  	[tilespmem:s24+$0xFFFFFF50] =	vst v10;
	vm10 =	vgt.f32 v7, $5.551652910e+00  }
0x34e: {  	v7 =	vld [tilespmem:s23+$0xFFFFFD60];
	v8 =	vmul.f32 v8, v8;
	v9 =	vadd.f32 v9, v11;
	v10 =	vsel vm10, $0x1, v0  }
0x34f: {  	v4 =	vmul.f32 v4, v4;
	v5 =	vmul.f32 v5, v5;
	v11 =	vld [tilespmem:s23+$0xFFFFFDE0];
	[tilespmem:s24+$0xFFFFFFD0] =	vst v10  }
0x350: {  	v8 =	vadd.f32 v8, v9;
	v9 =	vld [tilespmem:s23+$0xFFFFFEE0]  }
0x351: {  	v4 =	vadd.f32 v5, v4;
	v5 =	vmul.f32 v6, v6;
	v6 =	vld [tilespmem:s23+$0xFFFFFF60]  }
0x352: {  	vm11 =	vgt.f32 v8, $5.551652910e+00;
	v8 =	vld [tilespmem:s23+$0xFFFFFE60]  }
0x353: {  	v4 =	vadd.f32 v5, v4;
	v5 =	vsel vm11, $0x1, v0  }
0x354: {  	[tilespmem:s24+$0x50] =	vst v5;
	v5 =	vld [tilespmem:s23+$0xFFFFFFE0]  }
0x355: {  	vm12 =	vgt.f32 v4, $5.551652910e+00;
	v4 =	vmul.f32 v7, v7;
	v7 =	vmul.f32 v11, v11;
	v10 =	vld [tilespmem:s23+$0x60]  }
0x356: {  	v9 =	vmul.f32 v9, v9;
	v12 =	vld [tilespmem:s23+$0xE0]  }
0x357: {  	v4 =	vadd.f32 v7, v4;
	v6 =	vmul.f32 v6, v6;
	v7 =	vmul.f32 v8, v8  }
0x358: {  	v11 =	vsel vm12, $0x1, v0;
	v8 =	vld [tilespmem:s23+$0x160]  }
0x359: {  	v13 =	vld [tilespmem:s22+$0xF0];
	[tilespmem:s24+$0xE0] =	vst v11;
	v6 =	vadd.f32 v6, v9;
	v5 =	vmul.f32 v5, v5;
	v4 =	vadd.f32 v7, v4  }
0x35a: {  	v11 =	vld [tilespmem:s23+$0x1F0];
	v9 =	vmul.f32 v10, v10  }
0x35b: {  	v7 =	vld [tilespmem:s23+$0x270];
	v12 =	vmul.f32 v12, v12;
	v5 =	vadd.f32 v5, v6;
	vm13 =	vgt.f32 v4, $5.551652910e+00  }
0x35c: {  	v10 =	vld [tilespmem:s23+$0x2F0];
	v6 =	vsel vm13, $0x1, v0  }
0x35d: {  	v4 =	vld [tilespmem:s22+$0x70];
	v9 =	vadd.f32 v12, v9;
	vm14 =	vgt.f32 v5, $5.551652910e+00;
	[tilespmem:s24+$0xFFFFFF60] =	vst v6;
	v5 =	vmul.f32 v8, v8  }
0x35e: {  	v6 =	vsel vm14, $0x1, v0;
	v8 =	vld [tilespmem:s23+$0xFFFFFD70]  }
0x35f: {  	[tilespmem:s24+$0xFFFFFFE0] =	vst v6;
	v6 =	vld [tilespmem:s23+$0xFFFFFDF0];
	v5 =	vadd.f32 v5, v9  }
0x360: {  	v9 =	vld [tilespmem:s23+$0xFFFFFEF0]  }
0x361: {  	v12 =	vld [tilespmem:s23+$0xFFFFFF70];
	vm15 =	vgt.f32 v5, $5.551652910e+00  }
0x362: {  	v7 =	vmul.f32 v7, v7;
	v15 =	vld [tilespmem:s23+$0xFFFFFFF0];
	v5 =	vmul.f32 v11, v11;
	v14 =	vsel vm15, $0x1, v0  }
0x363: {  	v11 =	vld [tilespmem:s23+$0xFFFFFE70];
	[tilespmem:s24+$0x60] =	vst v14  }
0x364: {  	v5 =	vadd.f32 v7, v5;
	v7 =	vmul.f32 v10, v10;
	v10 =	vld [tilespmem:s23+$0x70]  }
0x365: {  	v14 =	vld [tilespmem:s23+$0xF0]  }
0x366: {  	v4 =	vmul.f32 v4, v4;
	v5 =	vadd.f32 v7, v5;
	v7 =	vmul.f32 v13, v13;
	v13 =	vld [tilespmem:s22+$0x170]  }
0x367: {  	v8 =	vmul.f32 v8, v8;
	v6 =	vmul.f32 v6, v6;
	v16 =	vld [tilespmem:s23+$0x170]  }
0x368: {  	vm4 =	vgt.f32 v5, $5.551652910e+00;
	v5 =	vmul.f32 v9, v9;
	v9 =	vmul.f32 v12, v12  }
0x369: {  	v6 =	vadd.f32 v6, v8;
	v8 =	vmul.f32 v11, v11;
	v11 =	vmul.f32 v15, v15  }
0x36a: {  	v5 =	vadd.f32 v9, v5;
	v9 =	vmul.f32 v10, v10;
	v10 =	vmul.f32 v14, v14  }
0x36b: {  	[tilespmem:s21+$0xFFFFFF70] =	vst v3;
	v3 =	vadd.f32 v7, v4;
	v6 =	vadd.f32 v8, v6;
	v4 =	vmul.f32 v13, v13  }
0x36c: {  	[tilespmem:s21+$0xFFFFFFF0] =	vst v2;
	v7 =	vmul.f32 v16, v16;
	v2 =	vadd.f32 v11, v5;
	v5 =	vadd.f32 v10, v9  }
0x36d: {  	[tilespmem:s20+$0x70] =	vst v1;
	v1 =	vsel vm4, $0x1, v0;
	vm5 =	vgt.f32 v6, $5.551652910e+00;
	v3 =	vadd.f32 v4, v3  }
0x36e: {  	[tilespmem:s24+$0xF0] =	vst v1;
	v1 =	vsel vm5, $0x1, v0;
	vm1 =	vgt.f32 v2, $5.551652910e+00;
	v2 =	vadd.f32 v7, v5  }
0x36f: {  	[tilespmem:s24+$0xFFFFFF70] =	vst v1;
	vm6 =	vgt.f32 v3, $5.551652910e+00;
	v3 =	vsel vm1, $0x1, v0  }
0x370: {  	v1 =	vsel vm6, $0x1, v0;
	[tilespmem:s24+$0xFFFFFFF0] =	vst v3;
	vm7 =	vgt.f32 v2, $5.551652910e+00  }
0x371: {  	[tilespmem:s21+$0x70] =	vst v1;
	v1 =	vsel vm7, $0x1, v0  }
0x372: {  	[tilespmem:s24+$0x70] =	vst v1  }
0x373: {  	[hbm4b:s7+s2] =	stream.linear.scatter [tilespmem:s16], [sflag:$0x4], $0x2000, $0x38;
	[tilespmem:$0x10000] =	vst v63  }
0x374: {  	_ =	swait.ge [sflag:s13], $0x6000  }
0x375: {  	[sflag:s13] =	ssyncset.done $0x0  }
0x376: {  	[sflag:s13] =	ssyncadd.s32 $0xFFFFA000  }
0x377: {  	_ =	swait.ge [sflag:s17], $0x2000  }
0x378: {  	[sflag:s17] =	ssyncset.done $0x0  }
0x379: {  	s25 =	simm.s32 $0x300;
	[sflag:s17] =	ssyncadd.s32 $0xFFFFE000  }
0x37a: {  	v1 =	vld [tilespmem:s25+$0x180]  }
0x37b: {  	v2 =	vld [tilespmem:s25+$0x200];
	_ =	sdelay $0x1  }
0x37c: {  	v3 =	vld [tilespmem:s25+$0x280];
	_ =	sdelay $0x2  }
0x37d: {  	v1 =	vmul.f32 v1, v1;
	v2 =	vmul.f32 v2, v2;
	_ =	sdelay $0x1  }
0x37e: {  	v1 =	vadd.f32 v2, v1;
	v2 =	vmul.f32 v3, v3;
	_ =	sdelay $0x1  }
0x37f: {  	v1 =	vadd.f32 v2, v1;
	_ =	sdelay $0x1  }
0x380: {  	vm8 =	vgt.f32 v1, $5.551652910e+00  }
0x381: {  	s20 =	simm.s32 $0xC100;
	v1 =	vsel vm8, $0x1, v0  }
0x382: {  	[tilespmem:s20+$0x80] =	vst v1  }
0x383: {  	v1 =	vld [tilespmem:s25+$0x190]  }
0x384: {  	v2 =	vld [tilespmem:s25+$0x210];
	_ =	sdelay $0x1  }
0x385: {  	v3 =	vld [tilespmem:s25+$0x290];
	_ =	sdelay $0x2  }
0x386: {  	v4 =	vld [tilespmem:s25+$0xFFFFFD80];
	v1 =	vmul.f32 v1, v1;
	v2 =	vmul.f32 v2, v2  }
0x387: {  	v5 =	vld [tilespmem:s25+$0xFFFFFE80]  }
0x388: {  	v6 =	vld [tilespmem:s25+$0xFFFFFD00];
	v1 =	vadd.f32 v2, v1;
	v2 =	vmul.f32 v3, v3  }
0x389: {  	v7 =	vld [tilespmem:s25+$0xFFFFFE00]  }
0x38a: {  	v3 =	vld [tilespmem:s25+$0xFFFFFF00];
	v1 =	vadd.f32 v2, v1;
	_ =	sdelay $0x1  }
0x38b: {  	v2 =	vld [tilespmem:s25+$0xFFFFFF80];
	vm9 =	vgt.f32 v1, $5.551652910e+00  }
0x38c: {  	v1 =	vmul.f32 v4, v4;
	v4 =	vmul.f32 v6, v6;
	v6 =	vsel vm9, $0x1, v0  }
0x38d: {  	v5 =	vmul.f32 v5, v5;
	[tilespmem:s20+$0x90] =	vst v6  }
0x38e: {  	v3 =	vmul.f32 v3, v3;
	v1 =	vadd.f32 v1, v4;
	v4 =	vmul.f32 v7, v7;
	v6 =	vld [tilespmem:s25+$0x1A0]  }
0x38f: {  	v7 =	vld [tilespmem:s25+$0x220]  }
0x390: {  	v8 =	vld [tilespmem:s25+$0x0];
	v3 =	vadd.f32 v3, v5;
	v2 =	vmul.f32 v2, v2;
	v1 =	vadd.f32 v4, v1  }
0x391: {  	v4 =	vld [tilespmem:s25+$0x2A0]  }
0x392: {  	v5 =	vld [tilespmem:s25+$0x80];
	vm10 =	vgt.f32 v1, $5.551652910e+00;
	v1 =	vadd.f32 v2, v3  }
0x393: {  	v2 =	vsel vm10, $0x1, v0  }
0x394: {  	v3 =	vld [tilespmem:s25+$0x100];
	vm11 =	vgt.f32 v1, $5.551652910e+00;
	[tilespmem:s20+$0xFFFFFF00] =	vst v2;
	v1 =	vmul.f32 v6, v6;
	v2 =	vmul.f32 v7, v7  }
0x395: {  	v6 =	vsel vm11, $0x1, v0;
	v7 =	vld [tilespmem:s25+$0xFFFFFD10]  }
0x396: {  	[tilespmem:s20+$0xFFFFFF80] =	vst v6;
	v6 =	vld [tilespmem:s25+$0xFFFFFD90];
	v1 =	vadd.f32 v2, v1;
	v2 =	vmul.f32 v4, v4  }
0x397: {  	v5 =	vmul.f32 v5, v5;
	v4 =	vmul.f32 v8, v8;
	v8 =	vld [tilespmem:s25+$0xFFFFFE90]  }
0x398: {  	v9 =	vld [tilespmem:s25+$0xFFFFFF10];
	v1 =	vadd.f32 v2, v1  }
0x399: {  	v3 =	vmul.f32 v3, v3;
	v2 =	vadd.f32 v5, v4;
	v4 =	vld [tilespmem:s25+$0xFFFFFE10]  }
0x39a: {  	vm12 =	vgt.f32 v1, $5.551652910e+00  }
0x39b: {  	v1 =	vadd.f32 v3, v2;
	v2 =	vld [tilespmem:s25+$0xFFFFFF90];
	v3 =	vsel vm12, $0x1, v0  }
0x39c: {  	v5 =	vmul.f32 v7, v7;
	v6 =	vmul.f32 v6, v6;
	[tilespmem:s20+$0xA0] =	vst v3  }
0x39d: {  	vm13 =	vgt.f32 v1, $5.551652910e+00;
	v1 =	vmul.f32 v8, v8;
	v3 =	vld [tilespmem:s25+$0x1B0]  }
0x39e: {  	v5 =	vadd.f32 v6, v5;
	v6 =	vmul.f32 v9, v9;
	v4 =	vmul.f32 v4, v4;
	v7 =	vld [tilespmem:s25+$0x230]  }
0x39f: {  	v8 =	vsel vm13, $0x1, v0  }
0x3a0: {  	[tilespmem:s20+$0x0] =	vst v8;
	v1 =	vadd.f32 v6, v1;
	v2 =	vmul.f32 v2, v2;
	v4 =	vadd.f32 v4, v5;
	v5 =	vld [tilespmem:s25+$0x2B0]  }
0x3a1: {  	v6 =	vld [tilespmem:s25+$0x10]  }
0x3a2: {  	v1 =	vadd.f32 v2, v1;
	vm14 =	vgt.f32 v4, $5.551652910e+00;
	v2 =	vld [tilespmem:s25+$0x90]  }
0x3a3: {  	v4 =	vsel vm14, $0x1, v0;
	v3 =	vmul.f32 v3, v3;
	v7 =	vmul.f32 v7, v7  }
0x3a4: {  	v8 =	vld [tilespmem:s25+$0x110];
	vm15 =	vgt.f32 v1, $5.551652910e+00;
	[tilespmem:s20+$0xFFFFFF10] =	vst v4  }
0x3a5: {  	v1 =	vsel vm15, $0x1, v0;
	v4 =	vld [tilespmem:s25+$0xFFFFFD20];
	v3 =	vadd.f32 v7, v3;
	v5 =	vmul.f32 v5, v5  }
0x3a6: {  	[tilespmem:s20+$0xFFFFFF90] =	vst v1;
	v1 =	vld [tilespmem:s25+$0xFFFFFDA0]  }
0x3a7: {  	v7 =	vld [tilespmem:s25+$0xFFFFFEA0];
	v3 =	vadd.f32 v5, v3;
	v5 =	vmul.f32 v6, v6;
	v2 =	vmul.f32 v2, v2  }
0x3a8: {  	v6 =	vld [tilespmem:s25+$0xFFFFFF20]  }
0x3a9: {  	v9 =	vld [tilespmem:s25+$0xFFFFFE20];
	vm4 =	vgt.f32 v3, $5.551652910e+00;
	v2 =	vadd.f32 v2, v5;
	v3 =	vmul.f32 v8, v8  }
0x3aa: {  	v5 =	vld [tilespmem:s25+$0xFFFFFFA0];
	v8 =	vsel vm4, $0x1, v0  }
0x3ab: {  	[tilespmem:s20+$0xB0] =	vst v8;
	v2 =	vadd.f32 v3, v2  }
0x3ac: {  	v3 =	vmul.f32 v4, v4;
	v1 =	vmul.f32 v1, v1;
	v4 =	vld [tilespmem:s25+$0x1C0]  }
0x3ad: {  	v7 =	vmul.f32 v7, v7;
	v6 =	vmul.f32 v6, v6;
	v8 =	vld [tilespmem:s25+$0x240];
	vm5 =	vgt.f32 v2, $5.551652910e+00  }
0x3ae: {  	v1 =	vadd.f32 v1, v3;
	v2 =	vmul.f32 v9, v9;
	v3 =	vsel vm5, $0x1, v0  }
0x3af: {  	v6 =	vadd.f32 v6, v7;
	v5 =	vmul.f32 v5, v5;
	v7 =	vld [tilespmem:s25+$0x2C0];
	[tilespmem:s20+$0x10] =	vst v3  }
0x3b0: {  	v1 =	vadd.f32 v2, v1;
	v2 =	vld [tilespmem:s25+$0x20]  }
0x3b1: {  	v3 =	vadd.f32 v5, v6;
	v5 =	vld [tilespmem:s25+$0xA0]  }
0x3b2: {  	vm6 =	vgt.f32 v1, $5.551652910e+00;
	v1 =	vmul.f32 v4, v4;
	v4 =	vmul.f32 v8, v8  }
0x3b3: {  	v8 =	vld [tilespmem:s25+$0x120];
	v6 =	vsel vm6, $0x1, v0  }
0x3b4: {  	vm7 =	vgt.f32 v3, $5.551652910e+00;
	[tilespmem:s20+$0xFFFFFF20] =	vst v6;
	v1 =	vadd.f32 v4, v1;
	v3 =	vmul.f32 v7, v7  }
0x3b5: {  	v4 =	vsel vm7, $0x1, v0;
	v6 =	vld [tilespmem:s25+$0xFFFFFD30]  }
0x3b6: {  	[tilespmem:s20+$0xFFFFFFA0] =	vst v4;
	v4 =	vld [tilespmem:s25+$0xFFFFFDB0];
	v1 =	vadd.f32 v3, v1;
	v2 =	vmul.f32 v2, v2;
	v3 =	vmul.f32 v5, v5  }
0x3b7: {  	v5 =	vld [tilespmem:s25+$0xFFFFFEB0]  }
0x3b8: {  	v7 =	vld [tilespmem:s25+$0xFFFFFF30];
	vm8 =	vgt.f32 v1, $5.551652910e+00;
	v1 =	vadd.f32 v3, v2;
	v2 =	vmul.f32 v8, v8  }
0x3b9: {  	v9 =	vld [tilespmem:s25+$0xFFFFFFB0];
	v8 =	vsel vm8, $0x1, v0  }
0x3ba: {  	v3 =	vld [tilespmem:s25+$0xFFFFFE30];
	[tilespmem:s20+$0xC0] =	vst v8;
	v1 =	vadd.f32 v2, v1  }
0x3bb: {  	v2 =	vld [tilespmem:s25+$0x1D0]  }
0x3bc: {  	v8 =	vld [tilespmem:s25+$0x250];
	vm9 =	vgt.f32 v1, $5.551652910e+00  }
0x3bd: {  	v4 =	vmul.f32 v4, v4;
	v1 =	vmul.f32 v6, v6;
	v6 =	vsel vm9, $0x1, v0  }
0x3be: {  	v5 =	vmul.f32 v5, v5;
	v7 =	vmul.f32 v7, v7;
	v10 =	vld [tilespmem:s25+$0x2D0];
	[tilespmem:s20+$0x20] =	vst v6  }
0x3bf: {  	v3 =	vmul.f32 v3, v3;
	v1 =	vadd.f32 v4, v1;
	v4 =	vld [tilespmem:s25+$0x30]  }
0x3c0: {  	v5 =	vadd.f32 v7, v5;
	v6 =	vmul.f32 v9, v9;
	v7 =	vld [tilespmem:s25+$0xB0]  }
0x3c1: {  	v1 =	vadd.f32 v3, v1;
	v2 =	vmul.f32 v2, v2;
	v3 =	vmul.f32 v8, v8  }
0x3c2: {  	v5 =	vadd.f32 v6, v5;
	v6 =	vld [tilespmem:s25+$0x130]  }
0x3c3: {  	s22 =	simm.s32 $0x900;
	vm10 =	vgt.f32 v1, $5.551652910e+00;
	v1 =	vadd.f32 v3, v2;
	v2 =	vmul.f32 v10, v10  }
0x3c4: {  	v11 =	vld [tilespmem:s22+$0x280];
	v3 =	vsel vm10, $0x1, v0  }
0x3c5: {  	v14 =	vld [tilespmem:s22+$0xFFFFFE80];
	[tilespmem:s20+$0xFFFFFF30] =	vst v3;
	v1 =	vadd.f32 v2, v1;
	v2 =	vmul.f32 v4, v4;
	v3 =	vmul.f32 v7, v7  }
0x3c6: {  	v15 =	vld [tilespmem:s22+$0xFFFFFF00]  }
0x3c7: {  	v17 =	vld [tilespmem:s22+$0xFFFFFF80];
	vm12 =	vgt.f32 v1, $5.551652910e+00;
	v1 =	vadd.f32 v3, v2;
	v2 =	vmul.f32 v6, v6  }
0x3c8: {  	v19 =	vld [tilespmem:s22+$0x100];
	v3 =	vsel vm12, $0x1, v0  }
0x3c9: {  	v9 =	vld [tilespmem:s22+$0x180];
	[tilespmem:s20+$0xD0] =	vst v3;
	v1 =	vadd.f32 v2, v1  }
0x3ca: {  	v2 =	vld [tilespmem:s25+$0x1E0]  }
0x3cb: {  	v3 =	vld [tilespmem:s25+$0x260];
	vm13 =	vgt.f32 v1, $5.551652910e+00  }
0x3cc: {  	v1 =	vld [tilespmem:s25+$0x2E0];
	v8 =	vsel vm13, $0x1, v0  }
0x3cd: {  	s23 =	simm.s32 $0xF00;
	[tilespmem:s20+$0x30] =	vst v8;
	v8 =	vld [tilespmem:s22+$0x200]  }
0x3ce: {  	v23 =	vld [tilespmem:s23+$0x180]  }
0x3cf: {  	v24 =	vld [tilespmem:s23+$0x200]  }
0x3d0: {  	v25 =	vld [tilespmem:s23+$0xFFFFFD80];
	v2 =	vmul.f32 v2, v2;
	v3 =	vmul.f32 v3, v3  }
0x3d1: {  	v26 =	vld [tilespmem:s23+$0xFFFFFE80];
	vm11 =	vgt.f32 v5, $5.551652910e+00;
	v9 =	vmul.f32 v9, v9  }
0x3d2: {  	v27 =	vld [tilespmem:s23+$0xFFFFFF00];
	v1 =	vmul.f32 v1, v1;
	v2 =	vadd.f32 v3, v2;
	v8 =	vmul.f32 v8, v8  }
0x3d3: {  	v4 =	vsel vm11, $0x1, v0;
	v5 =	vld [tilespmem:s25+$0xFFFFFD40]  }
0x3d4: {  	[tilespmem:s20+$0xFFFFFFB0] =	vst v4;
	v4 =	vld [tilespmem:s25+$0xFFFFFDC0];
	v1 =	vadd.f32 v1, v2;
	v2 =	vadd.f32 v8, v9;
	v8 =	vmul.f32 v11, v11  }
0x3d5: {  	v13 =	vld [tilespmem:s25+$0xFFFFFE40]  }
0x3d6: {  	v3 =	vld [tilespmem:s22+$0xFFFFFD80];
	v2 =	vadd.f32 v8, v2  }
0x3d7: {  	v8 =	vld [tilespmem:s22+$0xFFFFFD00]  }
0x3d8: {  	v28 =	vld [tilespmem:s23+$0x0];
	vm15 =	vgt.f32 v2, $5.551652910e+00  }
0x3d9: {  	s21 =	simm.s32 $0xC300;
	v4 =	vmul.f32 v4, v4;
	v2 =	vmul.f32 v5, v5;
	v5 =	vld [tilespmem:s22+$0xFFFFFE00];
	v33 =	vsel vm15, $0x1, v0  }
0x3da: {  	v6 =	vld [tilespmem:s25+$0xFFFFFEC0];
	[tilespmem:s21+$0x80] =	vst v33  }
0x3db: {  	v2 =	vadd.f32 v4, v2;
	v4 =	vmul.f32 v13, v13;
	v13 =	vld [tilespmem:s22+$0x190]  }
0x3dc: {  	v3 =	vmul.f32 v3, v3;
	v8 =	vmul.f32 v8, v8;
	v16 =	vld [tilespmem:s22+$0x210]  }
0x3dd: {  	v9 =	vld [tilespmem:s22+$0x0];
	v4 =	vadd.f32 v4, v2  }
0x3de: {  	v18 =	vld [tilespmem:s22+$0x290];
	v8 =	vadd.f32 v3, v8;
	v5 =	vmul.f32 v5, v5  }
0x3df: {  	v14 =	vmul.f32 v14, v14;
	v11 =	vld [tilespmem:s22+$0x80];
	vm4 =	vgt.f32 v4, $5.551652910e+00;
	v4 =	vmul.f32 v15, v15  }
0x3e0: {  	v7 =	vld [tilespmem:s25+$0xFFFFFF40];
	v5 =	vadd.f32 v5, v8;
	v8 =	vmul.f32 v17, v17  }
0x3e1: {  	v10 =	vld [tilespmem:s25+$0x40];
	v4 =	vadd.f32 v4, v14;
	v13 =	vmul.f32 v13, v13;
	v16 =	vmul.f32 v16, v16  }
0x3e2: {  	v6 =	vmul.f32 v6, v6;
	v12 =	vld [tilespmem:s25+$0xC0];
	v15 =	vsel vm4, $0x1, v0  }
0x3e3: {  	v14 =	vld [tilespmem:s25+$0xFFFFFFC0];
	v4 =	vadd.f32 v8, v4;
	v8 =	vadd.f32 v16, v13;
	v13 =	vmul.f32 v18, v18  }
0x3e4: {  	v9 =	vmul.f32 v9, v9;
	v11 =	vmul.f32 v11, v11;
	[tilespmem:s20+$0xFFFFFF40] =	vst v15;
	v15 =	vld [tilespmem:s25+$0x140]  }
0x3e5: {  	v7 =	vmul.f32 v7, v7;
	vm5 =	vgt.f32 v5, $5.551652910e+00;
	v5 =	vld [tilespmem:s25+$0xFFFFFD50];
	v8 =	vadd.f32 v13, v8  }
0x3e6: {  	v9 =	vadd.f32 v11, v9;
	v11 =	vld [tilespmem:s25+$0xFFFFFDD0];
	v34 =	vsel vm5, $0x1, v0;
	vm6 =	vgt.f32 v4, $5.551652910e+00  }
0x3e7: {  	v6 =	vadd.f32 v7, v6;
	[tilespmem:s21+$0xFFFFFF00] =	vst v34;
	v4 =	vld [tilespmem:s25+$0xFFFFFE50];
	v13 =	vsel vm6, $0x1, v0;
	vm7 =	vgt.f32 v8, $5.551652910e+00  }
0x3e8: {  	v10 =	vmul.f32 v10, v10;
	v7 =	vmul.f32 v12, v12;
	v16 =	vld [tilespmem:s22+$0xFFFFFD10];
	[tilespmem:s21+$0xFFFFFF80] =	vst v13;
	v36 =	vsel vm7, $0x1, v0  }
0x3e9: {  	v35 =	vmul.f32 v19, v19;
	v13 =	vld [tilespmem:s22+$0xFFFFFD90];
	[tilespmem:s21+$0x90] =	vst v36  }
0x3ea: {  	v7 =	vadd.f32 v7, v10;
	v38 =	vld [tilespmem:s22+$0x1A0]  }
0x3eb: {  	v9 =	vadd.f32 v35, v9;
	v12 =	vmul.f32 v14, v14;
	v10 =	vmul.f32 v15, v15;
	v14 =	vld [tilespmem:s22+$0x220]  }
0x3ec: {  	v5 =	vmul.f32 v5, v5;
	v11 =	vmul.f32 v11, v11;
	v8 =	vld [tilespmem:s22+$0xFFFFFE90]  }
0x3ed: {  	vm8 =	vgt.f32 v9, $5.551652910e+00;
	v6 =	vadd.f32 v12, v6;
	v12 =	vld [tilespmem:s22+$0x2A0]  }
0x3ee: {  	v37 =	vsel vm8, $0x1, v0;
	v9 =	vld [tilespmem:s22+$0xFFFFFF10];
	v7 =	vadd.f32 v10, v7;
	v5 =	vadd.f32 v11, v5  }
0x3ef: {  	vm9 =	vgt.f32 v6, $5.551652910e+00;
	v6 =	vld [tilespmem:s22+$0xFFFFFE10];
	v4 =	vmul.f32 v4, v4;
	v16 =	vmul.f32 v16, v16  }
0x3f0: {  	[tilespmem:s21+$0x0] =	vst v37;
	v39 =	vld [tilespmem:s22+$0xFFFFFF90];
	vm10 =	vgt.f32 v7, $5.551652910e+00;
	v18 =	vmul.f32 v38, v38;
	v14 =	vmul.f32 v14, v14  }
0x3f1: {  	v17 =	vld [tilespmem:s22+$0x10];
	v10 =	vsel vm9, $0x1, v0;
	v4 =	vadd.f32 v4, v5;
	v5 =	vmul.f32 v13, v13  }
0x3f2: {  	v15 =	vld [tilespmem:s22+$0x90];
	v8 =	vmul.f32 v8, v8;
	v12 =	vmul.f32 v12, v12;
	v14 =	vadd.f32 v14, v18  }
0x3f3: {  	v58 =	vld [tilespmem:s23+$0x80];
	[tilespmem:s20+$0xFFFFFFC0] =	vst v10;
	vm11 =	vgt.f32 v4, $5.551652910e+00;
	v4 =	vadd.f32 v5, v16;
	v5 =	vmul.f32 v9, v9  }
0x3f4: {  	v10 =	vsel vm10, $0x1, v0;
	v11 =	vld [tilespmem:s25+$0xFFFFFED0];
	v6 =	vmul.f32 v6, v6;
	v12 =	vadd.f32 v12, v14  }
0x3f5: {  	[tilespmem:s20+$0x40] =	vst v10;
	v10 =	vld [tilespmem:s25+$0xFFFFFF50];
	v5 =	vadd.f32 v5, v8;
	v8 =	vmul.f32 v39, v39  }
0x3f6: {  	v7 =	vld [tilespmem:s22+$0x110];
	v4 =	vadd.f32 v6, v4;
	v14 =	vsel vm11, $0x1, v0;
	vm12 =	vgt.f32 v12, $5.551652910e+00  }
0x3f7: {  	v40 =	vld [tilespmem:s25+$0xFFFFFFD0];
	[tilespmem:s20+$0xFFFFFF50] =	vst v14;
	v14 =	vmul.f32 v15, v15;
	v12 =	vmul.f32 v17, v17;
	v41 =	vsel vm12, $0x1, v0  }
0x3f8: {  	v13 =	vld [tilespmem:s25+$0x50];
	vm13 =	vgt.f32 v4, $5.551652910e+00;
	[tilespmem:s21+$0xA0] =	vst v41  }
0x3f9: {  	v5 =	vadd.f32 v8, v5;
	v8 =	vsel vm13, $0x1, v0;
	v12 =	vadd.f32 v14, v12;
	v14 =	vld [tilespmem:s22+$0x1B0]  }
0x3fa: {  	vm14 =	vgt.f32 v1, $5.551652910e+00;
	v11 =	vmul.f32 v11, v11;
	[tilespmem:s21+$0xFFFFFF10] =	vst v8;
	v8 =	vmul.f32 v10, v10;
	v4 =	vld [tilespmem:s22+$0x230]  }
0x3fb: {  	v1 =	vsel vm14, $0x1, v0;
	v9 =	vld [tilespmem:s25+$0xD0];
	v7 =	vmul.f32 v7, v7  }
0x3fc: {  	v16 =	vmul.f32 v40, v40;
	vm14 =	vgt.f32 v5, $5.551652910e+00;
	v8 =	vadd.f32 v8, v11;
	v5 =	vld [tilespmem:s22+$0x2B0]  }
0x3fd: {  	v15 =	vld [tilespmem:s25+$0x150];
	v10 =	vsel vm14, $0x1, v0  }
0x3fe: {  	v13 =	vmul.f32 v13, v13;
	[tilespmem:s21+$0xFFFFFF90] =	vst v10;
	v42 =	vld [tilespmem:s22+$0xFFFFFDA0];
	v7 =	vadd.f32 v7, v12;
	v8 =	vadd.f32 v16, v8  }
0x3ff: {  	v11 =	vld [tilespmem:s22+$0xFFFFFEA0];
	v14 =	vmul.f32 v14, v14;
	v4 =	vmul.f32 v4, v4  }
0x400: {  	v9 =	vmul.f32 v9, v9;
	vm15 =	vgt.f32 v7, $5.551652910e+00;
	v7 =	vld [tilespmem:s22+$0xFFFFFD20];
	vm4 =	vgt.f32 v8, $5.551652910e+00  }
0x401: {  	v8 =	vld [tilespmem:s22+$0xFFFFFE20];
	v10 =	vsel vm15, $0x1, v0;
	v5 =	vmul.f32 v5, v5;
	v4 =	vadd.f32 v4, v14  }
0x402: {  	[tilespmem:s21+$0x10] =	vst v10;
	v10 =	vld [tilespmem:s22+$0xFFFFFF20]  }
0x403: {  	v9 =	vadd.f32 v9, v13;
	v43 =	vld [tilespmem:s22+$0x20];
	v14 =	vmul.f32 v15, v15;
	v4 =	vadd.f32 v5, v4  }
0x404: {  	v13 =	vld [tilespmem:s22+$0xA0]  }
0x405: {  	v5 =	vadd.f32 v14, v9;
	v9 =	vsel vm4, $0x1, v0;
	v14 =	vld [tilespmem:s22+$0xFFFFFFA0];
	vm5 =	vgt.f32 v4, $5.551652910e+00  }
0x406: {  	v7 =	vmul.f32 v7, v7;
	[tilespmem:s20+$0xFFFFFFD0] =	vst v9;
	v9 =	vld [tilespmem:s22+$0x120];
	v4 =	vmul.f32 v42, v42;
	v15 =	vsel vm5, $0x1, v0  }
0x407: {  	v6 =	vld [tilespmem:s25+$0xFFFFFD60];
	v11 =	vmul.f32 v11, v11;
	[tilespmem:s21+$0xB0] =	vst v15  }
0x408: {  	v8 =	vmul.f32 v8, v8;
	v4 =	vadd.f32 v4, v7;
	v7 =	vmul.f32 v10, v10;
	v10 =	vld [tilespmem:s22+$0x1C0]  }
0x409: {  	v13 =	vmul.f32 v13, v13;
	v15 =	vmul.f32 v43, v43;
	v46 =	vld [tilespmem:s22+$0x240]  }
0x40a: {  	v12 =	vld [tilespmem:s25+$0xFFFFFDE0];
	v14 =	vmul.f32 v14, v14;
	v4 =	vadd.f32 v8, v4  }
0x40b: {  	v7 =	vadd.f32 v7, v11;
	v8 =	vadd.f32 v13, v15;
	v9 =	vmul.f32 v9, v9;
	v13 =	vld [tilespmem:s22+$0x2C0]  }
0x40c: {  	vm6 =	vgt.f32 v5, $5.551652910e+00;
	v5 =	vld [tilespmem:s25+$0xFFFFFEE0];
	vm7 =	vgt.f32 v4, $5.551652910e+00  }
0x40d: {  	v45 =	vld [tilespmem:s25+$0xFFFFFF60];
	v7 =	vadd.f32 v14, v7;
	v4 =	vadd.f32 v9, v8;
	v8 =	vsel vm7, $0x1, v0  }
0x40e: {  	v9 =	vld [tilespmem:s25+$0xFFFFFE60];
	[tilespmem:s21+$0xFFFFFF20] =	vst v8;
	v8 =	vmul.f32 v10, v10;
	v10 =	vmul.f32 v46, v46  }
0x40f: {  	vm8 =	vgt.f32 v7, $5.551652910e+00;
	v7 =	vld [tilespmem:s25+$0xFFFFFFE0]  }
0x410: {  	v15 =	vsel vm8, $0x1, v0;
	v47 =	vld [tilespmem:s22+$0xFFFFFD30];
	v8 =	vadd.f32 v10, v8;
	v10 =	vmul.f32 v13, v13  }
0x411: {  	v6 =	vmul.f32 v6, v6;
	vm9 =	vgt.f32 v4, $5.551652910e+00;
	v4 =	vld [tilespmem:s22+$0xFFFFFDB0];
	[tilespmem:s21+$0xFFFFFFA0] =	vst v15  }
0x412: {  	v12 =	vmul.f32 v12, v12;
	v13 =	vsel vm9, $0x1, v0;
	v15 =	vld [tilespmem:s22+$0xFFFFFEB0];
	v8 =	vadd.f32 v10, v8  }
0x413: {  	[tilespmem:s21+$0x20] =	vst v13;
	v13 =	vld [tilespmem:s22+$0xFFFFFF30]  }
0x414: {  	v6 =	vadd.f32 v12, v6;
	v5 =	vmul.f32 v5, v5;
	v50 =	vld [tilespmem:s22+$0xFFFFFFB0];
	vm10 =	vgt.f32 v8, $5.551652910e+00  }
0x415: {  	v9 =	vmul.f32 v9, v9;
	v48 =	vld [tilespmem:s22+$0x30];
	v8 =	vmul.f32 v45, v45;
	v49 =	vsel vm10, $0x1, v0  }
0x416: {  	v10 =	vld [tilespmem:s22+$0xFFFFFE30];
	[tilespmem:s21+$0xC0] =	vst v49  }
0x417: {  	v7 =	vmul.f32 v7, v7;
	v6 =	vadd.f32 v9, v6;
	v5 =	vadd.f32 v8, v5;
	v9 =	vld [tilespmem:s22+$0x1D0]  }
0x418: {  	v51 =	vld [tilespmem:s22+$0x250]  }
0x419: {  	v12 =	vld [tilespmem:s22+$0xB0];
	v4 =	vmul.f32 v4, v4;
	v8 =	vmul.f32 v47, v47;
	v5 =	vadd.f32 v7, v5  }
0x41a: {  	v13 =	vmul.f32 v13, v13;
	v18 =	vld [tilespmem:s22+$0x2D0];
	v7 =	vmul.f32 v15, v15  }
0x41b: {  	v29 =	vld [tilespmem:s23+$0xFFFFFD00];
	v4 =	vadd.f32 v4, v8;
	vm12 =	vgt.f32 v5, $5.551652910e+00;
	v5 =	vmul.f32 v10, v10  }
0x41c: {  	vm11 =	vgt.f32 v6, $5.551652910e+00;
	v6 =	vld [tilespmem:s22+$0x130];
	v7 =	vadd.f32 v13, v7;
	v13 =	vmul.f32 v50, v50  }
0x41d: {  	v59 =	vld [tilespmem:s23+$0xFFFFFE00];
	v4 =	vadd.f32 v5, v4;
	v5 =	vmul.f32 v9, v9;
	v16 =	vmul.f32 v51, v51  }
0x41e: {  	v61 =	vld [tilespmem:s23+$0xFFFFFF80];
	[tilespmem:s20+$0xE0] =	vst v1;
	v17 =	vmul.f32 v48, v48;
	v12 =	vmul.f32 v12, v12  }
0x41f: {  	v1 =	vld [tilespmem:s25+$0x1F0];
	v13 =	vadd.f32 v13, v7;
	v18 =	vmul.f32 v18, v18;
	v16 =	vadd.f32 v16, v5  }
0x420: {  	v2 =	vld [tilespmem:s25+$0x270];
	v44 =	vsel vm6, $0x1, v0;
	v12 =	vadd.f32 v12, v17  }
0x421: {  	v3 =	vld [tilespmem:s25+$0x2F0];
	[tilespmem:s20+$0x50] =	vst v44;
	v6 =	vmul.f32 v6, v6;
	vm14 =	vgt.f32 v13, $5.551652910e+00;
	v13 =	vadd.f32 v18, v16  }
0x422: {  	v11 =	vld [tilespmem:s25+$0x60]  }
0x423: {  	v14 =	vld [tilespmem:s25+$0xE0];
	v15 =	vsel vm11, $0x1, v0;
	v6 =	vadd.f32 v6, v12;
	vm15 =	vgt.f32 v13, $5.551652910e+00  }
0x424: {  	[tilespmem:s20+$0xFFFFFF60] =	vst v15;
	v15 =	vld [tilespmem:s25+$0x160];
	v12 =	vsel vm15, $0x1, v0  }
0x425: {  	v10 =	vld [tilespmem:s25+$0xFFFFFD70];
	vm4 =	vgt.f32 v6, $5.551652910e+00;
	[tilespmem:s21+$0xD0] =	vst v12  }
0x426: {  	v6 =	vsel vm4, $0x1, v0;
	v12 =	vld [tilespmem:s22+$0x1E0]  }
0x427: {  	v8 =	vsel vm12, $0x1, v0;
	[tilespmem:s21+$0x30] =	vst v6;
	v6 =	vld [tilespmem:s22+$0x260]  }
0x428: {  	[tilespmem:s20+$0xFFFFFFE0] =	vst v8;
	v8 =	vld [tilespmem:s25+$0xFFFFFDF0]  }
0x429: {  	v13 =	vld [tilespmem:s22+$0x2E0]  }
0x42a: {  	v9 =	vld [tilespmem:s25+$0xFFFFFEF0]  }
0x42b: {  	v7 =	vld [tilespmem:s25+$0xFFFFFF70]  }
0x42c: {  	vm13 =	vgt.f32 v4, $5.551652910e+00;
	v4 =	vld [tilespmem:s25+$0xFFFFFE70];
	v12 =	vmul.f32 v12, v12;
	v6 =	vmul.f32 v6, v6  }
0x42d: {  	v5 =	vld [tilespmem:s25+$0xFFFFFFF0];
	v52 =	vsel vm13, $0x1, v0  }
0x42e: {  	[tilespmem:s21+$0xFFFFFF30] =	vst v52;
	v6 =	vadd.f32 v6, v12;
	v12 =	vmul.f32 v13, v13;
	v13 =	vld [tilespmem:s23+$0x280]  }
0x42f: {  	v53 =	vsel vm14, $0x1, v0;
	v17 =	vld [tilespmem:s22+$0xFFFFFD40]  }
0x430: {  	[tilespmem:s21+$0xFFFFFFB0] =	vst v53;
	v54 =	vld [tilespmem:s22+$0xFFFFFDC0]  }
0x431: {  	v57 =	vmul.f32 v24, v24;
	v55 =	vld [tilespmem:s22+$0xFFFFFEC0];
	v6 =	vadd.f32 v12, v6;
	v12 =	vmul.f32 v23, v23  }
0x432: {  	v56 =	vld [tilespmem:s22+$0xFFFFFF40]  }
0x433: {  	v22 =	vld [tilespmem:s22+$0xFFFFFE40];
	vm5 =	vgt.f32 v6, $5.551652910e+00;
	v23 =	vadd.f32 v57, v12;
	v13 =	vmul.f32 v13, v13  }
0x434: {  	v20 =	vld [tilespmem:s22+$0x40];
	v6 =	vsel vm5, $0x1, v0  }
0x435: {  	v14 =	vmul.f32 v14, v14;
	v21 =	vld [tilespmem:s22+$0xC0];
	[tilespmem:s21+$0xE0] =	vst v6;
	v6 =	vmul.f32 v11, v11;
	v13 =	vadd.f32 v13, v23  }
0x436: {  	v34 =	vld [tilespmem:s22+$0xFFFFFFC0];
	v17 =	vmul.f32 v17, v17;
	v16 =	vmul.f32 v54, v54  }
0x437: {  	v15 =	vmul.f32 v15, v15;
	v38 =	vld [tilespmem:s22+$0x140];
	v14 =	vadd.f32 v14, v6;
	vm6 =	vgt.f32 v13, $5.551652910e+00  }
0x438: {  	s24 =	simm.s32 $0xC500;
	v60 =	vmul.f32 v22, v22;
	v12 =	vld [tilespmem:s22+$0x1F0];
	v13 =	vadd.f32 v16, v17;
	v62 =	vsel vm6, $0x1, v0  }
0x439: {  	v14 =	vadd.f32 v15, v14;
	v15 =	vld [tilespmem:s23+$0x100];
	[tilespmem:s24+$0x80] =	vst v62  }
0x43a: {  	v32 =	vmul.f32 v29, v29;
	v26 =	vmul.f32 v26, v26;
	v13 =	vadd.f32 v60, v13;
	v63 =	vld [tilespmem:s23+$0x190]  }
0x43b: {  	v28 =	vmul.f32 v28, v28;
	vm7 =	vgt.f32 v14, $5.551652910e+00;
	v14 =	vmul.f32 v25, v25;
	v33 =	vld [tilespmem:s23+$0x210]  }
0x43c: {  	v24 =	vmul.f32 v58, v58;
	v36 =	vmul.f32 v59, v59;
	v37 =	vld [tilespmem:s23+$0x290];
	vm8 =	vgt.f32 v13, $5.551652910e+00  }
0x43d: {  	v11 =	vld [tilespmem:s22+$0x270];
	v13 =	vmul.f32 v27, v27;
	v35 =	vsel vm8, $0x1, v0;
	v14 =	vadd.f32 v14, v32  }
0x43e: {  	v24 =	vadd.f32 v24, v28;
	v6 =	vld [tilespmem:s22+$0x2F0];
	v17 =	vmul.f32 v61, v61;
	[tilespmem:s21+$0xFFFFFF40] =	vst v35  }
0x43f: {  	v13 =	vadd.f32 v13, v26;
	v15 =	vmul.f32 v15, v15;
	v14 =	vadd.f32 v36, v14;
	v40 =	vld [tilespmem:s22+$0xFFFFFD50]  }
0x440: {  	v39 =	vsel vm7, $0x1, v0;
	v41 =	vld [tilespmem:s22+$0xFFFFFDD0];
	v16 =	vmul.f32 v63, v63;
	v25 =	vmul.f32 v33, v33  }
0x441: {  	[tilespmem:s20+$0x60] =	vst v39;
	v42 =	vld [tilespmem:s22+$0xFFFFFE50];
	v23 =	vmul.f32 v37, v37;
	vm9 =	vgt.f32 v14, $5.551652910e+00;
	v14 =	vadd.f32 v17, v13  }
0x442: {  	v15 =	vadd.f32 v15, v24;
	v13 =	vld [tilespmem:s25+$0x70];
	v43 =	vsel vm9, $0x1, v0;
	v16 =	vadd.f32 v25, v16  }
0x443: {  	v20 =	vmul.f32 v20, v20;
	vm10 =	vgt.f32 v14, $5.551652910e+00;
	[tilespmem:s24+$0xFFFFFF00] =	vst v43;
	v14 =	vld [tilespmem:s25+$0xF0]  }
0x444: {  	v21 =	vmul.f32 v21, v21;
	vm11 =	vgt.f32 v15, $5.551652910e+00;
	v45 =	vld [tilespmem:s23+$0xFFFFFD10];
	v16 =	vadd.f32 v23, v16  }
0x445: {  	v46 =	vsel vm11, $0x1, v0;
	v15 =	vld [tilespmem:s23+$0xFFFFFD90]  }
0x446: {  	v20 =	vadd.f32 v21, v20;
	v26 =	vmul.f32 v38, v38;
	[tilespmem:s24+$0x0] =	vst v46;
	v58 =	vld [tilespmem:s23+$0xFFFFFE10];
	vm12 =	vgt.f32 v16, $5.551652910e+00  }
0x447: {  	v1 =	vmul.f32 v1, v1;
	v2 =	vmul.f32 v2, v2;
	v51 =	vld [tilespmem:s23+$0x10];
	v50 =	vsel vm12, $0x1, v0  }
0x448: {  	v47 =	vmul.f32 v55, v55;
	v20 =	vadd.f32 v26, v20;
	v55 =	vld [tilespmem:s23+$0x90];
	[tilespmem:s24+$0x90] =	vst v50  }
0x449: {  	v3 =	vmul.f32 v3, v3;
	v1 =	vadd.f32 v2, v1;
	v48 =	vmul.f32 v56, v56;
	v53 =	vld [tilespmem:s23+$0x1A0]  }
0x44a: {  	vm14 =	vgt.f32 v20, $5.551652910e+00;
	v2 =	vmul.f32 v40, v40;
	v56 =	vmul.f32 v41, v41;
	v54 =	vld [tilespmem:s23+$0x220]  }
0x44b: {  	v52 =	vmul.f32 v34, v34;
	v63 =	vsel vm14, $0x1, v0;
	v61 =	vld [tilespmem:s23+$0x110];
	v16 =	vadd.f32 v48, v47  }
0x44c: {  	v44 =	vsel vm10, $0x1, v0;
	v17 =	vmul.f32 v42, v42;
	[tilespmem:s21+$0x40] =	vst v63;
	v2 =	vadd.f32 v56, v2;
	v57 =	vld [tilespmem:s23+$0x2A0]  }
0x44d: {  	v1 =	vadd.f32 v3, v1;
	v10 =	vmul.f32 v10, v10;
	[tilespmem:s24+$0xFFFFFF80] =	vst v44;
	v34 =	vld [tilespmem:s22+$0xD0];
	v16 =	vadd.f32 v52, v16  }
0x44e: {  	v24 =	vld [tilespmem:s23+$0xFFFFFE90];
	v2 =	vadd.f32 v17, v2;
	v25 =	vmul.f32 v45, v45;
	v15 =	vmul.f32 v15, v15  }
0x44f: {  	v49 =	vld [tilespmem:s23+$0xFFFFFF10];
	vm13 =	vgt.f32 v16, $5.551652910e+00;
	v62 =	vmul.f32 v53, v53;
	v21 =	vmul.f32 v54, v54  }
0x450: {  	v8 =	vmul.f32 v8, v8;
	v60 =	vld [tilespmem:s23+$0xFFFFFF90];
	vm15 =	vgt.f32 v2, $5.551652910e+00;
	v59 =	vsel vm13, $0x1, v0  }
0x451: {  	v2 =	vadd.f32 v15, v25;
	v15 =	vld [tilespmem:s22+$0x50];
	[tilespmem:s21+$0xFFFFFFC0] =	vst v59;
	v31 =	vmul.f32 v57, v57;
	v3 =	vadd.f32 v21, v62  }
0x452: {  	v7 =	vmul.f32 v7, v7;
	v16 =	vmul.f32 v58, v58;
	v30 =	vld [tilespmem:s22+$0xFFFFFED0]  }
0x453: {  	v23 =	vmul.f32 v51, v51;
	v35 =	vsel vm15, $0x1, v0;
	v32 =	vld [tilespmem:s22+$0xFFFFFF50];
	v3 =	vadd.f32 v31, v3  }
0x454: {  	v18 =	vmul.f32 v55, v55;
	v20 =	vmul.f32 v61, v61;
	[tilespmem:s21+$0xFFFFFF50] =	vst v35;
	v36 =	vld [tilespmem:s22+$0xFFFFFFD0];
	v2 =	vadd.f32 v16, v2  }
0x455: {  	v33 =	vmul.f32 v24, v24;
	v19 =	vmul.f32 v49, v49;
	v40 =	vld [tilespmem:s22+$0xFFFFFD60];
	vm4 =	vgt.f32 v3, $5.551652910e+00  }
0x456: {  	v37 =	vadd.f32 v18, v23;
	vm5 =	vgt.f32 v2, $5.551652910e+00;
	v2 =	vld [tilespmem:s22+$0xFFFFFDE0];
	v39 =	vsel vm4, $0x1, v0  }
0x457: {  	vm6 =	vgt.f32 v1, $5.551652910e+00;
	v1 =	vmul.f32 v9, v9;
	v38 =	vmul.f32 v60, v60;
	v3 =	vld [tilespmem:s22+$0x150];
	[tilespmem:s24+$0xA0] =	vst v39  }
0x458: {  	v19 =	vadd.f32 v19, v33;
	v9 =	vadd.f32 v20, v37;
	v41 =	vsel vm5, $0x1, v0;
	v22 =	vld [tilespmem:s23+$0x1B0]  }
0x459: {  	v8 =	vadd.f32 v8, v10;
	[tilespmem:s24+$0xFFFFFF10] =	vst v41;
	v10 =	vmul.f32 v30, v30;
	v44 =	vmul.f32 v32, v32;
	v42 =	vld [tilespmem:s23+$0x230]  }
0x45a: {  	v4 =	vmul.f32 v4, v4;
	v18 =	vadd.f32 v38, v19;
	vm8 =	vgt.f32 v9, $5.551652910e+00;
	v43 =	vld [tilespmem:s23+$0xFFFFFD20]  }
0x45b: {  	v46 =	vsel vm8, $0x1, v0;
	v48 =	vmul.f32 v36, v36;
	v10 =	vadd.f32 v44, v10;
	v9 =	vld [tilespmem:s23+$0x2B0]  }
0x45c: {  	v17 =	vmul.f32 v34, v34;
	v15 =	vmul.f32 v15, v15;
	vm7 =	vgt.f32 v18, $5.551652910e+00;
	v47 =	vld [tilespmem:s23+$0xFFFFFDA0];
	[tilespmem:s24+$0x10] =	vst v46  }
0x45d: {  	v45 =	vsel vm7, $0x1, v0;
	v51 =	vld [tilespmem:s23+$0x20];
	v10 =	vadd.f32 v48, v10;
	v3 =	vmul.f32 v3, v3  }
0x45e: {  	v15 =	vadd.f32 v17, v15;
	[tilespmem:s24+$0xFFFFFF90] =	vst v45;
	v52 =	vld [tilespmem:s23+$0xA0];
	v50 =	vmul.f32 v22, v22;
	v16 =	vmul.f32 v42, v42  }
0x45f: {  	v4 =	vadd.f32 v4, v8;
	v1 =	vadd.f32 v7, v1;
	v49 =	vld [tilespmem:s23+$0xFFFFFEA0];
	vm9 =	vgt.f32 v10, $5.551652910e+00  }
0x460: {  	v7 =	vld [tilespmem:s23+$0xFFFFFF20];
	v3 =	vadd.f32 v3, v15;
	v9 =	vmul.f32 v9, v9;
	v16 =	vadd.f32 v16, v50  }
0x461: {  	v5 =	vmul.f32 v5, v5;
	vm2 =	vgt.f32 v4, $5.551652910e+00;
	v10 =	vld [tilespmem:s23+$0xFFFFFE20];
	v8 =	vsel vm9, $0x1, v0  }
0x462: {  	v12 =	vmul.f32 v12, v12;
	[tilespmem:s21+$0xFFFFFFD0] =	vst v8;
	v15 =	vld [tilespmem:s23+$0xFFFFFFA0];
	vm10 =	vgt.f32 v3, $5.551652910e+00;
	v9 =	vadd.f32 v9, v16  }
0x463: {  	v11 =	vmul.f32 v11, v11;
	v6 =	vmul.f32 v6, v6;
	v56 =	vld [tilespmem:s22+$0xFFFFFF60];
	v8 =	vsel vm10, $0x1, v0  }
0x464: {  	v53 =	vmul.f32 v43, v43;
	v54 =	vmul.f32 v47, v47;
	v3 =	vld [tilespmem:s23+$0x120];
	[tilespmem:s21+$0x50] =	vst v8;
	vm11 =	vgt.f32 v9, $5.551652910e+00  }
0x465: {  	v4 =	vadd.f32 v11, v12;
	v7 =	vmul.f32 v7, v7;
	v57 =	vld [tilespmem:s22+$0x60];
	v55 =	vsel vm11, $0x1, v0  }
0x466: {  	v10 =	vmul.f32 v10, v10;
	v8 =	vmul.f32 v49, v49;
	v16 =	vadd.f32 v54, v53;
	v11 =	vld [tilespmem:s22+$0xE0];
	[tilespmem:s24+$0xB0] =	vst v55  }
0x467: {  	v1 =	vadd.f32 v5, v1;
	v5 =	vmul.f32 v51, v51;
	v58 =	vmul.f32 v52, v52;
	v59 =	vld [tilespmem:s23+$0x1C0]  }
0x468: {  	v7 =	vadd.f32 v7, v8;
	v8 =	vmul.f32 v15, v15;
	v10 =	vadd.f32 v10, v16;
	v15 =	vld [tilespmem:s23+$0x240]  }
0x469: {  	v4 =	vadd.f32 v6, v4;
	v14 =	vmul.f32 v14, v14;
	v5 =	vadd.f32 v58, v5;
	v9 =	vld [tilespmem:s22+$0xFFFFFEE0]  }
0x46a: {  	v3 =	vmul.f32 v3, v3;
	v7 =	vadd.f32 v8, v7;
	vm12 =	vgt.f32 v10, $5.551652910e+00;
	v8 =	vld [tilespmem:s23+$0x2C0]  }
0x46b: {  	vm15 =	vgt.f32 v1, $5.551652910e+00;
	v10 =	vmul.f32 v13, v13;
	v13 =	vld [tilespmem:s22+$0xFFFFFE60];
	v12 =	vsel vm12, $0x1, v0  }
0x46c: {  	v1 =	vmul.f32 v40, v40;
	v3 =	vadd.f32 v3, v5;
	v5 =	vld [tilespmem:s22+$0xFFFFFFE0];
	vm13 =	vgt.f32 v7, $5.551652910e+00;
	[tilespmem:s24+$0xFFFFFF20] =	vst v12  }
0x46d: {  	v7 =	vsel vm13, $0x1, v0;
	v12 =	vld [tilespmem:s23+$0xFFFFFD30];
	v60 =	vmul.f32 v59, v59;
	v15 =	vmul.f32 v15, v15  }
0x46e: {  	v2 =	vmul.f32 v2, v2;
	v6 =	vadd.f32 v14, v10;
	vm14 =	vgt.f32 v3, $5.551652910e+00;
	[tilespmem:s24+$0xFFFFFFA0] =	vst v7;
	v3 =	vld [tilespmem:s23+$0xFFFFFDB0]  }
0x46f: {  	v7 =	vsel vm14, $0x1, v0;
	v14 =	vld [tilespmem:s23+$0xFFFFFEB0];
	v8 =	vmul.f32 v8, v8;
	v10 =	vadd.f32 v15, v60  }
0x470: {  	v1 =	vadd.f32 v2, v1;
	v9 =	vmul.f32 v9, v9;
	[tilespmem:s24+$0x20] =	vst v7;
	v7 =	vld [tilespmem:s23+$0xFFFFFF30]  }
0x471: {  	v2 =	vmul.f32 v13, v13;
	v13 =	vld [tilespmem:s23+$0xB0];
	v15 =	vmul.f32 v56, v56;
	v8 =	vadd.f32 v8, v10  }
0x472: {  	vm5 =	vgt.f32 v4, $5.551652910e+00;
	v4 =	vmul.f32 v5, v5;
	v10 =	vld [tilespmem:s23+$0x30]  }
0x473: {  	v1 =	vadd.f32 v2, v1;
	v2 =	vld [tilespmem:s23+$0xFFFFFFB0];
	v9 =	vadd.f32 v15, v9;
	vm4 =	vgt.f32 v8, $5.551652910e+00  }
0x474: {  	v15 =	vld [tilespmem:s23+$0xFFFFFE30];
	v8 =	vmul.f32 v11, v11;
	v11 =	vsel vm4, $0x1, v0  }
0x475: {  	v61 =	vsel vm6, $0x1, v0;
	v5 =	vld [tilespmem:s23+$0x130];
	v3 =	vmul.f32 v3, v3;
	v4 =	vadd.f32 v4, v9;
	[tilespmem:s24+$0xC0] =	vst v11  }
0x476: {  	vm6 =	vgt.f32 v1, $5.551652910e+00;
	v7 =	vmul.f32 v7, v7;
	v11 =	vmul.f32 v12, v12;
	v12 =	vld [tilespmem:s23+$0x1D0]  }
0x477: {  	v9 =	vmul.f32 v14, v14;
	vm7 =	vgt.f32 v4, $5.551652910e+00;
	v1 =	vld [tilespmem:s23+$0x250];
	v4 =	vmul.f32 v10, v10  }
0x478: {  	v14 =	vld [tilespmem:s22+$0x160];
	v10 =	vmul.f32 v13, v13;
	v3 =	vadd.f32 v3, v11;
	v11 =	vsel vm6, $0x1, v0  }
0x479: {  	v2 =	vmul.f32 v2, v2;
	v7 =	vadd.f32 v7, v9;
	v9 =	vmul.f32 v15, v15;
	[tilespmem:s21+$0xFFFFFF60] =	vst v11;
	v11 =	vld [tilespmem:s23+$0x2D0]  }
0x47a: {  	v5 =	vmul.f32 v5, v5;
	v13 =	vsel vm7, $0x1, v0;
	v4 =	vadd.f32 v10, v4;
	v15 =	vld [tilespmem:s22+$0xFFFFFD70]  }
0x47b: {  	v62 =	vmul.f32 v57, v57;
	[tilespmem:s21+$0xFFFFFFE0] =	vst v13;
	v2 =	vadd.f32 v2, v7;
	v10 =	vld [tilespmem:s22+$0xFFFFFDF0];
	v3 =	vadd.f32 v9, v3  }
0x47c: {  	v4 =	vadd.f32 v5, v4;
	v5 =	vld [tilespmem:s22+$0xFFFFFF70];
	v9 =	vmul.f32 v12, v12;
	v1 =	vmul.f32 v1, v1  }
0x47d: {  	v8 =	vadd.f32 v8, v62;
	vm9 =	vgt.f32 v2, $5.551652910e+00;
	v2 =	vmul.f32 v14, v14;
	v12 =	vld [tilespmem:s22+$0xFFFFFEF0]  }
0x47e: {  	vm8 =	vgt.f32 v3, $5.551652910e+00;
	v1 =	vadd.f32 v1, v9;
	v3 =	vmul.f32 v11, v11;
	v9 =	vld [tilespmem:s22+$0xFFFFFE70]  }
0x47f: {  	v63 =	vsel vm2, $0x1, v0;
	v7 =	vsel vm15, $0x1, v0;
	v13 =	vld [tilespmem:s22+$0xFFFFFFF0];
	v11 =	vsel vm8, $0x1, v0  }
0x480: {  	v2 =	vadd.f32 v2, v8;
	vm10 =	vgt.f32 v4, $5.551652910e+00;
	[tilespmem:s24+$0xFFFFFF30] =	vst v11;
	v1 =	vadd.f32 v3, v1;
	v3 =	vld [tilespmem:s25+$0x170]  }
0x481: {  	v4 =	vsel vm9, $0x1, v0;
	v11 =	vmul.f32 v15, v15;
	v10 =	vmul.f32 v10, v10;
	v8 =	vld [tilespmem:s23+$0xFFFFFD40]  }
0x482: {  	[tilespmem:s24+$0xFFFFFFB0] =	vst v4;
	v4 =	vmul.f32 v12, v12;
	v12 =	vld [tilespmem:s23+$0xFFFFFDC0];
	vm11 =	vgt.f32 v1, $5.551652910e+00;
	v1 =	vmul.f32 v5, v5  }
0x483: {  	v5 =	vadd.f32 v10, v11;
	v10 =	vld [tilespmem:s23+$0xFFFFFEC0];
	v11 =	vsel vm11, $0x1, v0;
	v9 =	vmul.f32 v9, v9  }
0x484: {  	v13 =	vmul.f32 v13, v13;
	vm12 =	vgt.f32 v2, $5.551652910e+00;
	v14 =	vld [tilespmem:s23+$0xFFFFFF40];
	[tilespmem:s24+$0xD0] =	vst v11;
	v1 =	vadd.f32 v1, v4  }
0x485: {  	[tilespmem:s20+$0xFFFFFF70] =	vst v63;
	v11 =	vsel vm10, $0x1, v0;
	v2 =	vadd.f32 v9, v5;
	v4 =	vld [tilespmem:s23+$0x1E0];
	v3 =	vmul.f32 v3, v3  }
0x486: {  	[tilespmem:s24+$0x30] =	vst v11;
	v9 =	vsel vm5, $0x1, v0;
	v11 =	vsel vm12, $0x1, v0;
	v5 =	vld [tilespmem:s23+$0x260];
	v1 =	vadd.f32 v13, v1  }
0x487: {  	[tilespmem:s20+$0xF0] =	vst v61;
	v13 =	vmul.f32 v8, v8;
	v12 =	vmul.f32 v12, v12;
	v8 =	vld [tilespmem:s23+$0x40];
	v3 =	vadd.f32 v3, v6  }
0x488: {  	[tilespmem:s20+$0xFFFFFFF0] =	vst v7;
	v10 =	vmul.f32 v10, v10;
	v6 =	vld [tilespmem:s23+$0x2E0];
	vm13 =	vgt.f32 v2, $5.551652910e+00;
	vm14 =	vgt.f32 v1, $5.551652910e+00  }
0x489: {  	[tilespmem:s21+$0xF0] =	vst v9;
	v9 =	vld [tilespmem:s23+$0xC0];
	v7 =	vadd.f32 v12, v13;
	v12 =	vmul.f32 v14, v14;
	vm15 =	vgt.f32 v3, $5.551652910e+00  }
0x48a: {  	s26 =	simm.s32 $0x1500;
	s25 =	simm.s32 $0x8;
	[tilespmem:s21+$0x60] =	vst v11;
	v11 =	vld [tilespmem:s23+$0xFFFFFE40];
	v3 =	vsel vm13, $0x1, v0;
	v2 =	vsel vm14, $0x1, v0;
	v1 =	vsel vm15, $0x1, v0  }
.LBB2_6:
0x48b: {  	v13 =	vld [tilespmem:s26+$0x180];
	v10 =	vadd.f32 v12, v10;
	v4 =	vmul.f32 v4, v4;
	v5 =	vmul.f32 v5, v5;
	[tilespmem:s21+$0xFFFFFF70] =	vst v3  }
0x48c: {  	v3 =	vld [tilespmem:s26+$0x200];
	v8 =	vmul.f32 v8, v8;
	[tilespmem:s21+$0xFFFFFFF0] =	vst v2  }
0x48d: {  	v2 =	vld [tilespmem:s26+$0xFFFFFD80];
	v4 =	vadd.f32 v5, v4;
	v5 =	vmul.f32 v6, v6;
	[tilespmem:s20+$0x70] =	vst v1;
	s20 =	smov.u32 s21;
	s21 =	smov.u32 s24  }
0x48e: {  	v1 =	vld [tilespmem:s26+$0x280];
	v6 =	vmul.f32 v9, v9  }
0x48f: {  	v9 =	vld [tilespmem:s26+$0xFFFFFE80];
	v11 =	vmul.f32 v11, v11;
	v4 =	vadd.f32 v5, v4  }
0x490: {  	v5 =	vld [tilespmem:s26+$0xFFFFFF00];
	v6 =	vadd.f32 v6, v8  }
0x491: {  	v12 =	vmul.f32 v13, v13;
	v8 =	vld [tilespmem:s26+$0x0];
	v3 =	vmul.f32 v3, v3;
	vm0 =	vgt.f32 v4, $5.551652910e+00  }
0x492: {  	v7 =	vadd.f32 v11, v7;
	v2 =	vmul.f32 v2, v2;
	v4 =	vld [tilespmem:s26+$0x80];
	v11 =	vsel vm0, $0x1, v0  }
0x493: {  	s25 =	sadd.s32 $0x4, s25;
	v13 =	vld [tilespmem:s26+$0xFFFFFD00];
	v3 =	vadd.f32 v3, v12;
	v1 =	vmul.f32 v1, v1;
	[tilespmem:s24+$0xE0] =	vst v11  }
0x494: {  	p0 =	slt.u32 s25, $0x3C;
	vm0 =	vgt.f32 v7, $5.551652910e+00;
	v9 =	vmul.f32 v9, v9;
	v7 =	vld [tilespmem:s23+$0x1F0]  }
0x495: {  	v5 =	vmul.f32 v5, v5;
	v1 =	vadd.f32 v1, v3;
	v3 =	vsel vm0, $0x1, v0;
	v11 =	vld [tilespmem:s23+$0x270]  }
0x496: {  	v12 =	vld [tilespmem:s26+$0xFFFFFE00];
	v8 =	vmul.f32 v8, v8;
	[tilespmem:s24+$0xFFFFFF40] =	vst v3  }
0x497: {  	v3 =	vadd.f32 v5, v9;
	v4 =	vmul.f32 v4, v4;
	vm0 =	vgt.f32 v1, $5.551652910e+00;
	v1 =	vld [tilespmem:s23+$0x2F0]  }
0x498: {  	s24 =	sadd.s32 $0x200, s24;
	v5 =	vmul.f32 v13, v13;
	v9 =	vld [tilespmem:s26+$0xFFFFFF80];
	v13 =	vsel vm0, $0x1, v0  }
0x499: {  	v14 =	vld [tilespmem:s26+$0x100];
	v4 =	vadd.f32 v4, v8;
	[tilespmem:s24+$0x80] =	vst v13  }
0x49a: {  	v7 =	vmul.f32 v7, v7;
	v2 =	vadd.f32 v2, v5;
	v5 =	vld [tilespmem:s26+$0x190];
	v8 =	vmul.f32 v11, v11  }
0x49b: {  	v11 =	vmul.f32 v12, v12;
	v12 =	vld [tilespmem:s26+$0x210]  }
0x49c: {  	v13 =	vld [tilespmem:s23+$0xFFFFFFC0];
	v7 =	vadd.f32 v8, v7;
	v1 =	vmul.f32 v1, v1  }
0x49d: {  	v2 =	vadd.f32 v11, v2;
	v8 =	vmul.f32 v9, v9;
	v9 =	vld [tilespmem:s26+$0x290]  }
0x49e: {  	v11 =	vmul.f32 v14, v14;
	v14 =	vld [tilespmem:s23+$0x140];
	v1 =	vadd.f32 v1, v7  }
0x49f: {  	vm0 =	vgt.f32 v2, $5.551652910e+00;
	v2 =	vadd.f32 v8, v3;
	v3 =	vld [tilespmem:s23+$0xFFFFFD50]  }
0x4a0: {  	v5 =	vmul.f32 v5, v5;
	v7 =	vmul.f32 v12, v12;
	v8 =	vld [tilespmem:s23+$0xFFFFFDD0];
	vm1 =	vgt.f32 v1, $5.551652910e+00  }
0x4a1: {  	v1 =	vadd.f32 v11, v4;
	vm2 =	vgt.f32 v2, $5.551652910e+00;
	v2 =	vld [tilespmem:s23+$0xFFFFFE50];
	v4 =	vsel vm1, $0x1, v0  }
0x4a2: {  	v11 =	vsel vm0, $0x1, v0;
	v5 =	vadd.f32 v7, v5;
	v7 =	vmul.f32 v9, v9;
	[tilespmem:s21+$0xF0] =	vst v4;
	v4 =	vld [tilespmem:s22+$0x70]  }
0x4a3: {  	v9 =	vsel vm2, $0x1, v0;
	vm0 =	vgt.f32 v1, $5.551652910e+00;
	v1 =	vmul.f32 v13, v13;
	[tilespmem:s24+$0xFFFFFF00] =	vst v11;
	v11 =	vld [tilespmem:s22+$0xF0]  }
0x4a4: {  	v12 =	vld [tilespmem:s26+$0xFFFFFD10];
	[tilespmem:s24+$0xFFFFFF80] =	vst v9;
	v9 =	vsel vm0, $0x1, v0;
	v5 =	vadd.f32 v7, v5;
	v7 =	vmul.f32 v14, v14  }
0x4a5: {  	v3 =	vmul.f32 v3, v3;
	v1 =	vadd.f32 v1, v10;
	v13 =	vld [tilespmem:s26+$0xFFFFFD90];
	[tilespmem:s24+$0x0] =	vst v9;
	v8 =	vmul.f32 v8, v8  }
0x4a6: {  	v9 =	vld [tilespmem:s26+$0xFFFFFE90];
	vm0 =	vgt.f32 v5, $5.551652910e+00;
	v2 =	vmul.f32 v2, v2;
	v5 =	vadd.f32 v7, v6  }
0x4a7: {  	v6 =	vld [tilespmem:s26+$0xFFFFFF10];
	v7 =	vsel vm0, $0x1, v0;
	v3 =	vadd.f32 v8, v3;
	vm0 =	vgt.f32 v1, $5.551652910e+00  }
0x4a8: {  	v4 =	vmul.f32 v4, v4;
	v1 =	vld [tilespmem:s26+$0x10];
	[tilespmem:s24+$0x90] =	vst v7;
	v7 =	vsel vm0, $0x1, v0;
	vm0 =	vgt.f32 v5, $5.551652910e+00  }
0x4a9: {  	v5 =	vmul.f32 v12, v12;
	v8 =	vld [tilespmem:s26+$0x1A0];
	v2 =	vadd.f32 v2, v3;
	[tilespmem:s21+$0xFFFFFFC0] =	vst v7;
	v3 =	vsel vm0, $0x1, v0  }
0x4aa: {  	v7 =	vmul.f32 v13, v13;
	v10 =	vld [tilespmem:s26+$0x220];
	[tilespmem:s21+$0x40] =	vst v3;
	v3 =	vmul.f32 v11, v11  }
0x4ab: {  	v9 =	vmul.f32 v9, v9;
	v11 =	vld [tilespmem:s26+$0x90];
	vm0 =	vgt.f32 v2, $5.551652910e+00  }
0x4ac: {  	v2 =	vadd.f32 v7, v5;
	v5 =	vmul.f32 v6, v6;
	v6 =	vld [tilespmem:s26+$0x2A0];
	v7 =	vsel vm0, $0x1, v0  }
0x4ad: {  	v12 =	vld [tilespmem:s26+$0xFFFFFE10];
	v13 =	vmul.f32 v1, v1;
	[tilespmem:s21+$0xFFFFFF50] =	vst v7;
	v1 =	vadd.f32 v3, v4  }
0x4ae: {  	v3 =	vld [tilespmem:s26+$0xFFFFFF90];
	v4 =	vadd.f32 v5, v9  }
0x4af: {  	v7 =	vmul.f32 v8, v8;
	v5 =	vld [tilespmem:s26+$0x110];
	v8 =	vmul.f32 v10, v10  }
0x4b0: {  	v9 =	vmul.f32 v11, v11;
	v10 =	vld [tilespmem:s23+$0xFFFFFED0]  }
0x4b1: {  	v7 =	vadd.f32 v8, v7;
	v6 =	vmul.f32 v6, v6;
	v8 =	vld [tilespmem:s23+$0xFFFFFF50]  }
0x4b2: {  	v11 =	vmul.f32 v12, v12;
	v9 =	vadd.f32 v9, v13;
	v12 =	vld [tilespmem:s23+$0x50]  }
0x4b3: {  	v3 =	vmul.f32 v3, v3;
	v6 =	vadd.f32 v6, v7;
	v7 =	vld [tilespmem:s23+$0xD0]  }
0x4b4: {  	v2 =	vadd.f32 v11, v2;
	v5 =	vmul.f32 v5, v5;
	v11 =	vld [tilespmem:s23+$0xFFFFFFD0]  }
0x4b5: {  	v3 =	vadd.f32 v3, v4;
	vm0 =	vgt.f32 v6, $5.551652910e+00;
	v4 =	vmul.f32 v10, v10;
	v6 =	vld [tilespmem:s23+$0x150]  }
0x4b6: {  	vm1 =	vgt.f32 v2, $5.551652910e+00;
	v2 =	vadd.f32 v5, v9;
	v5 =	vsel vm0, $0x1, v0;
	v9 =	vld [tilespmem:s23+$0xFFFFFD60]  }
0x4b7: {  	v10 =	vsel vm1, $0x1, v0;
	vm0 =	vgt.f32 v3, $5.551652910e+00;
	[tilespmem:s24+$0xA0] =	vst v5;
	v3 =	vld [tilespmem:s23+$0xFFFFFDE0];
	v5 =	vmul.f32 v8, v8  }
0x4b8: {  	[tilespmem:s24+$0xFFFFFF10] =	vst v10;
	v8 =	vsel vm0, $0x1, v0;
	vm0 =	vgt.f32 v2, $5.551652910e+00;
	v2 =	vld [tilespmem:s26+$0x1B0];
	v10 =	vmul.f32 v12, v12  }
0x4b9: {  	[tilespmem:s24+$0xFFFFFF90] =	vst v8;
	v8 =	vsel vm0, $0x1, v0;
	v12 =	vld [tilespmem:s26+$0x230];
	v4 =	vadd.f32 v5, v4;
	v5 =	vmul.f32 v7, v7  }
0x4ba: {  	v7 =	vld [tilespmem:s26+$0xFFFFFD20];
	[tilespmem:s24+$0x10] =	vst v8;
	v8 =	vmul.f32 v11, v11;
	v6 =	vmul.f32 v6, v6  }
0x4bb: {  	v11 =	vld [tilespmem:s26+$0x2B0];
	v9 =	vmul.f32 v9, v9;
	v5 =	vadd.f32 v5, v10  }
0x4bc: {  	v10 =	vld [tilespmem:s26+$0xFFFFFDA0];
	v3 =	vmul.f32 v3, v3;
	v4 =	vadd.f32 v8, v4  }
0x4bd: {  	v8 =	vld [tilespmem:s26+$0xFFFFFEA0];
	v5 =	vadd.f32 v6, v5  }
0x4be: {  	v2 =	vmul.f32 v2, v2;
	v6 =	vld [tilespmem:s26+$0xFFFFFF20];
	v12 =	vmul.f32 v12, v12;
	vm0 =	vgt.f32 v4, $5.551652910e+00  }
0x4bf: {  	v4 =	vmul.f32 v7, v7;
	v7 =	vld [tilespmem:s26+$0x20];
	v13 =	vsel vm0, $0x1, v0;
	vm0 =	vgt.f32 v5, $5.551652910e+00  }
0x4c0: {  	v5 =	vld [tilespmem:s26+$0xA0];
	v2 =	vadd.f32 v12, v2;
	v11 =	vmul.f32 v11, v11;
	[tilespmem:s21+$0xFFFFFFD0] =	vst v13;
	v12 =	vsel vm0, $0x1, v0  }
0x4c1: {  	v3 =	vadd.f32 v3, v9;
	v13 =	vld [tilespmem:s26+$0xFFFFFE20];
	v10 =	vmul.f32 v10, v10;
	[tilespmem:s21+$0x50] =	vst v12  }
0x4c2: {  	v9 =	vld [tilespmem:s26+$0xFFFFFFA0];
	v8 =	vmul.f32 v8, v8;
	v2 =	vadd.f32 v11, v2  }
0x4c3: {  	v4 =	vadd.f32 v10, v4;
	v6 =	vmul.f32 v6, v6;
	v10 =	vld [tilespmem:s26+$0x120]  }
0x4c4: {  	v7 =	vmul.f32 v7, v7;
	vm0 =	vgt.f32 v2, $5.551652910e+00;
	v2 =	vld [tilespmem:s23+$0xFFFFFEE0]  }
0x4c5: {  	v6 =	vadd.f32 v6, v8;
	v5 =	vmul.f32 v5, v5;
	v8 =	vsel vm0, $0x1, v0;
	v11 =	vld [tilespmem:s23+$0xFFFFFF60]  }
0x4c6: {  	v12 =	vmul.f32 v13, v13;
	[tilespmem:s24+$0xB0] =	vst v8;
	v8 =	vld [tilespmem:s23+$0x60]  }
0x4c7: {  	v9 =	vmul.f32 v9, v9;
	v5 =	vadd.f32 v5, v7;
	v7 =	vld [tilespmem:s26+$0x1C0]  }
0x4c8: {  	v4 =	vadd.f32 v12, v4;
	v10 =	vmul.f32 v10, v10;
	v12 =	vld [tilespmem:s26+$0x240]  }
0x4c9: {  	v6 =	vadd.f32 v9, v6;
	v2 =	vmul.f32 v2, v2;
	v9 =	vld [tilespmem:s23+$0xE0]  }
0x4ca: {  	vm0 =	vgt.f32 v4, $5.551652910e+00;
	v4 =	vadd.f32 v10, v5;
	v5 =	vld [tilespmem:s26+$0x2C0];
	v10 =	vmul.f32 v11, v11  }
0x4cb: {  	v11 =	vsel vm0, $0x1, v0;
	vm0 =	vgt.f32 v6, $5.551652910e+00;
	v6 =	vld [tilespmem:s23+$0xFFFFFE60];
	v8 =	vmul.f32 v8, v8  }
0x4cc: {  	[tilespmem:s24+$0xFFFFFF20] =	vst v11;
	v11 =	vsel vm0, $0x1, v0;
	vm0 =	vgt.f32 v4, $5.551652910e+00;
	v4 =	vld [tilespmem:s23+$0xFFFFFFE0];
	v2 =	vadd.f32 v10, v2  }
0x4cd: {  	v7 =	vmul.f32 v7, v7;
	v10 =	vld [tilespmem:s26+$0xFFFFFD30];
	[tilespmem:s24+$0xFFFFFFA0] =	vst v11;
	v11 =	vsel vm0, $0x1, v0;
	v12 =	vmul.f32 v12, v12  }
0x4ce: {  	v13 =	vld [tilespmem:s26+$0xFFFFFDB0];
	[tilespmem:s24+$0x20] =	vst v11;
	v9 =	vmul.f32 v9, v9  }
0x4cf: {  	v11 =	vld [tilespmem:s26+$0xFFFFFEB0];
	v7 =	vadd.f32 v12, v7;
	v5 =	vmul.f32 v5, v5  }
0x4d0: {  	v12 =	vld [tilespmem:s26+$0xFFFFFF30];
	v6 =	vmul.f32 v6, v6;
	v8 =	vadd.f32 v9, v8  }
0x4d1: {  	v9 =	vld [tilespmem:s26+$0x30];
	v5 =	vadd.f32 v5, v7;
	v4 =	vmul.f32 v4, v4  }
0x4d2: {  	v7 =	vmul.f32 v10, v10;
	v10 =	vld [tilespmem:s26+$0xB0];
	v3 =	vadd.f32 v6, v3  }
0x4d3: {  	v6 =	vld [tilespmem:s26+$0xFFFFFE30];
	v13 =	vmul.f32 v13, v13;
	vm0 =	vgt.f32 v5, $5.551652910e+00;
	v2 =	vadd.f32 v4, v2  }
0x4d4: {  	v4 =	vld [tilespmem:s26+$0xFFFFFFB0];
	v5 =	vmul.f32 v11, v11;
	v11 =	vsel vm0, $0x1, v0;
	vm0 =	vgt.f32 v3, $5.551652910e+00  }
0x4d5: {  	v3 =	vadd.f32 v13, v7;
	v7 =	vmul.f32 v12, v12;
	v12 =	vld [tilespmem:s26+$0x130];
	[tilespmem:s24+$0xC0] =	vst v11;
	vm1 =	vgt.f32 v2, $5.551652910e+00  }
0x4d6: {  	v11 =	vsel vm0, $0x1, v0;
	v2 =	vmul.f32 v9, v9;
	v9 =	vld [tilespmem:s26+$0x1D0];
	v13 =	vsel vm1, $0x1, v0  }
0x4d7: {  	v5 =	vadd.f32 v7, v5;
	v7 =	vmul.f32 v10, v10;
	v10 =	vld [tilespmem:s26+$0x250];
	[tilespmem:s21+$0xFFFFFF60] =	vst v11  }
0x4d8: {  	v6 =	vmul.f32 v6, v6;
	[tilespmem:s21+$0xFFFFFFE0] =	vst v13;
	v11 =	vld [tilespmem:s23+$0x160]  }
0x4d9: {  	v4 =	vmul.f32 v4, v4;
	v2 =	vadd.f32 v7, v2;
	v7 =	vld [tilespmem:s26+$0x2D0]  }
0x4da: {  	v3 =	vadd.f32 v6, v3;
	v6 =	vmul.f32 v12, v12;
	v12 =	vld [tilespmem:s23+$0xFFFFFD70]  }
0x4db: {  	v4 =	vadd.f32 v4, v5;
	v5 =	vld [tilespmem:s23+$0xFFFFFDF0]  }
0x4dc: {  	v2 =	vadd.f32 v6, v2;
	v6 =	vmul.f32 v9, v9;
	v9 =	vmul.f32 v10, v10;
	v10 =	vld [tilespmem:s23+$0xFFFFFEF0]  }
0x4dd: {  	vm0 =	vgt.f32 v3, $5.551652910e+00;
	vm1 =	vgt.f32 v4, $5.551652910e+00;
	v3 =	vld [tilespmem:s23+$0xFFFFFF70];
	v4 =	vmul.f32 v11, v11  }
0x4de: {  	vm2 =	vgt.f32 v2, $5.551652910e+00;
	v2 =	vadd.f32 v9, v6;
	v6 =	vmul.f32 v7, v7;
	v7 =	vld [tilespmem:s23+$0xFFFFFE70]  }
0x4df: {  	v9 =	vsel vm0, $0x1, v0;
	v11 =	vsel vm1, $0x1, v0;
	v13 =	vsel vm2, $0x1, v0;
	v14 =	vld [tilespmem:s23+$0xFFFFFFF0]  }
0x4e0: {  	v4 =	vadd.f32 v4, v8;
	[tilespmem:s24+$0xFFFFFF30] =	vst v9;
	v2 =	vadd.f32 v6, v2;
	v6 =	vmul.f32 v12, v12;
	v8 =	vld [tilespmem:s22+$0x170];
	s22 =	smov.u32 s23;
	s23 =	smov.u32 s26  }
0x4e1: {  	v5 =	vmul.f32 v5, v5;
	v9 =	vld [tilespmem:s26+$0xFFFFFD40];
	[tilespmem:s24+$0xFFFFFFB0] =	vst v11;
	v10 =	vmul.f32 v10, v10  }
0x4e2: {  	vm1 =	vgt.f32 v4, $5.551652910e+00;
	v11 =	vld [tilespmem:s26+$0xFFFFFDC0];
	[tilespmem:s24+$0x30] =	vst v13;
	vm0 =	vgt.f32 v2, $5.551652910e+00;
	v2 =	vmul.f32 v3, v3  }
0x4e3: {  	v6 =	vadd.f32 v5, v6;
	v5 =	vsel vm1, $0x1, v0;
	v3 =	vld [tilespmem:s26+$0xFFFFFEC0];
	v4 =	vsel vm0, $0x1, v0  }
0x4e4: {  	v7 =	vmul.f32 v7, v7;
	v12 =	vld [tilespmem:s26+$0xFFFFFF40];
	[tilespmem:s24+$0xD0] =	vst v4;
	v2 =	vadd.f32 v2, v10;
	v10 =	vmul.f32 v14, v14  }
0x4e5: {  	v4 =	vld [tilespmem:s26+$0x1E0];
	[tilespmem:s21+$0x60] =	vst v5;
	v13 =	vmul.f32 v8, v8  }
.Ltmp2:
0x4e6: {  	v7 =	vadd.f32 v7, v6;
	v9 =	vmul.f32 v9, v9;
	v5 =	vld [tilespmem:s26+$0x260];
	v2 =	vadd.f32 v10, v2;
	(pc) =	sbr.rel @p0 .LBB2_6-.Ltmp2, $4  }
0x4e7: {  	v11 =	vmul.f32 v11, v11;
	v8 =	vld [tilespmem:s26+$0x40];
	v1 =	vadd.f32 v13, v1  }
0x4e8: {  	vm0 =	vgt.f32 v7, $5.551652910e+00;
	v10 =	vmul.f32 v3, v3;
	v6 =	vld [tilespmem:s26+$0x2E0];
	vm1 =	vgt.f32 v2, $5.551652910e+00  }
0x4e9: {  	v7 =	vadd.f32 v11, v9;
	v12 =	vmul.f32 v12, v12;
	v9 =	vld [tilespmem:s26+$0xC0];
	vm2 =	vgt.f32 v1, $5.551652910e+00  }
0x4ea: {  	v3 =	vsel vm0, $0x1, v0;
	s26 =	sadd.s32 $0x600, s26;
	v2 =	vsel vm1, $0x1, v0;
	v11 =	vld [tilespmem:s23+$0xFFFFFE40];
	v1 =	vsel vm2, $0x1, v0  }
0x4eb: {  	_ =	sdelay $0x1  }
0x4ec: {  	v13 =	vld [tilespmem:s23+$0xFFFFFFC0];
	_ =	sdelay $0x1  }
0x4ed: {  	v11 =	vmul.f32 v11, v11  }
0x4ee: {  	v61 =	vld [tilespmem:s23+$0x140]  }
0x4ef: {  	v7 =	vadd.f32 v11, v7  }
0x4f0: {  	v10 =	vadd.f32 v12, v10;
	v62 =	vmul.f32 v13, v13  }
0x4f1: {  	v8 =	vmul.f32 v8, v8;
	v9 =	vmul.f32 v9, v9;
	vm0 =	vgt.f32 v7, $5.551652910e+00  }
0x4f2: {  	v10 =	vadd.f32 v62, v10;
	v7 =	vsel vm0, $0x1, v0  }
0x4f3: {  	v8 =	vadd.f32 v9, v8;
	v16 =	vmul.f32 v61, v61;
	[tilespmem:s24+$0xFFFFFF40] =	vst v7  }
0x4f4: {  	vm15 =	vgt.f32 v10, $5.551652910e+00;
	v7 =	vld [tilespmem:s23+$0xFFFFFD50]  }
0x4f5: {  	v8 =	vadd.f32 v16, v8;
	v17 =	vsel vm15, $0x1, v0;
	v63 =	vld [tilespmem:s23+$0xFFFFFDD0]  }
0x4f6: {  	v18 =	vld [tilespmem:s23+$0xFFFFFE50];
	[tilespmem:s24+$0xFFFFFFC0] =	vst v17  }
0x4f7: {  	vm4 =	vgt.f32 v8, $5.551652910e+00;
	v19 =	vld [tilespmem:s23+$0xFFFFFED0]  }
0x4f8: {  	v8 =	vsel vm4, $0x1, v0;
	v11 =	vld [tilespmem:s23+$0xFFFFFF50]  }
0x4f9: {  	[tilespmem:s24+$0x40] =	vst v8;
	v20 =	vld [tilespmem:s23+$0xFFFFFFD0]  }
0x4fa: {  	v22 =	vld [tilespmem:s23+$0x50];
	v7 =	vmul.f32 v7, v7;
	v9 =	vmul.f32 v63, v63  }
0x4fb: {  	v23 =	vld [tilespmem:s23+$0xD0]  }
0x4fc: {  	v21 =	vmul.f32 v18, v18;
	v7 =	vadd.f32 v9, v7  }
0x4fd: {  	v24 =	vld [tilespmem:s23+$0x150];
	v10 =	vmul.f32 v19, v19;
	v11 =	vmul.f32 v11, v11  }
0x4fe: {  	v7 =	vadd.f32 v21, v7  }
0x4ff: {  	v25 =	vmul.f32 v20, v20;
	v10 =	vadd.f32 v11, v10  }
0x500: {  	v28 =	vmul.f32 v22, v22;
	v9 =	vmul.f32 v23, v23;
	vm5 =	vgt.f32 v7, $5.551652910e+00  }
0x501: {  	v26 =	vadd.f32 v25, v10;
	v27 =	vsel vm5, $0x1, v0  }
0x502: {  	v8 =	vmul.f32 v24, v24;
	v9 =	vadd.f32 v9, v28;
	[tilespmem:s24+$0xFFFFFF50] =	vst v27  }
0x503: {  	vm6 =	vgt.f32 v26, $5.551652910e+00;
	v29 =	vld [tilespmem:s23+$0xFFFFFD60]  }
0x504: {  	v8 =	vadd.f32 v8, v9;
	v30 =	vsel vm6, $0x1, v0;
	v31 =	vld [tilespmem:s23+$0xFFFFFDE0]  }
0x505: {  	v4 =	vmul.f32 v4, v4;
	v5 =	vmul.f32 v5, v5;
	[tilespmem:s24+$0xFFFFFFD0] =	vst v30;
	v35 =	vld [tilespmem:s23+$0xFFFFFE60]  }
0x506: {  	vm7 =	vgt.f32 v8, $5.551652910e+00;
	v32 =	vld [tilespmem:s23+$0xFFFFFEE0]  }
0x507: {  	v4 =	vadd.f32 v5, v4;
	v33 =	vmul.f32 v6, v6;
	v36 =	vsel vm7, $0x1, v0;
	v34 =	vld [tilespmem:s23+$0xFFFFFF60]  }
0x508: {  	[tilespmem:s24+$0x50] =	vst v36;
	v37 =	vld [tilespmem:s23+$0xFFFFFFE0]  }
0x509: {  	v4 =	vadd.f32 v33, v4;
	v40 =	vld [tilespmem:s23+$0x60];
	v38 =	vmul.f32 v29, v29;
	v39 =	vmul.f32 v31, v31  }
0x50a: {  	v42 =	vld [tilespmem:s23+$0xE0]  }
0x50b: {  	v48 =	vld [tilespmem:s22+$0x70];
	vm8 =	vgt.f32 v4, $5.551652910e+00;
	v43 =	vmul.f32 v35, v35;
	v4 =	vadd.f32 v39, v38  }
0x50c: {  	v44 =	vld [tilespmem:s23+$0x160];
	v9 =	vmul.f32 v32, v32;
	v6 =	vmul.f32 v34, v34  }
0x50d: {  	v50 =	vld [tilespmem:s22+$0xF0];
	v41 =	vsel vm8, $0x1, v0;
	v4 =	vadd.f32 v43, v4  }
0x50e: {  	v16 =	vld [tilespmem:s22+$0x170];
	[tilespmem:s24+$0xE0] =	vst v41;
	v5 =	vmul.f32 v37, v37;
	v6 =	vadd.f32 v6, v9  }
0x50f: {  	v45 =	vld [tilespmem:s23+$0x270];
	v46 =	vmul.f32 v40, v40;
	v12 =	vmul.f32 v42, v42;
	vm9 =	vgt.f32 v4, $5.551652910e+00  }
0x510: {  	v47 =	vld [tilespmem:s23+$0x2F0];
	v5 =	vadd.f32 v5, v6;
	v49 =	vsel vm9, $0x1, v0  }
0x511: {  	v11 =	vld [tilespmem:s23+$0x1F0];
	v51 =	vmul.f32 v44, v44;
	v9 =	vadd.f32 v12, v46;
	[tilespmem:s24+$0xFFFFFF60] =	vst v49  }
0x512: {  	vm10 =	vgt.f32 v5, $5.551652910e+00;
	v53 =	vld [tilespmem:s23+$0xFFFFFD70]  }
0x513: {  	v5 =	vadd.f32 v51, v9;
	v52 =	vsel vm10, $0x1, v0;
	v54 =	vld [tilespmem:s23+$0xFFFFFDF0]  }
0x514: {  	[tilespmem:s24+$0xFFFFFFE0] =	vst v52;
	v57 =	vld [tilespmem:s23+$0xFFFFFE70]  }
0x515: {  	vm11 =	vgt.f32 v5, $5.551652910e+00;
	v55 =	vld [tilespmem:s23+$0xFFFFFEF0]  }
0x516: {  	v56 =	vld [tilespmem:s23+$0xFFFFFF70];
	v14 =	vsel vm11, $0x1, v0  }
0x517: {  	v15 =	vld [tilespmem:s23+$0xFFFFFFF0];
	[tilespmem:s24+$0x60] =	vst v14  }
0x518: {  	v7 =	vmul.f32 v45, v45;
	v11 =	vmul.f32 v11, v11;
	v14 =	vld [tilespmem:s23+$0x70]  }
0x519: {  	[tilespmem:s21+$0xFFFFFF70] =	vst v3;
	v13 =	vmul.f32 v50, v50;
	v3 =	vmul.f32 v16, v16;
	v58 =	vld [tilespmem:s23+$0xF0]  }
0x51a: {  	v10 =	vmul.f32 v47, v47;
	v7 =	vadd.f32 v7, v11;
	v4 =	vmul.f32 v48, v48  }
0x51b: {  	v59 =	vld [tilespmem:s23+$0x170];
	v8 =	vmul.f32 v53, v53;
	v6 =	vmul.f32 v54, v54  }
0x51c: {  	v7 =	vadd.f32 v10, v7;
	v9 =	vmul.f32 v55, v55;
	v12 =	vmul.f32 v56, v56  }
0x51d: {  	v5 =	vmul.f32 v57, v57;
	v60 =	vmul.f32 v15, v15;
	v6 =	vadd.f32 v6, v8  }
0x51e: {  	v9 =	vadd.f32 v12, v9;
	v61 =	vmul.f32 v14, v14;
	v11 =	vmul.f32 v58, v58  }
0x51f: {  	vm12 =	vgt.f32 v7, $5.551652910e+00;
	v4 =	vadd.f32 v13, v4;
	v5 =	vadd.f32 v5, v6  }
0x520: {  	[tilespmem:s21+$0xFFFFFFF0] =	vst v2;
	v63 =	vmul.f32 v59, v59;
	v2 =	vadd.f32 v60, v9;
	v62 =	vadd.f32 v11, v61  }
0x521: {  	[tilespmem:s20+$0x70] =	vst v1;
	v1 =	vsel vm12, $0x1, v0;
	v3 =	vadd.f32 v3, v4;
	vm13 =	vgt.f32 v5, $5.551652910e+00  }
0x522: {  	[tilespmem:s24+$0xF0] =	vst v1;
	vm1 =	vgt.f32 v2, $5.551652910e+00;
	v1 =	vsel vm13, $0x1, v0;
	v2 =	vadd.f32 v63, v62  }
0x523: {  	vm14 =	vgt.f32 v3, $5.551652910e+00;
	v3 =	vsel vm1, $0x1, v0;
	[tilespmem:s24+$0xFFFFFF70] =	vst v1  }
0x524: {  	v1 =	vsel vm14, $0x1, v0;
	[tilespmem:s24+$0xFFFFFFF0] =	vst v3;
	vm15 =	vgt.f32 v2, $5.551652910e+00  }
0x525: {  	[tilespmem:s21+$0x70] =	vst v1;
	v1 =	vsel vm15, $0x1, v0  }
0x526: {  	s19 =	sadd.s32 $0x1, s19;
	[tilespmem:s24+$0x70] =	vst v1  }
0x527: {  	[hbm4b:s8+s2] =	stream.linear.scatter [tilespmem:s14], [sflag:$0x3], $0x2000, $0x38;
	[tilespmem:$0x10000] =	vst v63  }
0x528: {  	p0 =	sne.s32 s19, s9;
	_ =	swait.ge [sflag:s18], $0x2000  }
.Ltmp3:
0x529: {  	[sflag:s18] =	ssyncset.done $0x0;
	(pc) =	sbr.rel @p0 .LBB2_1-.Ltmp3, $4  }
0x52a: {  	[sflag:s18] =	ssyncadd.s32 $0xFFFFE000  }
0x52b: {  	_ =	swait.ge [sflag:s17], $0x2000  }
0x52c: {  	[sflag:s17] =	ssyncset.done $0x0  }
0x52d: {  	[sflag:s17] =	ssyncadd.s32 $0xFFFFE000  }
0x52e: {  	_ =	sfence.sel $0x180000  }
0x52f: {  	[bflag:$0x0] =	sbarrier.arrive $0xFFFF  }
0x530: {  	p0 =	sne.s32 s0, $0x0;
	_ =	strace $0x90000047  }
0x531: {  	s0 =	sadd.s32 @!p0 $0x100000, s1;
	[bflag:$0x2] =	sbarrier.arrive $0xFFFF  }
0x532: {  	[sflag:s0] =	ssyncadd.tile.s32 @!p0 $0x1;
	_ =	shalt  }
.Lfunc_end2:
_tile_overlayer_lowered:
.L_overlay_start_2:
0x533: {  	(tag) =	ssettag $0x2  }
0x534: {  	s0 =	rddreg [dreg:$0x0];
	s2 =	stileid.u32  }
0x535: {  	s1 =	rddreg [dreg:$0x1];
	p0 =	sne.s32 s2, $0x0  }
0x536: {  	s3 =	rddreg [dreg:$0x2];
	[bflag:$0x3] =	sbarrier.arrive $0xFFFF;
	s2 =	simm.s32 @!p0 $0x1C05  }
0x537: {  	[timem:s3], [sflag:s2] =	dma.local @!p0 [hbm:s0], s1  }
0x538: {  	s0 =	simm.s32 @!p0 $0x5  }
0x539: {  	_ =	swait.ge @!p0 [sflag:s0], s1  }
0x53a: {  	s1 =	ssub.s32 @!p0 $0x0, s1;
	[sflag:s0] =	ssyncset.done @!p0 $0x0  }
0x53b: {  	[sflag:s0] =	ssyncadd.s32 @!p0 s1  }
0x53c: {  	[bflag:$0x3] =	sbarrier.arrive $0xFFFF  }
0x53d: {  	_ =	shalt  }

</sc_bundles>
